<compile_context>
chip_gen: v7x
topology: tpu7x:2x2x1
jax: 0.10.2.dev20260603
libtpu: 0.0.44.dev20260713+nightly
codegen_flags: <defaults>
</compile_context>

<pallas_src>
import jax
import jax.numpy as jnp
import numpy as np
from jax import lax
from jax.experimental import pallas as pl
from jax.experimental.pallas import tpu as pltpu
from jax.experimental.pallas import tpu_sc as plsc

R, C = 128, 32768
K = 64
NC, NS, LANES = 2, 16, 16
NW = NC * NS
ROWS_PER_W = R // NW
NV = C // LANES
HALF = C // 2
REG_B = HALF + LANES

_SIGN = np.uint32(0x80000000)
_ALL1 = np.uint32(0xFFFFFFFF)


def _process_row(xb, cand):
    G = 8

    def p1(i, accs):
        base = i * (LANES * G)
        return tuple(
            jnp.maximum(a, xb[pl.ds(base + g * LANES, LANES)])
            for g, a in enumerate(accs)
        )

    ninf = jnp.full((LANES,), -jnp.inf, jnp.float32)
    accs = lax.fori_loop(0, NV // G, p1, (ninf,) * G)
    m01 = jnp.minimum(jnp.minimum(accs[0], accs[1]),
                      jnp.minimum(accs[2], accs[3]))
    m23 = jnp.minimum(jnp.minimum(accs[4], accs[5]),
                      jnp.minimum(accs[6], accs[7]))
    lb = -jnp.max(-jnp.minimum(m01, m23))

    def p2(i, off):
        base = i * (LANES * G)
        vs = [xb[pl.ds(base + g * LANES, LANES)] for g in range(G)]
        ms = [v >= lb for v in vs]
        pcs = [plsc.all_reduce_population_count(m)[0] for m in ms]
        o = off
        for g in range(G):
            plsc.store_compressed(cand.at[pl.ds(o, LANES)], vs[g], mask=ms[g])
            o = o + pcs[g]
        return o

    cnt = lax.fori_loop(0, NV // G, p2, jnp.int32(0))
    nv = (cnt + LANES - 1) // LANES

    lane = lax.iota(jnp.int32, LANES)

    def conv(j, c2):
        v = cand[pl.ds(j * LANES, LANES)]
        su = plsc.bitcast(v, jnp.uint32)
        uk = su ^ jnp.where(v >= 0.0, _SIGN, _ALL1)
        uk = jnp.where(lane < (cnt - j * LANES), uk, jnp.uint32(0))
        cand[pl.ds(j * LANES, LANES)] = plsc.bitcast(uk, jnp.float32)
        return c2

    lax.fori_loop(0, nv, conv, 0)

    def bit_step(b, t):
        tc = t | lax.shift_left(np.uint32(1),
                                np.uint32(31) - b.astype(jnp.uint32))

        def cstep(j, acc):
            u = plsc.bitcast(cand[pl.ds(j * LANES, LANES)], jnp.uint32)
            return acc + (u >= tc).astype(jnp.int32)

        acc = lax.fori_loop(0, nv, cstep, jnp.zeros((LANES,), jnp.int32))
        return jnp.where(jnp.sum(acc) >= K, tc, t)

    t = lax.fori_loop(0, 32, bit_step, jnp.uint32(0))

    tv = jnp.full((LANES,), t, jnp.uint32)
    sv = jnp.where(tv < _SIGN, ~tv, tv ^ _SIGN)
    tf = plsc.bitcast(sv, jnp.float32)

    def p4(i, c2):
        base = i * (LANES * G)
        vs = [xb[pl.ds(base + g * LANES, LANES)] for g in range(G)]
        os_ = [jnp.where(v >= tf, jnp.maximum(v, 0.0), 0.0) for v in vs]
        for g in range(G):
            xb[pl.ds(base + g * LANES, LANES)] = os_[g]
        return c2

    lax.fori_loop(0, NV // G, p4, 0)


def _tec_body(x_hbm, out_hbm, xb0, xb1, cand, si0, si1, so0, so1):
    wid = lax.axis_index("s") * NC + lax.axis_index("c")
    r0 = wid * ROWS_PER_W
    bufs = (xb0, xb1)
    isems = (si0, si1)
    osems = (so0, so1)

    for k in range(ROWS_PER_W):
        xb = bufs[k % 2]
        pltpu.sync_copy(x_hbm.at[r0 + k], xb)
        _process_row(xb, cand)
        pltpu.sync_copy(xb, out_hbm.at[r0 + k])


@jax.jit
def kernel(x):
    f = pl.kernel(
        _tec_body,
        out_type=jax.ShapeDtypeStruct((R, C), jnp.float32),
        mesh=plsc.VectorSubcoreMesh(core_axis_name="c", subcore_axis_name="s"),
        compiler_params=pltpu.CompilerParams(needs_layout_passes=False),
        scratch_types=[
            pltpu.VMEM((C,), jnp.float32),
            pltpu.VMEM((C,), jnp.float32),
            pltpu.VMEM((C + 2 * LANES,), jnp.float32),
            pltpu.SemaphoreType.DMA,
            pltpu.SemaphoreType.DMA,
            pltpu.SemaphoreType.DMA,
            pltpu.SemaphoreType.DMA,
        ],
    )
    return f(x)

# --- scband reference (transcript-rebuilt; emitter-appended) ---
"""Pipeline reference for scband-top-k-48095043781296 (READ-ONLY COPY).

The authoritative reference and input builder live on the scoring server;
editing this copy changes nothing except your own understanding.
"""

import jax, jax.numpy as jnp
import numpy as np

K = 64

def setup_inputs(seed: int = 0) -> dict:
    key = jax.random.key(seed)
    x = jax.random.normal(key, (128, 32768), dtype=jnp.float32)
    return {"x": x}

def reference(x):
    topk_values, topk_indices = jax.lax.top_k(x, K)
    threshold = topk_values[..., -1:]
    mask = (x >= threshold).astype(jnp.float32)
    result = jax.nn.relu(x) * mask
    return result

if __name__ == "__main__":
    import jax
    _d = setup_inputs()
    print(jax.jit(kernel)(*tuple(_d.values())))

</pallas_src>

<mosaic_0001>
#map = affine_map<(d0, d1) -> (0, 0)>
module attributes {stable_mosaic.version = 14 : i64} {
  func.func @_tec_body(%arg0: i32, %arg1: i32, %arg2: memref<128x32768xf32, #tpu.memory_space<hbm>>, %arg3: memref<128x32768xf32, #tpu.memory_space<hbm>>, %arg4: memref<32768xf32, #tpu.memory_space<vmem>>, %arg5: memref<32768xf32, #tpu.memory_space<vmem>>, %arg6: memref<32800xf32, #tpu.memory_space<vmem>>, %arg7: memref<!tpu.dma_semaphore, #tpu.memory_space<semaphore_mem>>, %arg8: memref<!tpu.dma_semaphore, #tpu.memory_space<semaphore_mem>>, %arg9: memref<!tpu.dma_semaphore, #tpu.memory_space<semaphore_mem>>, %arg10: memref<!tpu.dma_semaphore, #tpu.memory_space<semaphore_mem>>) attributes {dimension_semantics = [#tpu.dimension_semantics<core_parallel>, #tpu.dimension_semantics<subcore_parallel>], iteration_bounds = array<i64: 2, 16>, scalar_prefetch = 0 : i64, scratch_operands = 7 : i64, tpu.core_type = #tpu.core_type<sc_vector_subcore>, window_params = [{transform_indices = #map}, {transform_indices = #map}]} {
    %mul3A = arith.constant 2 : i32
    %mul3A_0 = arith.muli %arg1, %mul3A : i32
    %add3A = arith.addi %mul3A_0, %arg0 : i32
    %mul3A_1 = arith.constant 4 : i32
    %mul3A_2 = arith.muli %add3A, %mul3A_1 : i32
    %add3A_3 = arith.constant 0 : i32
    %add3A_4 = arith.addi %mul3A_2, %add3A_3 : i32
    "tpu.region"() ({
      %run_scoped3A = tpu.sem_alloc : memref<!tpu.dma_semaphore, #tpu.memory_space<semaphore_mem>>
      %dma_start3A = arith.constant 0 : i32
      %dma_start3A_376 = tpu.memref_slice %arg2[%add3A_4, %dma_start3A] : memref<128x32768xf32, #tpu.memory_space<hbm>> -> memref<1x32768xf32, #tpu.memory_space<hbm>>
      %dma_start3A_377 = tpu.memref_squeeze %dma_start3A_376 : memref<1x32768xf32, #tpu.memory_space<hbm>> -> memref<32768xf32, #tpu.memory_space<hbm>>
      %dma_start3A_378 = arith.constant 0 : i32
      %dma_start3A_379 = tpu.memref_slice %arg2[%add3A_4, %dma_start3A_378] : memref<128x32768xf32, #tpu.memory_space<hbm>> -> memref<1x32768xf32, #tpu.memory_space<hbm>>
      %dma_start3A_380 = tpu.memref_squeeze %dma_start3A_379 : memref<1x32768xf32, #tpu.memory_space<hbm>> -> memref<32768xf32, #tpu.memory_space<hbm>>
      tpu.enqueue_dma source(%dma_start3A_380 : memref<32768xf32, #tpu.memory_space<hbm>>) target(%arg4 : memref<32768xf32, #tpu.memory_space<vmem>>) target_semaphore(%run_scoped3A : memref<!tpu.dma_semaphore, #tpu.memory_space<semaphore_mem>>)
      %dma_wait3A = arith.constant 0 : i32
      %dma_wait3A_381 = tpu.memref_slice %arg2[%add3A_4, %dma_wait3A] : memref<128x32768xf32, #tpu.memory_space<hbm>> -> memref<1x32768xf32, #tpu.memory_space<hbm>>
      %dma_wait3A_382 = tpu.memref_squeeze %dma_wait3A_381 : memref<1x32768xf32, #tpu.memory_space<hbm>> -> memref<32768xf32, #tpu.memory_space<hbm>>
      %dma_wait3A_383 = arith.constant 0 : i32
      %dma_wait3A_384 = tpu.memref_slice %arg2[%add3A_4, %dma_wait3A_383] : memref<128x32768xf32, #tpu.memory_space<hbm>> -> memref<1x32768xf32, #tpu.memory_space<hbm>>
      %dma_wait3A_385 = tpu.memref_squeeze %dma_wait3A_384 : memref<1x32768xf32, #tpu.memory_space<hbm>> -> memref<32768xf32, #tpu.memory_space<hbm>>
      tpu.wait_dma2 semaphore(%run_scoped3A : memref<!tpu.dma_semaphore, #tpu.memory_space<semaphore_mem>>) src(%dma_wait3A_385 : memref<32768xf32, #tpu.memory_space<hbm>>) dst(%arg4 : memref<32768xf32, #tpu.memory_space<vmem>>)
      tpu.yield
    }) : () -> ()
    %broadcast_in_dim3A = arith.constant 0xFF800000 : f32
    %broadcast_in_dim3A_5 = vector.broadcast %broadcast_in_dim3A : f32 to vector<16xf32>
    %scan3A = arith.constant 0 : i32
    %scan3A_6 = arith.constant 256 : i32
    %scan3A_7 = arith.addi %scan3A, %scan3A_6 : i32
    %scan3A_8 = arith.constant 1 : i32
    %scan3A_9:8 = scf.for %scan3A_376 = %scan3A to %scan3A_7 step %scan3A_8 iter_args(%scan3A_377 = %broadcast_in_dim3A_5, %scan3A_378 = %broadcast_in_dim3A_5, %scan3A_379 = %broadcast_in_dim3A_5, %scan3A_380 = %broadcast_in_dim3A_5, %scan3A_381 = %broadcast_in_dim3A_5, %scan3A_382 = %broadcast_in_dim3A_5, %scan3A_383 = %broadcast_in_dim3A_5, %scan3A_384 = %broadcast_in_dim3A_5) -> (vector<16xf32>, vector<16xf32>, vector<16xf32>, vector<16xf32>, vector<16xf32>, vector<16xf32>, vector<16xf32>, vector<16xf32>)  : i32 {
      %mul3A_385 = arith.constant 128 : i32
      %mul3A_386 = arith.muli %scan3A_376, %mul3A_385 : i32
      %add3A_387 = arith.constant 0 : i32
      %add3A_388 = arith.addi %mul3A_386, %add3A_387 : i32
      %get3A = arith.index_cast %add3A_388 : i32 to index
      %get3A_389 = tpu.vector_load %arg4[%get3A] {strides = array<i32>} : memref<32768xf32, #tpu.memory_space<vmem>>, vector<16xf32>,
      %max3A = arith.maximumf %scan3A_377, %get3A_389 : vector<16xf32>
      %add3A_390 = arith.constant 16 : i32
      %add3A_391 = arith.addi %mul3A_386, %add3A_390 : i32
      %get3A_392 = arith.index_cast %add3A_391 : i32 to index
      %get3A_393 = tpu.vector_load %arg4[%get3A_392] {strides = array<i32>} : memref<32768xf32, #tpu.memory_space<vmem>>, vector<16xf32>,
      %max3A_394 = arith.maximumf %scan3A_378, %get3A_393 : vector<16xf32>
      %add3A_395 = arith.constant 32 : i32
      %add3A_396 = arith.addi %mul3A_386, %add3A_395 : i32
      %get3A_397 = arith.index_cast %add3A_396 : i32 to index
      %get3A_398 = tpu.vector_load %arg4[%get3A_397] {strides = array<i32>} : memref<32768xf32, #tpu.memory_space<vmem>>, vector<16xf32>,
      %max3A_399 = arith.maximumf %scan3A_379, %get3A_398 : vector<16xf32>
      %add3A_400 = arith.constant 48 : i32
      %add3A_401 = arith.addi %mul3A_386, %add3A_400 : i32
      %get3A_402 = arith.index_cast %add3A_401 : i32 to index
      %get3A_403 = tpu.vector_load %arg4[%get3A_402] {strides = array<i32>} : memref<32768xf32, #tpu.memory_space<vmem>>, vector<16xf32>,
      %max3A_404 = arith.maximumf %scan3A_380, %get3A_403 : vector<16xf32>
      %add3A_405 = arith.constant 64 : i32
      %add3A_406 = arith.addi %mul3A_386, %add3A_405 : i32
      %get3A_407 = arith.index_cast %add3A_406 : i32 to index
      %get3A_408 = tpu.vector_load %arg4[%get3A_407] {strides = array<i32>} : memref<32768xf32, #tpu.memory_space<vmem>>, vector<16xf32>,
      %max3A_409 = arith.maximumf %scan3A_381, %get3A_408 : vector<16xf32>
      %add3A_410 = arith.constant 80 : i32
      %add3A_411 = arith.addi %mul3A_386, %add3A_410 : i32
      %get3A_412 = arith.index_cast %add3A_411 : i32 to index
      %get3A_413 = tpu.vector_load %arg4[%get3A_412] {strides = array<i32>} : memref<32768xf32, #tpu.memory_space<vmem>>, vector<16xf32>,
      %max3A_414 = arith.maximumf %scan3A_382, %get3A_413 : vector<16xf32>
      %add3A_415 = arith.constant 96 : i32
      %add3A_416 = arith.addi %mul3A_386, %add3A_415 : i32
      %get3A_417 = arith.index_cast %add3A_416 : i32 to index
      %get3A_418 = tpu.vector_load %arg4[%get3A_417] {strides = array<i32>} : memref<32768xf32, #tpu.memory_space<vmem>>, vector<16xf32>,
      %max3A_419 = arith.maximumf %scan3A_383, %get3A_418 : vector<16xf32>
      %add3A_420 = arith.constant 112 : i32
      %add3A_421 = arith.addi %mul3A_386, %add3A_420 : i32
      %get3A_422 = arith.index_cast %add3A_421 : i32 to index
      %get3A_423 = tpu.vector_load %arg4[%get3A_422] {strides = array<i32>} : memref<32768xf32, #tpu.memory_space<vmem>>, vector<16xf32>,
      %max3A_424 = arith.maximumf %scan3A_384, %get3A_423 : vector<16xf32>
      scf.yield %max3A, %max3A_394, %max3A_399, %max3A_404, %max3A_409, %max3A_414, %max3A_419, %max3A_424 : vector<16xf32>, vector<16xf32>, vector<16xf32>, vector<16xf32>, vector<16xf32>, vector<16xf32>, vector<16xf32>, vector<16xf32>
    }
    %scan3A_10 = arith.constant 256 : i32
    %min3A = arith.minimumf %scan3A_9#0, %scan3A_9#1 : vector<16xf32>
    %min3A_11 = arith.minimumf %scan3A_9#2, %scan3A_9#3 : vector<16xf32>
    %min3A_12 = arith.minimumf %min3A, %min3A_11 : vector<16xf32>
    %min3A_13 = arith.minimumf %scan3A_9#4, %scan3A_9#5 : vector<16xf32>
    %min3A_14 = arith.minimumf %scan3A_9#6, %scan3A_9#7 : vector<16xf32>
    %min3A_15 = arith.minimumf %min3A_13, %min3A_14 : vector<16xf32>
    %min3A_16 = arith.minimumf %min3A_12, %min3A_15 : vector<16xf32>
    %neg3A = arith.constant 0.000000e+00 : f32
    %neg3A_17 = vector.broadcast %neg3A : f32 to vector<16xf32>
    %neg3A_18 = arith.subf %neg3A_17, %min3A_16 : vector<16xf32>
    %reduce_max3A = arith.constant true
    %reduce_max3A_19 = vector.broadcast %reduce_max3A : i1 to vector<16xi1>
    %reduce_max3A_20 = tpu.scan <max>, %neg3A_18 masked %reduce_max3A_19 : vector<16xf32>, vector<16xi1> -> vector<16xf32>
    %reduce_max3A_21 = vector.extract %reduce_max3A_20[15] : f32 from vector<16xf32>
    %neg3A_22 = arith.constant 0.000000e+00 : f32
    %neg3A_23 = arith.subf %neg3A_22, %reduce_max3A_21 : f32
    %scan3A_24 = arith.constant 0 : i32
    %scan3A_25 = arith.constant 0 : i32
    %scan3A_26 = arith.constant 256 : i32
    %scan3A_27 = arith.addi %scan3A_25, %scan3A_26 : i32
    %scan3A_28 = arith.constant 1 : i32
    %scan3A_29 = scf.for %scan3A_376 = %scan3A_25 to %scan3A_27 step %scan3A_28 iter_args(%scan3A_377 = %scan3A_24) -> (i32)  : i32 {
      %mul3A_378 = arith.constant 128 : i32
      %mul3A_379 = arith.muli %scan3A_376, %mul3A_378 : i32
      %add3A_380 = arith.constant 0 : i32
      %add3A_381 = arith.addi %mul3A_379, %add3A_380 : i32
      %get3A = arith.index_cast %add3A_381 : i32 to index
      %get3A_382 = tpu.vector_load %arg4[%get3A] {strides = array<i32>} : memref<32768xf32, #tpu.memory_space<vmem>>, vector<16xf32>,
      %add3A_383 = arith.constant 16 : i32
      %add3A_384 = arith.addi %mul3A_379, %add3A_383 : i32
      %get3A_385 = arith.index_cast %add3A_384 : i32 to index
      %get3A_386 = tpu.vector_load %arg4[%get3A_385] {strides = array<i32>} : memref<32768xf32, #tpu.memory_space<vmem>>, vector<16xf32>,
      %add3A_387 = arith.constant 32 : i32
      %add3A_388 = arith.addi %mul3A_379, %add3A_387 : i32
      %get3A_389 = arith.index_cast %add3A_388 : i32 to index
      %get3A_390 = tpu.vector_load %arg4[%get3A_389] {strides = array<i32>} : memref<32768xf32, #tpu.memory_space<vmem>>, vector<16xf32>,
      %add3A_391 = arith.constant 48 : i32
      %add3A_392 = arith.addi %mul3A_379, %add3A_391 : i32
      %get3A_393 = arith.index_cast %add3A_392 : i32 to index
      %get3A_394 = tpu.vector_load %arg4[%get3A_393] {strides = array<i32>} : memref<32768xf32, #tpu.memory_space<vmem>>, vector<16xf32>,
      %add3A_395 = arith.constant 64 : i32
      %add3A_396 = arith.addi %mul3A_379, %add3A_395 : i32
      %get3A_397 = arith.index_cast %add3A_396 : i32 to index
      %get3A_398 = tpu.vector_load %arg4[%get3A_397] {strides = array<i32>} : memref<32768xf32, #tpu.memory_space<vmem>>, vector<16xf32>,
      %add3A_399 = arith.constant 80 : i32
      %add3A_400 = arith.addi %mul3A_379, %add3A_399 : i32
      %get3A_401 = arith.index_cast %add3A_400 : i32 to index
      %get3A_402 = tpu.vector_load %arg4[%get3A_401] {strides = array<i32>} : memref<32768xf32, #tpu.memory_space<vmem>>, vector<16xf32>,
      %add3A_403 = arith.constant 96 : i32
      %add3A_404 = arith.addi %mul3A_379, %add3A_403 : i32
      %get3A_405 = arith.index_cast %add3A_404 : i32 to index
      %get3A_406 = tpu.vector_load %arg4[%get3A_405] {strides = array<i32>} : memref<32768xf32, #tpu.memory_space<vmem>>, vector<16xf32>,
      %add3A_407 = arith.constant 112 : i32
      %add3A_408 = arith.addi %mul3A_379, %add3A_407 : i32
      %get3A_409 = arith.index_cast %add3A_408 : i32 to index
      %get3A_410 = tpu.vector_load %arg4[%get3A_409] {strides = array<i32>} : memref<32768xf32, #tpu.memory_space<vmem>>, vector<16xf32>,
      %ge3A = vector.broadcast %neg3A_23 : f32 to vector<16xf32>
      %ge3A_411 = arith.cmpf oge, %get3A_382, %ge3A : vector<16xf32>
      %ge3A_412 = vector.broadcast %neg3A_23 : f32 to vector<16xf32>
      %ge3A_413 = arith.cmpf oge, %get3A_386, %ge3A_412 : vector<16xf32>
      %ge3A_414 = vector.broadcast %neg3A_23 : f32 to vector<16xf32>
      %ge3A_415 = arith.cmpf oge, %get3A_390, %ge3A_414 : vector<16xf32>
      %ge3A_416 = vector.broadcast %neg3A_23 : f32 to vector<16xf32>
      %ge3A_417 = arith.cmpf oge, %get3A_394, %ge3A_416 : vector<16xf32>
      %ge3A_418 = vector.broadcast %neg3A_23 : f32 to vector<16xf32>
      %ge3A_419 = arith.cmpf oge, %get3A_398, %ge3A_418 : vector<16xf32>
      %ge3A_420 = vector.broadcast %neg3A_23 : f32 to vector<16xf32>
      %ge3A_421 = arith.cmpf oge, %get3A_402, %ge3A_420 : vector<16xf32>
      %ge3A_422 = vector.broadcast %neg3A_23 : f32 to vector<16xf32>
      %ge3A_423 = arith.cmpf oge, %get3A_406, %ge3A_422 : vector<16xf32>
      %ge3A_424 = vector.broadcast %neg3A_23 : f32 to vector<16xf32>
      %ge3A_425 = arith.cmpf oge, %get3A_410, %ge3A_424 : vector<16xf32>
      %all_reduce_population_count3A = tpu.all_reduce %ge3A_411 {dim = 0 : i64, kind = #tpu.reduction_kind<sum>} : vector<16xi1> -> vector<16xi32>
      %slice3A = vector.extract_strided_slice %all_reduce_population_count3A {offsets = [0], sizes = [1], strides = [1]} : vector<16xi32> to vector<1xi32>
      %squeeze3A = vector.extract %slice3A[0] : i32 from vector<1xi32>
      %all_reduce_population_count3A_426 = tpu.all_reduce %ge3A_413 {dim = 0 : i64, kind = #tpu.reduction_kind<sum>} : vector<16xi1> -> vector<16xi32>
      %slice3A_427 = vector.extract_strided_slice %all_reduce_population_count3A_426 {offsets = [0], sizes = [1], strides = [1]} : vector<16xi32> to vector<1xi32>
      %squeeze3A_428 = vector.extract %slice3A_427[0] : i32 from vector<1xi32>
      %all_reduce_population_count3A_429 = tpu.all_reduce %ge3A_415 {dim = 0 : i64, kind = #tpu.reduction_kind<sum>} : vector<16xi1> -> vector<16xi32>
      %slice3A_430 = vector.extract_strided_slice %all_reduce_population_count3A_429 {offsets = [0], sizes = [1], strides = [1]} : vector<16xi32> to vector<1xi32>
      %squeeze3A_431 = vector.extract %slice3A_430[0] : i32 from vector<1xi32>
      %all_reduce_population_count3A_432 = tpu.all_reduce %ge3A_417 {dim = 0 : i64, kind = #tpu.reduction_kind<sum>} : vector<16xi1> -> vector<16xi32>
      %slice3A_433 = vector.extract_strided_slice %all_reduce_population_count3A_432 {offsets = [0], sizes = [1], strides = [1]} : vector<16xi32> to vector<1xi32>
      %squeeze3A_434 = vector.extract %slice3A_433[0] : i32 from vector<1xi32>
      %all_reduce_population_count3A_435 = tpu.all_reduce %ge3A_419 {dim = 0 : i64, kind = #tpu.reduction_kind<sum>} : vector<16xi1> -> vector<16xi32>
      %slice3A_436 = vector.extract_strided_slice %all_reduce_population_count3A_435 {offsets = [0], sizes = [1], strides = [1]} : vector<16xi32> to vector<1xi32>
      %squeeze3A_437 = vector.extract %slice3A_436[0] : i32 from vector<1xi32>
      %all_reduce_population_count3A_438 = tpu.all_reduce %ge3A_421 {dim = 0 : i64, kind = #tpu.reduction_kind<sum>} : vector<16xi1> -> vector<16xi32>
      %slice3A_439 = vector.extract_strided_slice %all_reduce_population_count3A_438 {offsets = [0], sizes = [1], strides = [1]} : vector<16xi32> to vector<1xi32>
      %squeeze3A_440 = vector.extract %slice3A_439[0] : i32 from vector<1xi32>
      %all_reduce_population_count3A_441 = tpu.all_reduce %ge3A_423 {dim = 0 : i64, kind = #tpu.reduction_kind<sum>} : vector<16xi1> -> vector<16xi32>
      %slice3A_442 = vector.extract_strided_slice %all_reduce_population_count3A_441 {offsets = [0], sizes = [1], strides = [1]} : vector<16xi32> to vector<1xi32>
      %squeeze3A_443 = vector.extract %slice3A_442[0] : i32 from vector<1xi32>
      %all_reduce_population_count3A_444 = tpu.all_reduce %ge3A_425 {dim = 0 : i64, kind = #tpu.reduction_kind<sum>} : vector<16xi1> -> vector<16xi32>
      %slice3A_445 = vector.extract_strided_slice %all_reduce_population_count3A_444 {offsets = [0], sizes = [1], strides = [1]} : vector<16xi32> to vector<1xi32>
      %squeeze3A_446 = vector.extract %slice3A_445[0] : i32 from vector<1xi32>
      %swap3A = arith.index_cast %scan3A_377 : i32 to index
      %swap3A_447 = tpu.vector_load %arg6[%swap3A] masked %ge3A_411 {strides = array<i32>} : memref<32800xf32, #tpu.memory_space<vmem>>, vector<16xf32>, vector<16xi1>
      tpu.vector_store %arg6[%swap3A], %get3A_382 masked %ge3A_411 {strides = array<i32>} : memref<32800xf32, #tpu.memory_space<vmem>>, vector<16xf32>, vector<16xi1>
      %add3A_448 = arith.addi %scan3A_377, %squeeze3A : i32
      %swap3A_449 = arith.index_cast %add3A_448 : i32 to index
      %swap3A_450 = tpu.vector_load %arg6[%swap3A_449] masked %ge3A_413 {strides = array<i32>} : memref<32800xf32, #tpu.memory_space<vmem>>, vector<16xf32>, vector<16xi1>
      tpu.vector_store %arg6[%swap3A_449], %get3A_386 masked %ge3A_413 {strides = array<i32>} : memref<32800xf32, #tpu.memory_space<vmem>>, vector<16xf32>, vector<16xi1>
      %add3A_451 = arith.addi %add3A_448, %squeeze3A_428 : i32
      %swap3A_452 = arith.index_cast %add3A_451 : i32 to index
      %swap3A_453 = tpu.vector_load %arg6[%swap3A_452] masked %ge3A_415 {strides = array<i32>} : memref<32800xf32, #tpu.memory_space<vmem>>, vector<16xf32>, vector<16xi1>
      tpu.vector_store %arg6[%swap3A_452], %get3A_390 masked %ge3A_415 {strides = array<i32>} : memref<32800xf32, #tpu.memory_space<vmem>>, vector<16xf32>, vector<16xi1>
      %add3A_454 = arith.addi %add3A_451, %squeeze3A_431 : i32
      %swap3A_455 = arith.index_cast %add3A_454 : i32 to index
      %swap3A_456 = tpu.vector_load %arg6[%swap3A_455] masked %ge3A_417 {strides = array<i32>} : memref<32800xf32, #tpu.memory_space<vmem>>, vector<16xf32>, vector<16xi1>
      tpu.vector_store %arg6[%swap3A_455], %get3A_394 masked %ge3A_417 {strides = array<i32>} : memref<32800xf32, #tpu.memory_space<vmem>>, vector<16xf32>, vector<16xi1>
      %add3A_457 = arith.addi %add3A_454, %squeeze3A_434 : i32
      %swap3A_458 = arith.index_cast %add3A_457 : i32 to index
      %swap3A_459 = tpu.vector_load %arg6[%swap3A_458] masked %ge3A_419 {strides = array<i32>} : memref<32800xf32, #tpu.memory_space<vmem>>, vector<16xf32>, vector<16xi1>
      tpu.vector_store %arg6[%swap3A_458], %get3A_398 masked %ge3A_419 {strides = array<i32>} : memref<32800xf32, #tpu.memory_space<vmem>>, vector<16xf32>, vector<16xi1>
      %add3A_460 = arith.addi %add3A_457, %squeeze3A_437 : i32
      %swap3A_461 = arith.index_cast %add3A_460 : i32 to index
      %swap3A_462 = tpu.vector_load %arg6[%swap3A_461] masked %ge3A_421 {strides = array<i32>} : memref<32800xf32, #tpu.memory_space<vmem>>, vector<16xf32>, vector<16xi1>
      tpu.vector_store %arg6[%swap3A_461], %get3A_402 masked %ge3A_421 {strides = array<i32>} : memref<32800xf32, #tpu.memory_space<vmem>>, vector<16xf32>, vector<16xi1>
      %add3A_463 = arith.addi %add3A_460, %squeeze3A_440 : i32
      %swap3A_464 = arith.index_cast %add3A_463 : i32 to index
      %swap3A_465 = tpu.vector_load %arg6[%swap3A_464] masked %ge3A_423 {strides = array<i32>} : memref<32800xf32, #tpu.memory_space<vmem>>, vector<16xf32>, vector<16xi1>
      tpu.vector_store %arg6[%swap3A_464], %get3A_406 masked %ge3A_423 {strides = array<i32>} : memref<32800xf32, #tpu.memory_space<vmem>>, vector<16xf32>, vector<16xi1>
      %add3A_466 = arith.addi %add3A_463, %squeeze3A_443 : i32
      %swap3A_467 = arith.index_cast %add3A_466 : i32 to index
      %swap3A_468 = tpu.vector_load %arg6[%swap3A_467] masked %ge3A_425 {strides = array<i32>} : memref<32800xf32, #tpu.memory_space<vmem>>, vector<16xf32>, vector<16xi1>
      tpu.vector_store %arg6[%swap3A_467], %get3A_410 masked %ge3A_425 {strides = array<i32>} : memref<32800xf32, #tpu.memory_space<vmem>>, vector<16xf32>, vector<16xi1>
      %add3A_469 = arith.addi %add3A_466, %squeeze3A_446 : i32
      scf.yield %add3A_469 : i32
    }
    %scan3A_30 = arith.constant 256 : i32
    %add3A_31 = arith.constant 16 : i32
    %add3A_32 = arith.addi %scan3A_29, %add3A_31 : i32
    %sub3A = arith.constant 1 : i32
    %sub3A_33 = arith.subi %add3A_32, %sub3A : i32
    %jit3A = arith.constant 16 : i32
    %div3A = arith.divsi %sub3A_33, %jit3A : i32
    %sign3A = arith.constant 0 : i32
    %sign3A_34 = arith.cmpi sgt, %sub3A_33, %sign3A : i32
    %sign3A_35 = arith.extui %sign3A_34 : i1 to i32
    %sign3A_36 = arith.constant 0 : i32
    %sign3A_37 = arith.cmpi slt, %sub3A_33, %sign3A_36 : i32
    %sign3A_38 = arith.extui %sign3A_37 : i1 to i32
    %sign3A_39 = arith.subi %sign3A_35, %sign3A_38 : i32
    %sign3A_40 = arith.constant 0 : i32
    %sign3A_41 = arith.cmpi sgt, %jit3A, %sign3A_40 : i32
    %sign3A_42 = arith.extui %sign3A_41 : i1 to i32
    %sign3A_43 = arith.constant 0 : i32
    %sign3A_44 = arith.cmpi slt, %jit3A, %sign3A_43 : i32
    %sign3A_45 = arith.extui %sign3A_44 : i1 to i32
    %sign3A_46 = arith.subi %sign3A_42, %sign3A_45 : i32
    %ne3A = arith.cmpi ne, %sign3A_39, %sign3A_46 : i32
    %rem3A = arith.remsi %sub3A_33, %jit3A : i32
    %ne3A_47 = arith.constant 0 : i32
    %ne3A_48 = arith.cmpi ne, %rem3A, %ne3A_47 : i32
    %and3A = arith.andi %ne3A, %ne3A_48 : i1
    %sub3A_49 = arith.constant 1 : i32
    %sub3A_50 = arith.subi %div3A, %sub3A_49 : i32
    %select_n3A = arith.select %and3A, %sub3A_50, %div3A : i32
    %iota3A = tpu.iota {dimensions = array<i32: 0>} : vector<16xi32>
    %while3A = arith.constant 0 : i32
    %while3A_51 = arith.constant 0 : i32
    %while3A_52 = arith.subi %select_n3A, %while3A_51 : i32
    %while3A_53 = arith.addi %while3A_51, %while3A_52 : i32
    %while3A_54 = arith.constant 1 : i32
    %while3A_55 = arith.divsi %while3A_52, %while3A_54 : i32
    %while3A_56 = arith.muli %while3A_55, %while3A_54 : i32
    %while3A_57 = arith.addi %while3A_51, %while3A_56 : i32
    %while3A_58 = arith.constant 1 : i32
    scf.for %while3A_376 = %while3A_51 to %while3A_57 step %while3A_58  : i32 {
      %mul3A_377 = arith.constant 16 : i32
      %mul3A_378 = arith.muli %while3A_376, %mul3A_377 : i32
      %get3A = arith.index_cast %mul3A_378 : i32 to index
      %get3A_379 = tpu.vector_load %arg6[%get3A] {strides = array<i32>} : memref<32800xf32, #tpu.memory_space<vmem>>, vector<16xf32>,
      %bitcast3A_380 = vector.bitcast %get3A_379 : vector<16xf32> to vector<16xi32>
      %ge3A = arith.constant 0.000000e+00 : f32
      %ge3A_381 = vector.broadcast %ge3A : f32 to vector<16xf32>
      %ge3A_382 = arith.cmpf oge, %get3A_379, %ge3A_381 : vector<16xf32>
      %jit3A_383 = arith.constant -2147483648 : i32
      %jit3A_384 = arith.constant -1 : i32
      %broadcast_in_dim3A_385 = vector.broadcast %jit3A_383 : i32 to vector<16xi32>
      %broadcast_in_dim3A_386 = vector.broadcast %jit3A_384 : i32 to vector<16xi32>
      %select_n3A_387 = arith.select %ge3A_382, %broadcast_in_dim3A_385, %broadcast_in_dim3A_386 : vector<16xi1>, vector<16xi32>
      %xor3A_388 = arith.xori %bitcast3A_380, %select_n3A_387 : vector<16xi32>
      %mul3A_389 = arith.constant 16 : i32
      %mul3A_390 = arith.muli %while3A_376, %mul3A_389 : i32
      %sub3A_391 = arith.subi %scan3A_29, %mul3A_390 : i32
      %lt3A_392 = vector.broadcast %sub3A_391 : i32 to vector<16xi32>
      %lt3A_393 = arith.cmpi slt, %iota3A, %lt3A_392 : vector<16xi32>
      %jit3A_394 = arith.constant 0 : i32
      %broadcast_in_dim3A_395 = vector.broadcast %jit3A_394 : i32 to vector<16xi32>
      %select_n3A_396 = arith.select %lt3A_393, %xor3A_388, %broadcast_in_dim3A_395 : vector<16xi1>, vector<16xi32>
      %bitcast3A_397 = vector.bitcast %select_n3A_396 : vector<16xi32> to vector<16xf32>
      %mul3A_398 = arith.constant 16 : i32
      %mul3A_399 = arith.muli %while3A_376, %mul3A_398 : i32
      %swap3A = arith.index_cast %mul3A_399 : i32 to index
      %swap3A_400 = tpu.vector_load %arg6[%swap3A] {strides = array<i32>} : memref<32800xf32, #tpu.memory_space<vmem>>, vector<16xf32>,
      tpu.vector_store %arg6[%swap3A], %bitcast3A_397 {strides = array<i32>} : memref<32800xf32, #tpu.memory_space<vmem>>, vector<16xf32>,
    }
    %while3A_59 = arith.constant 1 : i32
    scf.for %while3A_376 = %while3A_57 to %while3A_53 step %while3A_59  : i32 {
      %mul3A_377 = arith.constant 16 : i32
      %mul3A_378 = arith.muli %while3A_376, %mul3A_377 : i32
      %get3A = arith.index_cast %mul3A_378 : i32 to index
      %get3A_379 = tpu.vector_load %arg6[%get3A] {strides = array<i32>} : memref<32800xf32, #tpu.memory_space<vmem>>, vector<16xf32>,
      %bitcast3A_380 = vector.bitcast %get3A_379 : vector<16xf32> to vector<16xi32>
      %ge3A = arith.constant 0.000000e+00 : f32
      %ge3A_381 = vector.broadcast %ge3A : f32 to vector<16xf32>
      %ge3A_382 = arith.cmpf oge, %get3A_379, %ge3A_381 : vector<16xf32>
      %jit3A_383 = arith.constant -2147483648 : i32
      %jit3A_384 = arith.constant -1 : i32
      %broadcast_in_dim3A_385 = vector.broadcast %jit3A_383 : i32 to vector<16xi32>
      %broadcast_in_dim3A_386 = vector.broadcast %jit3A_384 : i32 to vector<16xi32>
      %select_n3A_387 = arith.select %ge3A_382, %broadcast_in_dim3A_385, %broadcast_in_dim3A_386 : vector<16xi1>, vector<16xi32>
      %xor3A_388 = arith.xori %bitcast3A_380, %select_n3A_387 : vector<16xi32>
      %mul3A_389 = arith.constant 16 : i32
      %mul3A_390 = arith.muli %while3A_376, %mul3A_389 : i32
      %sub3A_391 = arith.subi %scan3A_29, %mul3A_390 : i32
      %lt3A_392 = vector.broadcast %sub3A_391 : i32 to vector<16xi32>
      %lt3A_393 = arith.cmpi slt, %iota3A, %lt3A_392 : vector<16xi32>
      %jit3A_394 = arith.constant 0 : i32
      %broadcast_in_dim3A_395 = vector.broadcast %jit3A_394 : i32 to vector<16xi32>
      %select_n3A_396 = arith.select %lt3A_393, %xor3A_388, %broadcast_in_dim3A_395 : vector<16xi1>, vector<16xi32>
      %bitcast3A_397 = vector.bitcast %select_n3A_396 : vector<16xi32> to vector<16xf32>
      %mul3A_398 = arith.constant 16 : i32
      %mul3A_399 = arith.muli %while3A_376, %mul3A_398 : i32
      %swap3A = arith.index_cast %mul3A_399 : i32 to index
      %swap3A_400 = tpu.vector_load %arg6[%swap3A] {strides = array<i32>} : memref<32800xf32, #tpu.memory_space<vmem>>, vector<16xf32>,
      tpu.vector_store %arg6[%swap3A], %bitcast3A_397 {strides = array<i32>} : memref<32800xf32, #tpu.memory_space<vmem>>, vector<16xf32>,
    }
    %scan3A_60 = arith.constant 0 : i32
    %scan3A_61 = arith.constant 0 : i32
    %scan3A_62 = arith.constant 32 : i32
    %scan3A_63 = arith.addi %scan3A_61, %scan3A_62 : i32
    %scan3A_64 = arith.constant 1 : i32
    %scan3A_65 = scf.for %scan3A_376 = %scan3A_61 to %scan3A_63 step %scan3A_64 iter_args(%scan3A_377 = %scan3A_60) -> (i32)  : i32 {
      %sub3A_378 = arith.constant 31 : i32
      %sub3A_379 = arith.subi %sub3A_378, %scan3A_376 : i32
      %shift_left3A = arith.constant 1 : i32
      %shift_left3A_380 = arith.shli %shift_left3A, %sub3A_379 : i32
      %or3A = arith.ori %scan3A_377, %shift_left3A_380 : i32
      %broadcast_in_dim3A_381 = arith.constant 0 : i32
      %broadcast_in_dim3A_382 = vector.broadcast %broadcast_in_dim3A_381 : i32 to vector<16xi32>
      %while3A_383 = arith.constant 0 : i32
      %while3A_384 = arith.subi %select_n3A, %while3A_383 : i32
      %while3A_385 = arith.addi %while3A_383, %while3A_384 : i32
      %while3A_386 = arith.constant 1 : i32
      %while3A_387 = arith.divsi %while3A_384, %while3A_386 : i32
      %while3A_388 = arith.muli %while3A_387, %while3A_386 : i32
      %while3A_389 = arith.addi %while3A_383, %while3A_388 : i32
      %while3A_390 = arith.constant 1 : i32
      %while3A_391 = scf.for %while3A_399 = %while3A_383 to %while3A_389 step %while3A_390 iter_args(%while3A_400 = %broadcast_in_dim3A_382) -> (vector<16xi32>)  : i32 {
        %mul3A_401 = arith.constant 16 : i32
        %mul3A_402 = arith.muli %while3A_399, %mul3A_401 : i32
        %get3A = arith.index_cast %mul3A_402 : i32 to index
        %get3A_403 = tpu.vector_load %arg6[%get3A] {strides = array<i32>} : memref<32800xf32, #tpu.memory_space<vmem>>, vector<16xf32>,
        %bitcast3A_404 = vector.bitcast %get3A_403 : vector<16xf32> to vector<16xi32>
        %ge3A_405 = vector.broadcast %or3A : i32 to vector<16xi32>
        %ge3A_406 = arith.cmpi uge, %bitcast3A_404, %ge3A_405 : vector<16xi32>
        %convert_element_type3A = arith.extui %ge3A_406 : vector<16xi1> to vector<16xi32>
        %add3A_407 = arith.addi %while3A_400, %convert_element_type3A : vector<16xi32>
        scf.yield %add3A_407 : vector<16xi32>
      }
      %while3A_392 = arith.constant 1 : i32
      %while3A_393 = scf.for %while3A_399 = %while3A_389 to %while3A_385 step %while3A_392 iter_args(%while3A_400 = %while3A_391) -> (vector<16xi32>)  : i32 {
        %mul3A_401 = arith.constant 16 : i32
        %mul3A_402 = arith.muli %while3A_399, %mul3A_401 : i32
        %get3A = arith.index_cast %mul3A_402 : i32 to index
        %get3A_403 = tpu.vector_load %arg6[%get3A] {strides = array<i32>} : memref<32800xf32, #tpu.memory_space<vmem>>, vector<16xf32>,
        %bitcast3A_404 = vector.bitcast %get3A_403 : vector<16xf32> to vector<16xi32>
        %ge3A_405 = vector.broadcast %or3A : i32 to vector<16xi32>
        %ge3A_406 = arith.cmpi uge, %bitcast3A_404, %ge3A_405 : vector<16xi32>
        %convert_element_type3A = arith.extui %ge3A_406 : vector<16xi1> to vector<16xi32>
        %add3A_407 = arith.addi %while3A_400, %convert_element_type3A : vector<16xi32>
        scf.yield %add3A_407 : vector<16xi32>
      }
      %reduce_sum3A = arith.constant true
      %reduce_sum3A_394 = vector.broadcast %reduce_sum3A : i1 to vector<16xi1>
      %reduce_sum3A_395 = tpu.scan <sum>, %while3A_393 masked %reduce_sum3A_394 : vector<16xi32>, vector<16xi1> -> vector<16xi32>
      %reduce_sum3A_396 = vector.extract %reduce_sum3A_395[15] : i32 from vector<16xi32>
      %ge3A = arith.constant 64 : i32
      %ge3A_397 = arith.cmpi sge, %reduce_sum3A_396, %ge3A : i32
      %select_n3A_398 = arith.select %ge3A_397, %or3A, %scan3A_377 : i32
      scf.yield %select_n3A_398 : i32
    }
    %scan3A_66 = arith.constant 32 : i32
    %broadcast_in_dim3A_67 = vector.broadcast %scan3A_65 : i32 to vector<16xi32>
    %lt3A = arith.constant -2147483648 : i32
    %lt3A_68 = vector.broadcast %lt3A : i32 to vector<16xi32>
    %lt3A_69 = arith.cmpi ult, %broadcast_in_dim3A_67, %lt3A_68 : vector<16xi32>
    %not3A = arith.constant dense<-1> : vector<16xi32>
    %not3A_70 = arith.xori %broadcast_in_dim3A_67, %not3A : vector<16xi32>
    %xor3A = arith.constant -2147483648 : i32
    %xor3A_71 = vector.broadcast %xor3A : i32 to vector<16xi32>
    %xor3A_72 = arith.xori %broadcast_in_dim3A_67, %xor3A_71 : vector<16xi32>
    %select_n3A_73 = arith.select %lt3A_69, %not3A_70, %xor3A_72 : vector<16xi1>, vector<16xi32>
    %bitcast3A = vector.bitcast %select_n3A_73 : vector<16xi32> to vector<16xf32>
    %scan3A_74 = arith.constant 0 : i32
    %scan3A_75 = arith.constant 0 : i32
    %scan3A_76 = arith.constant 256 : i32
    %scan3A_77 = arith.addi %scan3A_75, %scan3A_76 : i32
    %scan3A_78 = arith.constant 1 : i32
    scf.for %scan3A_376 = %scan3A_75 to %scan3A_77 step %scan3A_78  : i32 {
      %mul3A_377 = arith.constant 128 : i32
      %mul3A_378 = arith.muli %scan3A_376, %mul3A_377 : i32
      %add3A_379 = arith.constant 0 : i32
      %add3A_380 = arith.addi %mul3A_378, %add3A_379 : i32
      %get3A = arith.index_cast %add3A_380 : i32 to index
      %get3A_381 = tpu.vector_load %arg4[%get3A] {strides = array<i32>} : memref<32768xf32, #tpu.memory_space<vmem>>, vector<16xf32>,
      %add3A_382 = arith.constant 16 : i32
      %add3A_383 = arith.addi %mul3A_378, %add3A_382 : i32
      %get3A_384 = arith.index_cast %add3A_383 : i32 to index
      %get3A_385 = tpu.vector_load %arg4[%get3A_384] {strides = array<i32>} : memref<32768xf32, #tpu.memory_space<vmem>>, vector<16xf32>,
      %add3A_386 = arith.constant 32 : i32
      %add3A_387 = arith.addi %mul3A_378, %add3A_386 : i32
      %get3A_388 = arith.index_cast %add3A_387 : i32 to index
      %get3A_389 = tpu.vector_load %arg4[%get3A_388] {strides = array<i32>} : memref<32768xf32, #tpu.memory_space<vmem>>, vector<16xf32>,
      %add3A_390 = arith.constant 48 : i32
      %add3A_391 = arith.addi %mul3A_378, %add3A_390 : i32
      %get3A_392 = arith.index_cast %add3A_391 : i32 to index
      %get3A_393 = tpu.vector_load %arg4[%get3A_392] {strides = array<i32>} : memref<32768xf32, #tpu.memory_space<vmem>>, vector<16xf32>,
      %add3A_394 = arith.constant 64 : i32
      %add3A_395 = arith.addi %mul3A_378, %add3A_394 : i32
      %get3A_396 = arith.index_cast %add3A_395 : i32 to index
      %get3A_397 = tpu.vector_load %arg4[%get3A_396] {strides = array<i32>} : memref<32768xf32, #tpu.memory_space<vmem>>, vector<16xf32>,
      %add3A_398 = arith.constant 80 : i32
      %add3A_399 = arith.addi %mul3A_378, %add3A_398 : i32
      %get3A_400 = arith.index_cast %add3A_399 : i32 to index
      %get3A_401 = tpu.vector_load %arg4[%get3A_400] {strides = array<i32>} : memref<32768xf32, #tpu.memory_space<vmem>>, vector<16xf32>,
      %add3A_402 = arith.constant 96 : i32
      %add3A_403 = arith.addi %mul3A_378, %add3A_402 : i32
      %get3A_404 = arith.index_cast %add3A_403 : i32 to index
      %get3A_405 = tpu.vector_load %arg4[%get3A_404] {strides = array<i32>} : memref<32768xf32, #tpu.memory_space<vmem>>, vector<16xf32>,
      %add3A_406 = arith.constant 112 : i32
      %add3A_407 = arith.addi %mul3A_378, %add3A_406 : i32
      %get3A_408 = arith.index_cast %add3A_407 : i32 to index
      %get3A_409 = tpu.vector_load %arg4[%get3A_408] {strides = array<i32>} : memref<32768xf32, #tpu.memory_space<vmem>>, vector<16xf32>,
      %ge3A = arith.cmpf oge, %get3A_381, %bitcast3A : vector<16xf32>
      %max3A = arith.constant 0.000000e+00 : f32
      %max3A_410 = vector.broadcast %max3A : f32 to vector<16xf32>
      %max3A_411 = arith.maximumf %get3A_381, %max3A_410 : vector<16xf32>
      %jit3A_412 = arith.constant 0.000000e+00 : f32
      %broadcast_in_dim3A_413 = vector.broadcast %jit3A_412 : f32 to vector<16xf32>
      %select_n3A_414 = arith.select %ge3A, %max3A_411, %broadcast_in_dim3A_413 : vector<16xi1>, vector<16xf32>
      %ge3A_415 = arith.cmpf oge, %get3A_385, %bitcast3A : vector<16xf32>
      %max3A_416 = arith.constant 0.000000e+00 : f32
      %max3A_417 = vector.broadcast %max3A_416 : f32 to vector<16xf32>
      %max3A_418 = arith.maximumf %get3A_385, %max3A_417 : vector<16xf32>
      %jit3A_419 = arith.constant 0.000000e+00 : f32
      %broadcast_in_dim3A_420 = vector.broadcast %jit3A_419 : f32 to vector<16xf32>
      %select_n3A_421 = arith.select %ge3A_415, %max3A_418, %broadcast_in_dim3A_420 : vector<16xi1>, vector<16xf32>
      %ge3A_422 = arith.cmpf oge, %get3A_389, %bitcast3A : vector<16xf32>
      %max3A_423 = arith.constant 0.000000e+00 : f32
      %max3A_424 = vector.broadcast %max3A_423 : f32 to vector<16xf32>
      %max3A_425 = arith.maximumf %get3A_389, %max3A_424 : vector<16xf32>
      %jit3A_426 = arith.constant 0.000000e+00 : f32
      %broadcast_in_dim3A_427 = vector.broadcast %jit3A_426 : f32 to vector<16xf32>
      %select_n3A_428 = arith.select %ge3A_422, %max3A_425, %broadcast_in_dim3A_427 : vector<16xi1>, vector<16xf32>
      %ge3A_429 = arith.cmpf oge, %get3A_393, %bitcast3A : vector<16xf32>
      %max3A_430 = arith.constant 0.000000e+00 : f32
      %max3A_431 = vector.broadcast %max3A_430 : f32 to vector<16xf32>
      %max3A_432 = arith.maximumf %get3A_393, %max3A_431 : vector<16xf32>
      %jit3A_433 = arith.constant 0.000000e+00 : f32
      %broadcast_in_dim3A_434 = vector.broadcast %jit3A_433 : f32 to vector<16xf32>
      %select_n3A_435 = arith.select %ge3A_429, %max3A_432, %broadcast_in_dim3A_434 : vector<16xi1>, vector<16xf32>
      %ge3A_436 = arith.cmpf oge, %get3A_397, %bitcast3A : vector<16xf32>
      %max3A_437 = arith.constant 0.000000e+00 : f32
      %max3A_438 = vector.broadcast %max3A_437 : f32 to vector<16xf32>
      %max3A_439 = arith.maximumf %get3A_397, %max3A_438 : vector<16xf32>
      %jit3A_440 = arith.constant 0.000000e+00 : f32
      %broadcast_in_dim3A_441 = vector.broadcast %jit3A_440 : f32 to vector<16xf32>
      %select_n3A_442 = arith.select %ge3A_436, %max3A_439, %broadcast_in_dim3A_441 : vector<16xi1>, vector<16xf32>
      %ge3A_443 = arith.cmpf oge, %get3A_401, %bitcast3A : vector<16xf32>
      %max3A_444 = arith.constant 0.000000e+00 : f32
      %max3A_445 = vector.broadcast %max3A_444 : f32 to vector<16xf32>
      %max3A_446 = arith.maximumf %get3A_401, %max3A_445 : vector<16xf32>
      %jit3A_447 = arith.constant 0.000000e+00 : f32
      %broadcast_in_dim3A_448 = vector.broadcast %jit3A_447 : f32 to vector<16xf32>
      %select_n3A_449 = arith.select %ge3A_443, %max3A_446, %broadcast_in_dim3A_448 : vector<16xi1>, vector<16xf32>
      %ge3A_450 = arith.cmpf oge, %get3A_405, %bitcast3A : vector<16xf32>
      %max3A_451 = arith.constant 0.000000e+00 : f32
      %max3A_452 = vector.broadcast %max3A_451 : f32 to vector<16xf32>
      %max3A_453 = arith.maximumf %get3A_405, %max3A_452 : vector<16xf32>
      %jit3A_454 = arith.constant 0.000000e+00 : f32
      %broadcast_in_dim3A_455 = vector.broadcast %jit3A_454 : f32 to vector<16xf32>
      %select_n3A_456 = arith.select %ge3A_450, %max3A_453, %broadcast_in_dim3A_455 : vector<16xi1>, vector<16xf32>
      %ge3A_457 = arith.cmpf oge, %get3A_409, %bitcast3A : vector<16xf32>
      %max3A_458 = arith.constant 0.000000e+00 : f32
      %max3A_459 = vector.broadcast %max3A_458 : f32 to vector<16xf32>
      %max3A_460 = arith.maximumf %get3A_409, %max3A_459 : vector<16xf32>
      %jit3A_461 = arith.constant 0.000000e+00 : f32
      %broadcast_in_dim3A_462 = vector.broadcast %jit3A_461 : f32 to vector<16xf32>
      %select_n3A_463 = arith.select %ge3A_457, %max3A_460, %broadcast_in_dim3A_462 : vector<16xi1>, vector<16xf32>
      %add3A_464 = arith.constant 0 : i32
      %add3A_465 = arith.addi %mul3A_378, %add3A_464 : i32
      %swap3A = arith.index_cast %add3A_465 : i32 to index
      %swap3A_466 = tpu.vector_load %arg4[%swap3A] {strides = array<i32>} : memref<32768xf32, #tpu.memory_space<vmem>>, vector<16xf32>,
      tpu.vector_store %arg4[%swap3A], %select_n3A_414 {strides = array<i32>} : memref<32768xf32, #tpu.memory_space<vmem>>, vector<16xf32>,
      %add3A_467 = arith.constant 16 : i32
      %add3A_468 = arith.addi %mul3A_378, %add3A_467 : i32
      %swap3A_469 = arith.index_cast %add3A_468 : i32 to index
      %swap3A_470 = tpu.vector_load %arg4[%swap3A_469] {strides = array<i32>} : memref<32768xf32, #tpu.memory_space<vmem>>, vector<16xf32>,
      tpu.vector_store %arg4[%swap3A_469], %select_n3A_421 {strides = array<i32>} : memref<32768xf32, #tpu.memory_space<vmem>>, vector<16xf32>,
      %add3A_471 = arith.constant 32 : i32
      %add3A_472 = arith.addi %mul3A_378, %add3A_471 : i32
      %swap3A_473 = arith.index_cast %add3A_472 : i32 to index
      %swap3A_474 = tpu.vector_load %arg4[%swap3A_473] {strides = array<i32>} : memref<32768xf32, #tpu.memory_space<vmem>>, vector<16xf32>,
      tpu.vector_store %arg4[%swap3A_473], %select_n3A_428 {strides = array<i32>} : memref<32768xf32, #tpu.memory_space<vmem>>, vector<16xf32>,
      %add3A_475 = arith.constant 48 : i32
      %add3A_476 = arith.addi %mul3A_378, %add3A_475 : i32
      %swap3A_477 = arith.index_cast %add3A_476 : i32 to index
      %swap3A_478 = tpu.vector_load %arg4[%swap3A_477] {strides = array<i32>} : memref<32768xf32, #tpu.memory_space<vmem>>, vector<16xf32>,
      tpu.vector_store %arg4[%swap3A_477], %select_n3A_435 {strides = array<i32>} : memref<32768xf32, #tpu.memory_space<vmem>>, vector<16xf32>,
      %add3A_479 = arith.constant 64 : i32
      %add3A_480 = arith.addi %mul3A_378, %add3A_479 : i32
      %swap3A_481 = arith.index_cast %add3A_480 : i32 to index
      %swap3A_482 = tpu.vector_load %arg4[%swap3A_481] {strides = array<i32>} : memref<32768xf32, #tpu.memory_space<vmem>>, vector<16xf32>,
      tpu.vector_store %arg4[%swap3A_481], %select_n3A_442 {strides = array<i32>} : memref<32768xf32, #tpu.memory_space<vmem>>, vector<16xf32>,
      %add3A_483 = arith.constant 80 : i32
      %add3A_484 = arith.addi %mul3A_378, %add3A_483 : i32
      %swap3A_485 = arith.index_cast %add3A_484 : i32 to index
      %swap3A_486 = tpu.vector_load %arg4[%swap3A_485] {strides = array<i32>} : memref<32768xf32, #tpu.memory_space<vmem>>, vector<16xf32>,
      tpu.vector_store %arg4[%swap3A_485], %select_n3A_449 {strides = array<i32>} : memref<32768xf32, #tpu.memory_space<vmem>>, vector<16xf32>,
      %add3A_487 = arith.constant 96 : i32
      %add3A_488 = arith.addi %mul3A_378, %add3A_487 : i32
      %swap3A_489 = arith.index_cast %add3A_488 : i32 to index
      %swap3A_490 = tpu.vector_load %arg4[%swap3A_489] {strides = array<i32>} : memref<32768xf32, #tpu.memory_space<vmem>>, vector<16xf32>,
      tpu.vector_store %arg4[%swap3A_489], %select_n3A_456 {strides = array<i32>} : memref<32768xf32, #tpu.memory_space<vmem>>, vector<16xf32>,
      %add3A_491 = arith.constant 112 : i32
      %add3A_492 = arith.addi %mul3A_378, %add3A_491 : i32
      %swap3A_493 = arith.index_cast %add3A_492 : i32 to index
      %swap3A_494 = tpu.vector_load %arg4[%swap3A_493] {strides = array<i32>} : memref<32768xf32, #tpu.memory_space<vmem>>, vector<16xf32>,
      tpu.vector_store %arg4[%swap3A_493], %select_n3A_463 {strides = array<i32>} : memref<32768xf32, #tpu.memory_space<vmem>>, vector<16xf32>,
    }
    %scan3A_79 = arith.constant 256 : i32
    %add3A_80 = arith.constant 0 : i32
    %add3A_81 = arith.addi %mul3A_2, %add3A_80 : i32
    "tpu.region"() ({
      %run_scoped3A = tpu.sem_alloc : memref<!tpu.dma_semaphore, #tpu.memory_space<semaphore_mem>>
      %dma_start3A = arith.constant 0 : i32
      %dma_start3A_376 = tpu.memref_slice %arg3[%add3A_81, %dma_start3A] : memref<128x32768xf32, #tpu.memory_space<hbm>> -> memref<1x32768xf32, #tpu.memory_space<hbm>>
      %dma_start3A_377 = tpu.memref_squeeze %dma_start3A_376 : memref<1x32768xf32, #tpu.memory_space<hbm>> -> memref<32768xf32, #tpu.memory_space<hbm>>
      %dma_start3A_378 = arith.constant 0 : i32
      %dma_start3A_379 = tpu.memref_slice %arg3[%add3A_81, %dma_start3A_378] : memref<128x32768xf32, #tpu.memory_space<hbm>> -> memref<1x32768xf32, #tpu.memory_space<hbm>>
      %dma_start3A_380 = tpu.memref_squeeze %dma_start3A_379 : memref<1x32768xf32, #tpu.memory_space<hbm>> -> memref<32768xf32, #tpu.memory_space<hbm>>
      tpu.enqueue_dma source(%arg4 : memref<32768xf32, #tpu.memory_space<vmem>>) target(%dma_start3A_380 : memref<32768xf32, #tpu.memory_space<hbm>>) target_semaphore(%run_scoped3A : memref<!tpu.dma_semaphore, #tpu.memory_space<semaphore_mem>>)
      %dma_wait3A = arith.constant 0 : i32
      %dma_wait3A_381 = tpu.memref_slice %arg3[%add3A_81, %dma_wait3A] : memref<128x32768xf32, #tpu.memory_space<hbm>> -> memref<1x32768xf32, #tpu.memory_space<hbm>>
      %dma_wait3A_382 = tpu.memref_squeeze %dma_wait3A_381 : memref<1x32768xf32, #tpu.memory_space<hbm>> -> memref<32768xf32, #tpu.memory_space<hbm>>
      %dma_wait3A_383 = arith.constant 0 : i32
      %dma_wait3A_384 = tpu.memref_slice %arg3[%add3A_81, %dma_wait3A_383] : memref<128x32768xf32, #tpu.memory_space<hbm>> -> memref<1x32768xf32, #tpu.memory_space<hbm>>
      %dma_wait3A_385 = tpu.memref_squeeze %dma_wait3A_384 : memref<1x32768xf32, #tpu.memory_space<hbm>> -> memref<32768xf32, #tpu.memory_space<hbm>>
      tpu.wait_dma2 semaphore(%run_scoped3A : memref<!tpu.dma_semaphore, #tpu.memory_space<semaphore_mem>>) src(%arg4 : memref<32768xf32, #tpu.memory_space<vmem>>) dst(%dma_wait3A_385 : memref<32768xf32, #tpu.memory_space<hbm>>)
      tpu.yield
    }) : () -> ()
    %add3A_82 = arith.constant 1 : i32
    %add3A_83 = arith.addi %mul3A_2, %add3A_82 : i32
    "tpu.region"() ({
      %run_scoped3A = tpu.sem_alloc : memref<!tpu.dma_semaphore, #tpu.memory_space<semaphore_mem>>
      %dma_start3A = arith.constant 0 : i32
      %dma_start3A_376 = tpu.memref_slice %arg2[%add3A_83, %dma_start3A] : memref<128x32768xf32, #tpu.memory_space<hbm>> -> memref<1x32768xf32, #tpu.memory_space<hbm>>
      %dma_start3A_377 = tpu.memref_squeeze %dma_start3A_376 : memref<1x32768xf32, #tpu.memory_space<hbm>> -> memref<32768xf32, #tpu.memory_space<hbm>>
      %dma_start3A_378 = arith.constant 0 : i32
      %dma_start3A_379 = tpu.memref_slice %arg2[%add3A_83, %dma_start3A_378] : memref<128x32768xf32, #tpu.memory_space<hbm>> -> memref<1x32768xf32, #tpu.memory_space<hbm>>
      %dma_start3A_380 = tpu.memref_squeeze %dma_start3A_379 : memref<1x32768xf32, #tpu.memory_space<hbm>> -> memref<32768xf32, #tpu.memory_space<hbm>>
      tpu.enqueue_dma source(%dma_start3A_380 : memref<32768xf32, #tpu.memory_space<hbm>>) target(%arg5 : memref<32768xf32, #tpu.memory_space<vmem>>) target_semaphore(%run_scoped3A : memref<!tpu.dma_semaphore, #tpu.memory_space<semaphore_mem>>)
      %dma_wait3A = arith.constant 0 : i32
      %dma_wait3A_381 = tpu.memref_slice %arg2[%add3A_83, %dma_wait3A] : memref<128x32768xf32, #tpu.memory_space<hbm>> -> memref<1x32768xf32, #tpu.memory_space<hbm>>
      %dma_wait3A_382 = tpu.memref_squeeze %dma_wait3A_381 : memref<1x32768xf32, #tpu.memory_space<hbm>> -> memref<32768xf32, #tpu.memory_space<hbm>>
      %dma_wait3A_383 = arith.constant 0 : i32
      %dma_wait3A_384 = tpu.memref_slice %arg2[%add3A_83, %dma_wait3A_383] : memref<128x32768xf32, #tpu.memory_space<hbm>> -> memref<1x32768xf32, #tpu.memory_space<hbm>>
      %dma_wait3A_385 = tpu.memref_squeeze %dma_wait3A_384 : memref<1x32768xf32, #tpu.memory_space<hbm>> -> memref<32768xf32, #tpu.memory_space<hbm>>
      tpu.wait_dma2 semaphore(%run_scoped3A : memref<!tpu.dma_semaphore, #tpu.memory_space<semaphore_mem>>) src(%dma_wait3A_385 : memref<32768xf32, #tpu.memory_space<hbm>>) dst(%arg5 : memref<32768xf32, #tpu.memory_space<vmem>>)
      tpu.yield
    }) : () -> ()
    %broadcast_in_dim3A_84 = arith.constant 0xFF800000 : f32
    %broadcast_in_dim3A_85 = vector.broadcast %broadcast_in_dim3A_84 : f32 to vector<16xf32>
    %scan3A_86 = arith.constant 0 : i32
    %scan3A_87 = arith.constant 256 : i32
    %scan3A_88 = arith.addi %scan3A_86, %scan3A_87 : i32
    %scan3A_89 = arith.constant 1 : i32
    %scan3A_90:8 = scf.for %scan3A_376 = %scan3A_86 to %scan3A_88 step %scan3A_89 iter_args(%scan3A_377 = %broadcast_in_dim3A_85, %scan3A_378 = %broadcast_in_dim3A_85, %scan3A_379 = %broadcast_in_dim3A_85, %scan3A_380 = %broadcast_in_dim3A_85, %scan3A_381 = %broadcast_in_dim3A_85, %scan3A_382 = %broadcast_in_dim3A_85, %scan3A_383 = %broadcast_in_dim3A_85, %scan3A_384 = %broadcast_in_dim3A_85) -> (vector<16xf32>, vector<16xf32>, vector<16xf32>, vector<16xf32>, vector<16xf32>, vector<16xf32>, vector<16xf32>, vector<16xf32>)  : i32 {
      %mul3A_385 = arith.constant 128 : i32
      %mul3A_386 = arith.muli %scan3A_376, %mul3A_385 : i32
      %add3A_387 = arith.constant 0 : i32
      %add3A_388 = arith.addi %mul3A_386, %add3A_387 : i32
      %get3A = arith.index_cast %add3A_388 : i32 to index
      %get3A_389 = tpu.vector_load %arg5[%get3A] {strides = array<i32>} : memref<32768xf32, #tpu.memory_space<vmem>>, vector<16xf32>,
      %max3A = arith.maximumf %scan3A_377, %get3A_389 : vector<16xf32>
      %add3A_390 = arith.constant 16 : i32
      %add3A_391 = arith.addi %mul3A_386, %add3A_390 : i32
      %get3A_392 = arith.index_cast %add3A_391 : i32 to index
      %get3A_393 = tpu.vector_load %arg5[%get3A_392] {strides = array<i32>} : memref<32768xf32, #tpu.memory_space<vmem>>, vector<16xf32>,
      %max3A_394 = arith.maximumf %scan3A_378, %get3A_393 : vector<16xf32>
      %add3A_395 = arith.constant 32 : i32
      %add3A_396 = arith.addi %mul3A_386, %add3A_395 : i32
      %get3A_397 = arith.index_cast %add3A_396 : i32 to index
      %get3A_398 = tpu.vector_load %arg5[%get3A_397] {strides = array<i32>} : memref<32768xf32, #tpu.memory_space<vmem>>, vector<16xf32>,
      %max3A_399 = arith.maximumf %scan3A_379, %get3A_398 : vector<16xf32>
      %add3A_400 = arith.constant 48 : i32
      %add3A_401 = arith.addi %mul3A_386, %add3A_400 : i32
      %get3A_402 = arith.index_cast %add3A_401 : i32 to index
      %get3A_403 = tpu.vector_load %arg5[%get3A_402] {strides = array<i32>} : memref<32768xf32, #tpu.memory_space<vmem>>, vector<16xf32>,
      %max3A_404 = arith.maximumf %scan3A_380, %get3A_403 : vector<16xf32>
      %add3A_405 = arith.constant 64 : i32
      %add3A_406 = arith.addi %mul3A_386, %add3A_405 : i32
      %get3A_407 = arith.index_cast %add3A_406 : i32 to index
      %get3A_408 = tpu.vector_load %arg5[%get3A_407] {strides = array<i32>} : memref<32768xf32, #tpu.memory_space<vmem>>, vector<16xf32>,
      %max3A_409 = arith.maximumf %scan3A_381, %get3A_408 : vector<16xf32>
      %add3A_410 = arith.constant 80 : i32
      %add3A_411 = arith.addi %mul3A_386, %add3A_410 : i32
      %get3A_412 = arith.index_cast %add3A_411 : i32 to index
      %get3A_413 = tpu.vector_load %arg5[%get3A_412] {strides = array<i32>} : memref<32768xf32, #tpu.memory_space<vmem>>, vector<16xf32>,
      %max3A_414 = arith.maximumf %scan3A_382, %get3A_413 : vector<16xf32>
      %add3A_415 = arith.constant 96 : i32
      %add3A_416 = arith.addi %mul3A_386, %add3A_415 : i32
      %get3A_417 = arith.index_cast %add3A_416 : i32 to index
      %get3A_418 = tpu.vector_load %arg5[%get3A_417] {strides = array<i32>} : memref<32768xf32, #tpu.memory_space<vmem>>, vector<16xf32>,
      %max3A_419 = arith.maximumf %scan3A_383, %get3A_418 : vector<16xf32>
      %add3A_420 = arith.constant 112 : i32
      %add3A_421 = arith.addi %mul3A_386, %add3A_420 : i32
      %get3A_422 = arith.index_cast %add3A_421 : i32 to index
      %get3A_423 = tpu.vector_load %arg5[%get3A_422] {strides = array<i32>} : memref<32768xf32, #tpu.memory_space<vmem>>, vector<16xf32>,
      %max3A_424 = arith.maximumf %scan3A_384, %get3A_423 : vector<16xf32>
      scf.yield %max3A, %max3A_394, %max3A_399, %max3A_404, %max3A_409, %max3A_414, %max3A_419, %max3A_424 : vector<16xf32>, vector<16xf32>, vector<16xf32>, vector<16xf32>, vector<16xf32>, vector<16xf32>, vector<16xf32>, vector<16xf32>
    }
    %scan3A_91 = arith.constant 256 : i32
    %min3A_92 = arith.minimumf %scan3A_90#0, %scan3A_90#1 : vector<16xf32>
    %min3A_93 = arith.minimumf %scan3A_90#2, %scan3A_90#3 : vector<16xf32>
    %min3A_94 = arith.minimumf %min3A_92, %min3A_93 : vector<16xf32>
    %min3A_95 = arith.minimumf %scan3A_90#4, %scan3A_90#5 : vector<16xf32>
    %min3A_96 = arith.minimumf %scan3A_90#6, %scan3A_90#7 : vector<16xf32>
    %min3A_97 = arith.minimumf %min3A_95, %min3A_96 : vector<16xf32>
    %min3A_98 = arith.minimumf %min3A_94, %min3A_97 : vector<16xf32>
    %neg3A_99 = arith.constant 0.000000e+00 : f32
    %neg3A_100 = vector.broadcast %neg3A_99 : f32 to vector<16xf32>
    %neg3A_101 = arith.subf %neg3A_100, %min3A_98 : vector<16xf32>
    %reduce_max3A_102 = arith.constant true
    %reduce_max3A_103 = vector.broadcast %reduce_max3A_102 : i1 to vector<16xi1>
    %reduce_max3A_104 = tpu.scan <max>, %neg3A_101 masked %reduce_max3A_103 : vector<16xf32>, vector<16xi1> -> vector<16xf32>
    %reduce_max3A_105 = vector.extract %reduce_max3A_104[15] : f32 from vector<16xf32>
    %neg3A_106 = arith.constant 0.000000e+00 : f32
    %neg3A_107 = arith.subf %neg3A_106, %reduce_max3A_105 : f32
    %scan3A_108 = arith.constant 0 : i32
    %scan3A_109 = arith.constant 0 : i32
    %scan3A_110 = arith.constant 256 : i32
    %scan3A_111 = arith.addi %scan3A_109, %scan3A_110 : i32
    %scan3A_112 = arith.constant 1 : i32
    %scan3A_113 = scf.for %scan3A_376 = %scan3A_109 to %scan3A_111 step %scan3A_112 iter_args(%scan3A_377 = %scan3A_108) -> (i32)  : i32 {
      %mul3A_378 = arith.constant 128 : i32
      %mul3A_379 = arith.muli %scan3A_376, %mul3A_378 : i32
      %add3A_380 = arith.constant 0 : i32
      %add3A_381 = arith.addi %mul3A_379, %add3A_380 : i32
      %get3A = arith.index_cast %add3A_381 : i32 to index
      %get3A_382 = tpu.vector_load %arg5[%get3A] {strides = array<i32>} : memref<32768xf32, #tpu.memory_space<vmem>>, vector<16xf32>,
      %add3A_383 = arith.constant 16 : i32
      %add3A_384 = arith.addi %mul3A_379, %add3A_383 : i32
      %get3A_385 = arith.index_cast %add3A_384 : i32 to index
      %get3A_386 = tpu.vector_load %arg5[%get3A_385] {strides = array<i32>} : memref<32768xf32, #tpu.memory_space<vmem>>, vector<16xf32>,
      %add3A_387 = arith.constant 32 : i32
      %add3A_388 = arith.addi %mul3A_379, %add3A_387 : i32
      %get3A_389 = arith.index_cast %add3A_388 : i32 to index
      %get3A_390 = tpu.vector_load %arg5[%get3A_389] {strides = array<i32>} : memref<32768xf32, #tpu.memory_space<vmem>>, vector<16xf32>,
      %add3A_391 = arith.constant 48 : i32
      %add3A_392 = arith.addi %mul3A_379, %add3A_391 : i32
      %get3A_393 = arith.index_cast %add3A_392 : i32 to index
      %get3A_394 = tpu.vector_load %arg5[%get3A_393] {strides = array<i32>} : memref<32768xf32, #tpu.memory_space<vmem>>, vector<16xf32>,
      %add3A_395 = arith.constant 64 : i32
      %add3A_396 = arith.addi %mul3A_379, %add3A_395 : i32
      %get3A_397 = arith.index_cast %add3A_396 : i32 to index
      %get3A_398 = tpu.vector_load %arg5[%get3A_397] {strides = array<i32>} : memref<32768xf32, #tpu.memory_space<vmem>>, vector<16xf32>,
      %add3A_399 = arith.constant 80 : i32
      %add3A_400 = arith.addi %mul3A_379, %add3A_399 : i32
      %get3A_401 = arith.index_cast %add3A_400 : i32 to index
      %get3A_402 = tpu.vector_load %arg5[%get3A_401] {strides = array<i32>} : memref<32768xf32, #tpu.memory_space<vmem>>, vector<16xf32>,
      %add3A_403 = arith.constant 96 : i32
      %add3A_404 = arith.addi %mul3A_379, %add3A_403 : i32
      %get3A_405 = arith.index_cast %add3A_404 : i32 to index
      %get3A_406 = tpu.vector_load %arg5[%get3A_405] {strides = array<i32>} : memref<32768xf32, #tpu.memory_space<vmem>>, vector<16xf32>,
      %add3A_407 = arith.constant 112 : i32
      %add3A_408 = arith.addi %mul3A_379, %add3A_407 : i32
      %get3A_409 = arith.index_cast %add3A_408 : i32 to index
      %get3A_410 = tpu.vector_load %arg5[%get3A_409] {strides = array<i32>} : memref<32768xf32, #tpu.memory_space<vmem>>, vector<16xf32>,
      %ge3A = vector.broadcast %neg3A_107 : f32 to vector<16xf32>
      %ge3A_411 = arith.cmpf oge, %get3A_382, %ge3A : vector<16xf32>
      %ge3A_412 = vector.broadcast %neg3A_107 : f32 to vector<16xf32>
      %ge3A_413 = arith.cmpf oge, %get3A_386, %ge3A_412 : vector<16xf32>
      %ge3A_414 = vector.broadcast %neg3A_107 : f32 to vector<16xf32>
      %ge3A_415 = arith.cmpf oge, %get3A_390, %ge3A_414 : vector<16xf32>
      %ge3A_416 = vector.broadcast %neg3A_107 : f32 to vector<16xf32>
      %ge3A_417 = arith.cmpf oge, %get3A_394, %ge3A_416 : vector<16xf32>
      %ge3A_418 = vector.broadcast %neg3A_107 : f32 to vector<16xf32>
      %ge3A_419 = arith.cmpf oge, %get3A_398, %ge3A_418 : vector<16xf32>
      %ge3A_420 = vector.broadcast %neg3A_107 : f32 to vector<16xf32>
      %ge3A_421 = arith.cmpf oge, %get3A_402, %ge3A_420 : vector<16xf32>
      %ge3A_422 = vector.broadcast %neg3A_107 : f32 to vector<16xf32>
      %ge3A_423 = arith.cmpf oge, %get3A_406, %ge3A_422 : vector<16xf32>
      %ge3A_424 = vector.broadcast %neg3A_107 : f32 to vector<16xf32>
      %ge3A_425 = arith.cmpf oge, %get3A_410, %ge3A_424 : vector<16xf32>
      %all_reduce_population_count3A = tpu.all_reduce %ge3A_411 {dim = 0 : i64, kind = #tpu.reduction_kind<sum>} : vector<16xi1> -> vector<16xi32>
      %slice3A = vector.extract_strided_slice %all_reduce_population_count3A {offsets = [0], sizes = [1], strides = [1]} : vector<16xi32> to vector<1xi32>
      %squeeze3A = vector.extract %slice3A[0] : i32 from vector<1xi32>
      %all_reduce_population_count3A_426 = tpu.all_reduce %ge3A_413 {dim = 0 : i64, kind = #tpu.reduction_kind<sum>} : vector<16xi1> -> vector<16xi32>
      %slice3A_427 = vector.extract_strided_slice %all_reduce_population_count3A_426 {offsets = [0], sizes = [1], strides = [1]} : vector<16xi32> to vector<1xi32>
      %squeeze3A_428 = vector.extract %slice3A_427[0] : i32 from vector<1xi32>
      %all_reduce_population_count3A_429 = tpu.all_reduce %ge3A_415 {dim = 0 : i64, kind = #tpu.reduction_kind<sum>} : vector<16xi1> -> vector<16xi32>
      %slice3A_430 = vector.extract_strided_slice %all_reduce_population_count3A_429 {offsets = [0], sizes = [1], strides = [1]} : vector<16xi32> to vector<1xi32>
      %squeeze3A_431 = vector.extract %slice3A_430[0] : i32 from vector<1xi32>
      %all_reduce_population_count3A_432 = tpu.all_reduce %ge3A_417 {dim = 0 : i64, kind = #tpu.reduction_kind<sum>} : vector<16xi1> -> vector<16xi32>
      %slice3A_433 = vector.extract_strided_slice %all_reduce_population_count3A_432 {offsets = [0], sizes = [1], strides = [1]} : vector<16xi32> to vector<1xi32>
      %squeeze3A_434 = vector.extract %slice3A_433[0] : i32 from vector<1xi32>
      %all_reduce_population_count3A_435 = tpu.all_reduce %ge3A_419 {dim = 0 : i64, kind = #tpu.reduction_kind<sum>} : vector<16xi1> -> vector<16xi32>
      %slice3A_436 = vector.extract_strided_slice %all_reduce_population_count3A_435 {offsets = [0], sizes = [1], strides = [1]} : vector<16xi32> to vector<1xi32>
      %squeeze3A_437 = vector.extract %slice3A_436[0] : i32 from vector<1xi32>
      %all_reduce_population_count3A_438 = tpu.all_reduce %ge3A_421 {dim = 0 : i64, kind = #tpu.reduction_kind<sum>} : vector<16xi1> -> vector<16xi32>
      %slice3A_439 = vector.extract_strided_slice %all_reduce_population_count3A_438 {offsets = [0], sizes = [1], strides = [1]} : vector<16xi32> to vector<1xi32>
      %squeeze3A_440 = vector.extract %slice3A_439[0] : i32 from vector<1xi32>
      %all_reduce_population_count3A_441 = tpu.all_reduce %ge3A_423 {dim = 0 : i64, kind = #tpu.reduction_kind<sum>} : vector<16xi1> -> vector<16xi32>
      %slice3A_442 = vector.extract_strided_slice %all_reduce_population_count3A_441 {offsets = [0], sizes = [1], strides = [1]} : vector<16xi32> to vector<1xi32>
      %squeeze3A_443 = vector.extract %slice3A_442[0] : i32 from vector<1xi32>
      %all_reduce_population_count3A_444 = tpu.all_reduce %ge3A_425 {dim = 0 : i64, kind = #tpu.reduction_kind<sum>} : vector<16xi1> -> vector<16xi32>
      %slice3A_445 = vector.extract_strided_slice %all_reduce_population_count3A_444 {offsets = [0], sizes = [1], strides = [1]} : vector<16xi32> to vector<1xi32>
      %squeeze3A_446 = vector.extract %slice3A_445[0] : i32 from vector<1xi32>
      %swap3A = arith.index_cast %scan3A_377 : i32 to index
      %swap3A_447 = tpu.vector_load %arg6[%swap3A] masked %ge3A_411 {strides = array<i32>} : memref<32800xf32, #tpu.memory_space<vmem>>, vector<16xf32>, vector<16xi1>
      tpu.vector_store %arg6[%swap3A], %get3A_382 masked %ge3A_411 {strides = array<i32>} : memref<32800xf32, #tpu.memory_space<vmem>>, vector<16xf32>, vector<16xi1>
      %add3A_448 = arith.addi %scan3A_377, %squeeze3A : i32
      %swap3A_449 = arith.index_cast %add3A_448 : i32 to index
      %swap3A_450 = tpu.vector_load %arg6[%swap3A_449] masked %ge3A_413 {strides = array<i32>} : memref<32800xf32, #tpu.memory_space<vmem>>, vector<16xf32>, vector<16xi1>
      tpu.vector_store %arg6[%swap3A_449], %get3A_386 masked %ge3A_413 {strides = array<i32>} : memref<32800xf32, #tpu.memory_space<vmem>>, vector<16xf32>, vector<16xi1>
      %add3A_451 = arith.addi %add3A_448, %squeeze3A_428 : i32
      %swap3A_452 = arith.index_cast %add3A_451 : i32 to index
      %swap3A_453 = tpu.vector_load %arg6[%swap3A_452] masked %ge3A_415 {strides = array<i32>} : memref<32800xf32, #tpu.memory_space<vmem>>, vector<16xf32>, vector<16xi1>
      tpu.vector_store %arg6[%swap3A_452], %get3A_390 masked %ge3A_415 {strides = array<i32>} : memref<32800xf32, #tpu.memory_space<vmem>>, vector<16xf32>, vector<16xi1>
      %add3A_454 = arith.addi %add3A_451, %squeeze3A_431 : i32
      %swap3A_455 = arith.index_cast %add3A_454 : i32 to index
      %swap3A_456 = tpu.vector_load %arg6[%swap3A_455] masked %ge3A_417 {strides = array<i32>} : memref<32800xf32, #tpu.memory_space<vmem>>, vector<16xf32>, vector<16xi1>
      tpu.vector_store %arg6[%swap3A_455], %get3A_394 masked %ge3A_417 {strides = array<i32>} : memref<32800xf32, #tpu.memory_space<vmem>>, vector<16xf32>, vector<16xi1>
      %add3A_457 = arith.addi %add3A_454, %squeeze3A_434 : i32
      %swap3A_458 = arith.index_cast %add3A_457 : i32 to index
      %swap3A_459 = tpu.vector_load %arg6[%swap3A_458] masked %ge3A_419 {strides = array<i32>} : memref<32800xf32, #tpu.memory_space<vmem>>, vector<16xf32>, vector<16xi1>
      tpu.vector_store %arg6[%swap3A_458], %get3A_398 masked %ge3A_419 {strides = array<i32>} : memref<32800xf32, #tpu.memory_space<vmem>>, vector<16xf32>, vector<16xi1>
      %add3A_460 = arith.addi %add3A_457, %squeeze3A_437 : i32
      %swap3A_461 = arith.index_cast %add3A_460 : i32 to index
      %swap3A_462 = tpu.vector_load %arg6[%swap3A_461] masked %ge3A_421 {strides = array<i32>} : memref<32800xf32, #tpu.memory_space<vmem>>, vector<16xf32>, vector<16xi1>
      tpu.vector_store %arg6[%swap3A_461], %get3A_402 masked %ge3A_421 {strides = array<i32>} : memref<32800xf32, #tpu.memory_space<vmem>>, vector<16xf32>, vector<16xi1>
      %add3A_463 = arith.addi %add3A_460, %squeeze3A_440 : i32
      %swap3A_464 = arith.index_cast %add3A_463 : i32 to index
      %swap3A_465 = tpu.vector_load %arg6[%swap3A_464] masked %ge3A_423 {strides = array<i32>} : memref<32800xf32, #tpu.memory_space<vmem>>, vector<16xf32>, vector<16xi1>
      tpu.vector_store %arg6[%swap3A_464], %get3A_406 masked %ge3A_423 {strides = array<i32>} : memref<32800xf32, #tpu.memory_space<vmem>>, vector<16xf32>, vector<16xi1>
      %add3A_466 = arith.addi %add3A_463, %squeeze3A_443 : i32
      %swap3A_467 = arith.index_cast %add3A_466 : i32 to index
      %swap3A_468 = tpu.vector_load %arg6[%swap3A_467] masked %ge3A_425 {strides = array<i32>} : memref<32800xf32, #tpu.memory_space<vmem>>, vector<16xf32>, vector<16xi1>
      tpu.vector_store %arg6[%swap3A_467], %get3A_410 masked %ge3A_425 {strides = array<i32>} : memref<32800xf32, #tpu.memory_space<vmem>>, vector<16xf32>, vector<16xi1>
      %add3A_469 = arith.addi %add3A_466, %squeeze3A_446 : i32
      scf.yield %add3A_469 : i32
    }
    %scan3A_114 = arith.constant 256 : i32
    %add3A_115 = arith.constant 16 : i32
    %add3A_116 = arith.addi %scan3A_113, %add3A_115 : i32
    %sub3A_117 = arith.constant 1 : i32
    %sub3A_118 = arith.subi %add3A_116, %sub3A_117 : i32
    %jit3A_119 = arith.constant 16 : i32
    %div3A_120 = arith.divsi %sub3A_118, %jit3A_119 : i32
    %sign3A_121 = arith.constant 0 : i32
    %sign3A_122 = arith.cmpi sgt, %sub3A_118, %sign3A_121 : i32
    %sign3A_123 = arith.extui %sign3A_122 : i1 to i32
    %sign3A_124 = arith.constant 0 : i32
    %sign3A_125 = arith.cmpi slt, %sub3A_118, %sign3A_124 : i32
    %sign3A_126 = arith.extui %sign3A_125 : i1 to i32
    %sign3A_127 = arith.subi %sign3A_123, %sign3A_126 : i32
    %sign3A_128 = arith.constant 0 : i32
    %sign3A_129 = arith.cmpi sgt, %jit3A_119, %sign3A_128 : i32
    %sign3A_130 = arith.extui %sign3A_129 : i1 to i32
    %sign3A_131 = arith.constant 0 : i32
    %sign3A_132 = arith.cmpi slt, %jit3A_119, %sign3A_131 : i32
    %sign3A_133 = arith.extui %sign3A_132 : i1 to i32
    %sign3A_134 = arith.subi %sign3A_130, %sign3A_133 : i32
    %ne3A_135 = arith.cmpi ne, %sign3A_127, %sign3A_134 : i32
    %rem3A_136 = arith.remsi %sub3A_118, %jit3A_119 : i32
    %ne3A_137 = arith.constant 0 : i32
    %ne3A_138 = arith.cmpi ne, %rem3A_136, %ne3A_137 : i32
    %and3A_139 = arith.andi %ne3A_135, %ne3A_138 : i1
    %sub3A_140 = arith.constant 1 : i32
    %sub3A_141 = arith.subi %div3A_120, %sub3A_140 : i32
    %select_n3A_142 = arith.select %and3A_139, %sub3A_141, %div3A_120 : i32
    %iota3A_143 = tpu.iota {dimensions = array<i32: 0>} : vector<16xi32>
    %while3A_144 = arith.constant 0 : i32
    %while3A_145 = arith.constant 0 : i32
    %while3A_146 = arith.subi %select_n3A_142, %while3A_145 : i32
    %while3A_147 = arith.addi %while3A_145, %while3A_146 : i32
    %while3A_148 = arith.constant 1 : i32
    %while3A_149 = arith.divsi %while3A_146, %while3A_148 : i32
    %while3A_150 = arith.muli %while3A_149, %while3A_148 : i32
    %while3A_151 = arith.addi %while3A_145, %while3A_150 : i32
    %while3A_152 = arith.constant 1 : i32
    scf.for %while3A_376 = %while3A_145 to %while3A_151 step %while3A_152  : i32 {
      %mul3A_377 = arith.constant 16 : i32
      %mul3A_378 = arith.muli %while3A_376, %mul3A_377 : i32
      %get3A = arith.index_cast %mul3A_378 : i32 to index
      %get3A_379 = tpu.vector_load %arg6[%get3A] {strides = array<i32>} : memref<32800xf32, #tpu.memory_space<vmem>>, vector<16xf32>,
      %bitcast3A_380 = vector.bitcast %get3A_379 : vector<16xf32> to vector<16xi32>
      %ge3A = arith.constant 0.000000e+00 : f32
      %ge3A_381 = vector.broadcast %ge3A : f32 to vector<16xf32>
      %ge3A_382 = arith.cmpf oge, %get3A_379, %ge3A_381 : vector<16xf32>
      %jit3A_383 = arith.constant -2147483648 : i32
      %jit3A_384 = arith.constant -1 : i32
      %broadcast_in_dim3A_385 = vector.broadcast %jit3A_383 : i32 to vector<16xi32>
      %broadcast_in_dim3A_386 = vector.broadcast %jit3A_384 : i32 to vector<16xi32>
      %select_n3A_387 = arith.select %ge3A_382, %broadcast_in_dim3A_385, %broadcast_in_dim3A_386 : vector<16xi1>, vector<16xi32>
      %xor3A_388 = arith.xori %bitcast3A_380, %select_n3A_387 : vector<16xi32>
      %mul3A_389 = arith.constant 16 : i32
      %mul3A_390 = arith.muli %while3A_376, %mul3A_389 : i32
      %sub3A_391 = arith.subi %scan3A_113, %mul3A_390 : i32
      %lt3A_392 = vector.broadcast %sub3A_391 : i32 to vector<16xi32>
      %lt3A_393 = arith.cmpi slt, %iota3A_143, %lt3A_392 : vector<16xi32>
      %jit3A_394 = arith.constant 0 : i32
      %broadcast_in_dim3A_395 = vector.broadcast %jit3A_394 : i32 to vector<16xi32>
      %select_n3A_396 = arith.select %lt3A_393, %xor3A_388, %broadcast_in_dim3A_395 : vector<16xi1>, vector<16xi32>
      %bitcast3A_397 = vector.bitcast %select_n3A_396 : vector<16xi32> to vector<16xf32>
      %mul3A_398 = arith.constant 16 : i32
      %mul3A_399 = arith.muli %while3A_376, %mul3A_398 : i32
      %swap3A = arith.index_cast %mul3A_399 : i32 to index
      %swap3A_400 = tpu.vector_load %arg6[%swap3A] {strides = array<i32>} : memref<32800xf32, #tpu.memory_space<vmem>>, vector<16xf32>,
      tpu.vector_store %arg6[%swap3A], %bitcast3A_397 {strides = array<i32>} : memref<32800xf32, #tpu.memory_space<vmem>>, vector<16xf32>,
    }
    %while3A_153 = arith.constant 1 : i32
    scf.for %while3A_376 = %while3A_151 to %while3A_147 step %while3A_153  : i32 {
      %mul3A_377 = arith.constant 16 : i32
      %mul3A_378 = arith.muli %while3A_376, %mul3A_377 : i32
      %get3A = arith.index_cast %mul3A_378 : i32 to index
      %get3A_379 = tpu.vector_load %arg6[%get3A] {strides = array<i32>} : memref<32800xf32, #tpu.memory_space<vmem>>, vector<16xf32>,
      %bitcast3A_380 = vector.bitcast %get3A_379 : vector<16xf32> to vector<16xi32>
      %ge3A = arith.constant 0.000000e+00 : f32
      %ge3A_381 = vector.broadcast %ge3A : f32 to vector<16xf32>
      %ge3A_382 = arith.cmpf oge, %get3A_379, %ge3A_381 : vector<16xf32>
      %jit3A_383 = arith.constant -2147483648 : i32
      %jit3A_384 = arith.constant -1 : i32
      %broadcast_in_dim3A_385 = vector.broadcast %jit3A_383 : i32 to vector<16xi32>
      %broadcast_in_dim3A_386 = vector.broadcast %jit3A_384 : i32 to vector<16xi32>
      %select_n3A_387 = arith.select %ge3A_382, %broadcast_in_dim3A_385, %broadcast_in_dim3A_386 : vector<16xi1>, vector<16xi32>
      %xor3A_388 = arith.xori %bitcast3A_380, %select_n3A_387 : vector<16xi32>
      %mul3A_389 = arith.constant 16 : i32
      %mul3A_390 = arith.muli %while3A_376, %mul3A_389 : i32
      %sub3A_391 = arith.subi %scan3A_113, %mul3A_390 : i32
      %lt3A_392 = vector.broadcast %sub3A_391 : i32 to vector<16xi32>
      %lt3A_393 = arith.cmpi slt, %iota3A_143, %lt3A_392 : vector<16xi32>
      %jit3A_394 = arith.constant 0 : i32
      %broadcast_in_dim3A_395 = vector.broadcast %jit3A_394 : i32 to vector<16xi32>
      %select_n3A_396 = arith.select %lt3A_393, %xor3A_388, %broadcast_in_dim3A_395 : vector<16xi1>, vector<16xi32>
      %bitcast3A_397 = vector.bitcast %select_n3A_396 : vector<16xi32> to vector<16xf32>
      %mul3A_398 = arith.constant 16 : i32
      %mul3A_399 = arith.muli %while3A_376, %mul3A_398 : i32
      %swap3A = arith.index_cast %mul3A_399 : i32 to index
      %swap3A_400 = tpu.vector_load %arg6[%swap3A] {strides = array<i32>} : memref<32800xf32, #tpu.memory_space<vmem>>, vector<16xf32>,
      tpu.vector_store %arg6[%swap3A], %bitcast3A_397 {strides = array<i32>} : memref<32800xf32, #tpu.memory_space<vmem>>, vector<16xf32>,
    }
    %scan3A_154 = arith.constant 0 : i32
    %scan3A_155 = arith.constant 0 : i32
    %scan3A_156 = arith.constant 32 : i32
    %scan3A_157 = arith.addi %scan3A_155, %scan3A_156 : i32
    %scan3A_158 = arith.constant 1 : i32
    %scan3A_159 = scf.for %scan3A_376 = %scan3A_155 to %scan3A_157 step %scan3A_158 iter_args(%scan3A_377 = %scan3A_154) -> (i32)  : i32 {
      %sub3A_378 = arith.constant 31 : i32
      %sub3A_379 = arith.subi %sub3A_378, %scan3A_376 : i32
      %shift_left3A = arith.constant 1 : i32
      %shift_left3A_380 = arith.shli %shift_left3A, %sub3A_379 : i32
      %or3A = arith.ori %scan3A_377, %shift_left3A_380 : i32
      %broadcast_in_dim3A_381 = arith.constant 0 : i32
      %broadcast_in_dim3A_382 = vector.broadcast %broadcast_in_dim3A_381 : i32 to vector<16xi32>
      %while3A_383 = arith.constant 0 : i32
      %while3A_384 = arith.subi %select_n3A_142, %while3A_383 : i32
      %while3A_385 = arith.addi %while3A_383, %while3A_384 : i32
      %while3A_386 = arith.constant 1 : i32
      %while3A_387 = arith.divsi %while3A_384, %while3A_386 : i32
      %while3A_388 = arith.muli %while3A_387, %while3A_386 : i32
      %while3A_389 = arith.addi %while3A_383, %while3A_388 : i32
      %while3A_390 = arith.constant 1 : i32
      %while3A_391 = scf.for %while3A_399 = %while3A_383 to %while3A_389 step %while3A_390 iter_args(%while3A_400 = %broadcast_in_dim3A_382) -> (vector<16xi32>)  : i32 {
        %mul3A_401 = arith.constant 16 : i32
        %mul3A_402 = arith.muli %while3A_399, %mul3A_401 : i32
        %get3A = arith.index_cast %mul3A_402 : i32 to index
        %get3A_403 = tpu.vector_load %arg6[%get3A] {strides = array<i32>} : memref<32800xf32, #tpu.memory_space<vmem>>, vector<16xf32>,
        %bitcast3A_404 = vector.bitcast %get3A_403 : vector<16xf32> to vector<16xi32>
        %ge3A_405 = vector.broadcast %or3A : i32 to vector<16xi32>
        %ge3A_406 = arith.cmpi uge, %bitcast3A_404, %ge3A_405 : vector<16xi32>
        %convert_element_type3A = arith.extui %ge3A_406 : vector<16xi1> to vector<16xi32>
        %add3A_407 = arith.addi %while3A_400, %convert_element_type3A : vector<16xi32>
        scf.yield %add3A_407 : vector<16xi32>
      }
      %while3A_392 = arith.constant 1 : i32
      %while3A_393 = scf.for %while3A_399 = %while3A_389 to %while3A_385 step %while3A_392 iter_args(%while3A_400 = %while3A_391) -> (vector<16xi32>)  : i32 {
        %mul3A_401 = arith.constant 16 : i32
        %mul3A_402 = arith.muli %while3A_399, %mul3A_401 : i32
        %get3A = arith.index_cast %mul3A_402 : i32 to index
        %get3A_403 = tpu.vector_load %arg6[%get3A] {strides = array<i32>} : memref<32800xf32, #tpu.memory_space<vmem>>, vector<16xf32>,
        %bitcast3A_404 = vector.bitcast %get3A_403 : vector<16xf32> to vector<16xi32>
        %ge3A_405 = vector.broadcast %or3A : i32 to vector<16xi32>
        %ge3A_406 = arith.cmpi uge, %bitcast3A_404, %ge3A_405 : vector<16xi32>
        %convert_element_type3A = arith.extui %ge3A_406 : vector<16xi1> to vector<16xi32>
        %add3A_407 = arith.addi %while3A_400, %convert_element_type3A : vector<16xi32>
        scf.yield %add3A_407 : vector<16xi32>
      }
      %reduce_sum3A = arith.constant true
      %reduce_sum3A_394 = vector.broadcast %reduce_sum3A : i1 to vector<16xi1>
      %reduce_sum3A_395 = tpu.scan <sum>, %while3A_393 masked %reduce_sum3A_394 : vector<16xi32>, vector<16xi1> -> vector<16xi32>
      %reduce_sum3A_396 = vector.extract %reduce_sum3A_395[15] : i32 from vector<16xi32>
      %ge3A = arith.constant 64 : i32
      %ge3A_397 = arith.cmpi sge, %reduce_sum3A_396, %ge3A : i32
      %select_n3A_398 = arith.select %ge3A_397, %or3A, %scan3A_377 : i32
      scf.yield %select_n3A_398 : i32
    }
    %scan3A_160 = arith.constant 32 : i32
    %broadcast_in_dim3A_161 = vector.broadcast %scan3A_159 : i32 to vector<16xi32>
    %lt3A_162 = arith.constant -2147483648 : i32
    %lt3A_163 = vector.broadcast %lt3A_162 : i32 to vector<16xi32>
    %lt3A_164 = arith.cmpi ult, %broadcast_in_dim3A_161, %lt3A_163 : vector<16xi32>
    %not3A_165 = arith.constant dense<-1> : vector<16xi32>
    %not3A_166 = arith.xori %broadcast_in_dim3A_161, %not3A_165 : vector<16xi32>
    %xor3A_167 = arith.constant -2147483648 : i32
    %xor3A_168 = vector.broadcast %xor3A_167 : i32 to vector<16xi32>
    %xor3A_169 = arith.xori %broadcast_in_dim3A_161, %xor3A_168 : vector<16xi32>
    %select_n3A_170 = arith.select %lt3A_164, %not3A_166, %xor3A_169 : vector<16xi1>, vector<16xi32>
    %bitcast3A_171 = vector.bitcast %select_n3A_170 : vector<16xi32> to vector<16xf32>
    %scan3A_172 = arith.constant 0 : i32
    %scan3A_173 = arith.constant 0 : i32
    %scan3A_174 = arith.constant 256 : i32
    %scan3A_175 = arith.addi %scan3A_173, %scan3A_174 : i32
    %scan3A_176 = arith.constant 1 : i32
    scf.for %scan3A_376 = %scan3A_173 to %scan3A_175 step %scan3A_176  : i32 {
      %mul3A_377 = arith.constant 128 : i32
      %mul3A_378 = arith.muli %scan3A_376, %mul3A_377 : i32
      %add3A_379 = arith.constant 0 : i32
      %add3A_380 = arith.addi %mul3A_378, %add3A_379 : i32
      %get3A = arith.index_cast %add3A_380 : i32 to index
      %get3A_381 = tpu.vector_load %arg5[%get3A] {strides = array<i32>} : memref<32768xf32, #tpu.memory_space<vmem>>, vector<16xf32>,
      %add3A_382 = arith.constant 16 : i32
      %add3A_383 = arith.addi %mul3A_378, %add3A_382 : i32
      %get3A_384 = arith.index_cast %add3A_383 : i32 to index
      %get3A_385 = tpu.vector_load %arg5[%get3A_384] {strides = array<i32>} : memref<32768xf32, #tpu.memory_space<vmem>>, vector<16xf32>,
      %add3A_386 = arith.constant 32 : i32
      %add3A_387 = arith.addi %mul3A_378, %add3A_386 : i32
      %get3A_388 = arith.index_cast %add3A_387 : i32 to index
      %get3A_389 = tpu.vector_load %arg5[%get3A_388] {strides = array<i32>} : memref<32768xf32, #tpu.memory_space<vmem>>, vector<16xf32>,
      %add3A_390 = arith.constant 48 : i32
      %add3A_391 = arith.addi %mul3A_378, %add3A_390 : i32
      %get3A_392 = arith.index_cast %add3A_391 : i32 to index
      %get3A_393 = tpu.vector_load %arg5[%get3A_392] {strides = array<i32>} : memref<32768xf32, #tpu.memory_space<vmem>>, vector<16xf32>,
      %add3A_394 = arith.constant 64 : i32
      %add3A_395 = arith.addi %mul3A_378, %add3A_394 : i32
      %get3A_396 = arith.index_cast %add3A_395 : i32 to index
      %get3A_397 = tpu.vector_load %arg5[%get3A_396] {strides = array<i32>} : memref<32768xf32, #tpu.memory_space<vmem>>, vector<16xf32>,
      %add3A_398 = arith.constant 80 : i32
      %add3A_399 = arith.addi %mul3A_378, %add3A_398 : i32
      %get3A_400 = arith.index_cast %add3A_399 : i32 to index
      %get3A_401 = tpu.vector_load %arg5[%get3A_400] {strides = array<i32>} : memref<32768xf32, #tpu.memory_space<vmem>>, vector<16xf32>,
      %add3A_402 = arith.constant 96 : i32
      %add3A_403 = arith.addi %mul3A_378, %add3A_402 : i32
      %get3A_404 = arith.index_cast %add3A_403 : i32 to index
      %get3A_405 = tpu.vector_load %arg5[%get3A_404] {strides = array<i32>} : memref<32768xf32, #tpu.memory_space<vmem>>, vector<16xf32>,
      %add3A_406 = arith.constant 112 : i32
      %add3A_407 = arith.addi %mul3A_378, %add3A_406 : i32
      %get3A_408 = arith.index_cast %add3A_407 : i32 to index
      %get3A_409 = tpu.vector_load %arg5[%get3A_408] {strides = array<i32>} : memref<32768xf32, #tpu.memory_space<vmem>>, vector<16xf32>,
      %ge3A = arith.cmpf oge, %get3A_381, %bitcast3A_171 : vector<16xf32>
      %max3A = arith.constant 0.000000e+00 : f32
      %max3A_410 = vector.broadcast %max3A : f32 to vector<16xf32>
      %max3A_411 = arith.maximumf %get3A_381, %max3A_410 : vector<16xf32>
      %jit3A_412 = arith.constant 0.000000e+00 : f32
      %broadcast_in_dim3A_413 = vector.broadcast %jit3A_412 : f32 to vector<16xf32>
      %select_n3A_414 = arith.select %ge3A, %max3A_411, %broadcast_in_dim3A_413 : vector<16xi1>, vector<16xf32>
      %ge3A_415 = arith.cmpf oge, %get3A_385, %bitcast3A_171 : vector<16xf32>
      %max3A_416 = arith.constant 0.000000e+00 : f32
      %max3A_417 = vector.broadcast %max3A_416 : f32 to vector<16xf32>
      %max3A_418 = arith.maximumf %get3A_385, %max3A_417 : vector<16xf32>
      %jit3A_419 = arith.constant 0.000000e+00 : f32
      %broadcast_in_dim3A_420 = vector.broadcast %jit3A_419 : f32 to vector<16xf32>
      %select_n3A_421 = arith.select %ge3A_415, %max3A_418, %broadcast_in_dim3A_420 : vector<16xi1>, vector<16xf32>
      %ge3A_422 = arith.cmpf oge, %get3A_389, %bitcast3A_171 : vector<16xf32>
      %max3A_423 = arith.constant 0.000000e+00 : f32
      %max3A_424 = vector.broadcast %max3A_423 : f32 to vector<16xf32>
      %max3A_425 = arith.maximumf %get3A_389, %max3A_424 : vector<16xf32>
      %jit3A_426 = arith.constant 0.000000e+00 : f32
      %broadcast_in_dim3A_427 = vector.broadcast %jit3A_426 : f32 to vector<16xf32>
      %select_n3A_428 = arith.select %ge3A_422, %max3A_425, %broadcast_in_dim3A_427 : vector<16xi1>, vector<16xf32>
      %ge3A_429 = arith.cmpf oge, %get3A_393, %bitcast3A_171 : vector<16xf32>
      %max3A_430 = arith.constant 0.000000e+00 : f32
      %max3A_431 = vector.broadcast %max3A_430 : f32 to vector<16xf32>
      %max3A_432 = arith.maximumf %get3A_393, %max3A_431 : vector<16xf32>
      %jit3A_433 = arith.constant 0.000000e+00 : f32
      %broadcast_in_dim3A_434 = vector.broadcast %jit3A_433 : f32 to vector<16xf32>
      %select_n3A_435 = arith.select %ge3A_429, %max3A_432, %broadcast_in_dim3A_434 : vector<16xi1>, vector<16xf32>
      %ge3A_436 = arith.cmpf oge, %get3A_397, %bitcast3A_171 : vector<16xf32>
      %max3A_437 = arith.constant 0.000000e+00 : f32
      %max3A_438 = vector.broadcast %max3A_437 : f32 to vector<16xf32>
      %max3A_439 = arith.maximumf %get3A_397, %max3A_438 : vector<16xf32>
      %jit3A_440 = arith.constant 0.000000e+00 : f32
      %broadcast_in_dim3A_441 = vector.broadcast %jit3A_440 : f32 to vector<16xf32>
      %select_n3A_442 = arith.select %ge3A_436, %max3A_439, %broadcast_in_dim3A_441 : vector<16xi1>, vector<16xf32>
      %ge3A_443 = arith.cmpf oge, %get3A_401, %bitcast3A_171 : vector<16xf32>
      %max3A_444 = arith.constant 0.000000e+00 : f32
      %max3A_445 = vector.broadcast %max3A_444 : f32 to vector<16xf32>
      %max3A_446 = arith.maximumf %get3A_401, %max3A_445 : vector<16xf32>
      %jit3A_447 = arith.constant 0.000000e+00 : f32
      %broadcast_in_dim3A_448 = vector.broadcast %jit3A_447 : f32 to vector<16xf32>
      %select_n3A_449 = arith.select %ge3A_443, %max3A_446, %broadcast_in_dim3A_448 : vector<16xi1>, vector<16xf32>
      %ge3A_450 = arith.cmpf oge, %get3A_405, %bitcast3A_171 : vector<16xf32>
      %max3A_451 = arith.constant 0.000000e+00 : f32
      %max3A_452 = vector.broadcast %max3A_451 : f32 to vector<16xf32>
      %max3A_453 = arith.maximumf %get3A_405, %max3A_452 : vector<16xf32>
      %jit3A_454 = arith.constant 0.000000e+00 : f32
      %broadcast_in_dim3A_455 = vector.broadcast %jit3A_454 : f32 to vector<16xf32>
      %select_n3A_456 = arith.select %ge3A_450, %max3A_453, %broadcast_in_dim3A_455 : vector<16xi1>, vector<16xf32>
      %ge3A_457 = arith.cmpf oge, %get3A_409, %bitcast3A_171 : vector<16xf32>
      %max3A_458 = arith.constant 0.000000e+00 : f32
      %max3A_459 = vector.broadcast %max3A_458 : f32 to vector<16xf32>
      %max3A_460 = arith.maximumf %get3A_409, %max3A_459 : vector<16xf32>
      %jit3A_461 = arith.constant 0.000000e+00 : f32
      %broadcast_in_dim3A_462 = vector.broadcast %jit3A_461 : f32 to vector<16xf32>
      %select_n3A_463 = arith.select %ge3A_457, %max3A_460, %broadcast_in_dim3A_462 : vector<16xi1>, vector<16xf32>
      %add3A_464 = arith.constant 0 : i32
      %add3A_465 = arith.addi %mul3A_378, %add3A_464 : i32
      %swap3A = arith.index_cast %add3A_465 : i32 to index
      %swap3A_466 = tpu.vector_load %arg5[%swap3A] {strides = array<i32>} : memref<32768xf32, #tpu.memory_space<vmem>>, vector<16xf32>,
      tpu.vector_store %arg5[%swap3A], %select_n3A_414 {strides = array<i32>} : memref<32768xf32, #tpu.memory_space<vmem>>, vector<16xf32>,
      %add3A_467 = arith.constant 16 : i32
      %add3A_468 = arith.addi %mul3A_378, %add3A_467 : i32
      %swap3A_469 = arith.index_cast %add3A_468 : i32 to index
      %swap3A_470 = tpu.vector_load %arg5[%swap3A_469] {strides = array<i32>} : memref<32768xf32, #tpu.memory_space<vmem>>, vector<16xf32>,
      tpu.vector_store %arg5[%swap3A_469], %select_n3A_421 {strides = array<i32>} : memref<32768xf32, #tpu.memory_space<vmem>>, vector<16xf32>,
      %add3A_471 = arith.constant 32 : i32
      %add3A_472 = arith.addi %mul3A_378, %add3A_471 : i32
      %swap3A_473 = arith.index_cast %add3A_472 : i32 to index
      %swap3A_474 = tpu.vector_load %arg5[%swap3A_473] {strides = array<i32>} : memref<32768xf32, #tpu.memory_space<vmem>>, vector<16xf32>,
      tpu.vector_store %arg5[%swap3A_473], %select_n3A_428 {strides = array<i32>} : memref<32768xf32, #tpu.memory_space<vmem>>, vector<16xf32>,
      %add3A_475 = arith.constant 48 : i32
      %add3A_476 = arith.addi %mul3A_378, %add3A_475 : i32
      %swap3A_477 = arith.index_cast %add3A_476 : i32 to index
      %swap3A_478 = tpu.vector_load %arg5[%swap3A_477] {strides = array<i32>} : memref<32768xf32, #tpu.memory_space<vmem>>, vector<16xf32>,
      tpu.vector_store %arg5[%swap3A_477], %select_n3A_435 {strides = array<i32>} : memref<32768xf32, #tpu.memory_space<vmem>>, vector<16xf32>,
      %add3A_479 = arith.constant 64 : i32
      %add3A_480 = arith.addi %mul3A_378, %add3A_479 : i32
      %swap3A_481 = arith.index_cast %add3A_480 : i32 to index
      %swap3A_482 = tpu.vector_load %arg5[%swap3A_481] {strides = array<i32>} : memref<32768xf32, #tpu.memory_space<vmem>>, vector<16xf32>,
      tpu.vector_store %arg5[%swap3A_481], %select_n3A_442 {strides = array<i32>} : memref<32768xf32, #tpu.memory_space<vmem>>, vector<16xf32>,
      %add3A_483 = arith.constant 80 : i32
      %add3A_484 = arith.addi %mul3A_378, %add3A_483 : i32
      %swap3A_485 = arith.index_cast %add3A_484 : i32 to index
      %swap3A_486 = tpu.vector_load %arg5[%swap3A_485] {strides = array<i32>} : memref<32768xf32, #tpu.memory_space<vmem>>, vector<16xf32>,
      tpu.vector_store %arg5[%swap3A_485], %select_n3A_449 {strides = array<i32>} : memref<32768xf32, #tpu.memory_space<vmem>>, vector<16xf32>,
      %add3A_487 = arith.constant 96 : i32
      %add3A_488 = arith.addi %mul3A_378, %add3A_487 : i32
      %swap3A_489 = arith.index_cast %add3A_488 : i32 to index
      %swap3A_490 = tpu.vector_load %arg5[%swap3A_489] {strides = array<i32>} : memref<32768xf32, #tpu.memory_space<vmem>>, vector<16xf32>,
      tpu.vector_store %arg5[%swap3A_489], %select_n3A_456 {strides = array<i32>} : memref<32768xf32, #tpu.memory_space<vmem>>, vector<16xf32>,
      %add3A_491 = arith.constant 112 : i32
      %add3A_492 = arith.addi %mul3A_378, %add3A_491 : i32
      %swap3A_493 = arith.index_cast %add3A_492 : i32 to index
      %swap3A_494 = tpu.vector_load %arg5[%swap3A_493] {strides = array<i32>} : memref<32768xf32, #tpu.memory_space<vmem>>, vector<16xf32>,
      tpu.vector_store %arg5[%swap3A_493], %select_n3A_463 {strides = array<i32>} : memref<32768xf32, #tpu.memory_space<vmem>>, vector<16xf32>,
    }
    %scan3A_177 = arith.constant 256 : i32
    %add3A_178 = arith.constant 1 : i32
    %add3A_179 = arith.addi %mul3A_2, %add3A_178 : i32
    "tpu.region"() ({
      %run_scoped3A = tpu.sem_alloc : memref<!tpu.dma_semaphore, #tpu.memory_space<semaphore_mem>>
      %dma_start3A = arith.constant 0 : i32
      %dma_start3A_376 = tpu.memref_slice %arg3[%add3A_179, %dma_start3A] : memref<128x32768xf32, #tpu.memory_space<hbm>> -> memref<1x32768xf32, #tpu.memory_space<hbm>>
      %dma_start3A_377 = tpu.memref_squeeze %dma_start3A_376 : memref<1x32768xf32, #tpu.memory_space<hbm>> -> memref<32768xf32, #tpu.memory_space<hbm>>
      %dma_start3A_378 = arith.constant 0 : i32
      %dma_start3A_379 = tpu.memref_slice %arg3[%add3A_179, %dma_start3A_378] : memref<128x32768xf32, #tpu.memory_space<hbm>> -> memref<1x32768xf32, #tpu.memory_space<hbm>>
      %dma_start3A_380 = tpu.memref_squeeze %dma_start3A_379 : memref<1x32768xf32, #tpu.memory_space<hbm>> -> memref<32768xf32, #tpu.memory_space<hbm>>
      tpu.enqueue_dma source(%arg5 : memref<32768xf32, #tpu.memory_space<vmem>>) target(%dma_start3A_380 : memref<32768xf32, #tpu.memory_space<hbm>>) target_semaphore(%run_scoped3A : memref<!tpu.dma_semaphore, #tpu.memory_space<semaphore_mem>>)
      %dma_wait3A = arith.constant 0 : i32
      %dma_wait3A_381 = tpu.memref_slice %arg3[%add3A_179, %dma_wait3A] : memref<128x32768xf32, #tpu.memory_space<hbm>> -> memref<1x32768xf32, #tpu.memory_space<hbm>>
      %dma_wait3A_382 = tpu.memref_squeeze %dma_wait3A_381 : memref<1x32768xf32, #tpu.memory_space<hbm>> -> memref<32768xf32, #tpu.memory_space<hbm>>
      %dma_wait3A_383 = arith.constant 0 : i32
      %dma_wait3A_384 = tpu.memref_slice %arg3[%add3A_179, %dma_wait3A_383] : memref<128x32768xf32, #tpu.memory_space<hbm>> -> memref<1x32768xf32, #tpu.memory_space<hbm>>
      %dma_wait3A_385 = tpu.memref_squeeze %dma_wait3A_384 : memref<1x32768xf32, #tpu.memory_space<hbm>> -> memref<32768xf32, #tpu.memory_space<hbm>>
      tpu.wait_dma2 semaphore(%run_scoped3A : memref<!tpu.dma_semaphore, #tpu.memory_space<semaphore_mem>>) src(%arg5 : memref<32768xf32, #tpu.memory_space<vmem>>) dst(%dma_wait3A_385 : memref<32768xf32, #tpu.memory_space<hbm>>)
      tpu.yield
    }) : () -> ()
    %add3A_180 = arith.constant 2 : i32
    %add3A_181 = arith.addi %mul3A_2, %add3A_180 : i32
    "tpu.region"() ({
      %run_scoped3A = tpu.sem_alloc : memref<!tpu.dma_semaphore, #tpu.memory_space<semaphore_mem>>
      %dma_start3A = arith.constant 0 : i32
      %dma_start3A_376 = tpu.memref_slice %arg2[%add3A_181, %dma_start3A] : memref<128x32768xf32, #tpu.memory_space<hbm>> -> memref<1x32768xf32, #tpu.memory_space<hbm>>
      %dma_start3A_377 = tpu.memref_squeeze %dma_start3A_376 : memref<1x32768xf32, #tpu.memory_space<hbm>> -> memref<32768xf32, #tpu.memory_space<hbm>>
      %dma_start3A_378 = arith.constant 0 : i32
      %dma_start3A_379 = tpu.memref_slice %arg2[%add3A_181, %dma_start3A_378] : memref<128x32768xf32, #tpu.memory_space<hbm>> -> memref<1x32768xf32, #tpu.memory_space<hbm>>
      %dma_start3A_380 = tpu.memref_squeeze %dma_start3A_379 : memref<1x32768xf32, #tpu.memory_space<hbm>> -> memref<32768xf32, #tpu.memory_space<hbm>>
      tpu.enqueue_dma source(%dma_start3A_380 : memref<32768xf32, #tpu.memory_space<hbm>>) target(%arg4 : memref<32768xf32, #tpu.memory_space<vmem>>) target_semaphore(%run_scoped3A : memref<!tpu.dma_semaphore, #tpu.memory_space<semaphore_mem>>)
      %dma_wait3A = arith.constant 0 : i32
      %dma_wait3A_381 = tpu.memref_slice %arg2[%add3A_181, %dma_wait3A] : memref<128x32768xf32, #tpu.memory_space<hbm>> -> memref<1x32768xf32, #tpu.memory_space<hbm>>
      %dma_wait3A_382 = tpu.memref_squeeze %dma_wait3A_381 : memref<1x32768xf32, #tpu.memory_space<hbm>> -> memref<32768xf32, #tpu.memory_space<hbm>>
      %dma_wait3A_383 = arith.constant 0 : i32
      %dma_wait3A_384 = tpu.memref_slice %arg2[%add3A_181, %dma_wait3A_383] : memref<128x32768xf32, #tpu.memory_space<hbm>> -> memref<1x32768xf32, #tpu.memory_space<hbm>>
      %dma_wait3A_385 = tpu.memref_squeeze %dma_wait3A_384 : memref<1x32768xf32, #tpu.memory_space<hbm>> -> memref<32768xf32, #tpu.memory_space<hbm>>
      tpu.wait_dma2 semaphore(%run_scoped3A : memref<!tpu.dma_semaphore, #tpu.memory_space<semaphore_mem>>) src(%dma_wait3A_385 : memref<32768xf32, #tpu.memory_space<hbm>>) dst(%arg4 : memref<32768xf32, #tpu.memory_space<vmem>>)
      tpu.yield
    }) : () -> ()
    %broadcast_in_dim3A_182 = arith.constant 0xFF800000 : f32
    %broadcast_in_dim3A_183 = vector.broadcast %broadcast_in_dim3A_182 : f32 to vector<16xf32>
    %scan3A_184 = arith.constant 0 : i32
    %scan3A_185 = arith.constant 256 : i32
    %scan3A_186 = arith.addi %scan3A_184, %scan3A_185 : i32
    %scan3A_187 = arith.constant 1 : i32
    %scan3A_188:8 = scf.for %scan3A_376 = %scan3A_184 to %scan3A_186 step %scan3A_187 iter_args(%scan3A_377 = %broadcast_in_dim3A_183, %scan3A_378 = %broadcast_in_dim3A_183, %scan3A_379 = %broadcast_in_dim3A_183, %scan3A_380 = %broadcast_in_dim3A_183, %scan3A_381 = %broadcast_in_dim3A_183, %scan3A_382 = %broadcast_in_dim3A_183, %scan3A_383 = %broadcast_in_dim3A_183, %scan3A_384 = %broadcast_in_dim3A_183) -> (vector<16xf32>, vector<16xf32>, vector<16xf32>, vector<16xf32>, vector<16xf32>, vector<16xf32>, vector<16xf32>, vector<16xf32>)  : i32 {
      %mul3A_385 = arith.constant 128 : i32
      %mul3A_386 = arith.muli %scan3A_376, %mul3A_385 : i32
      %add3A_387 = arith.constant 0 : i32
      %add3A_388 = arith.addi %mul3A_386, %add3A_387 : i32
      %get3A = arith.index_cast %add3A_388 : i32 to index
      %get3A_389 = tpu.vector_load %arg4[%get3A] {strides = array<i32>} : memref<32768xf32, #tpu.memory_space<vmem>>, vector<16xf32>,
      %max3A = arith.maximumf %scan3A_377, %get3A_389 : vector<16xf32>
      %add3A_390 = arith.constant 16 : i32
      %add3A_391 = arith.addi %mul3A_386, %add3A_390 : i32
      %get3A_392 = arith.index_cast %add3A_391 : i32 to index
      %get3A_393 = tpu.vector_load %arg4[%get3A_392] {strides = array<i32>} : memref<32768xf32, #tpu.memory_space<vmem>>, vector<16xf32>,
      %max3A_394 = arith.maximumf %scan3A_378, %get3A_393 : vector<16xf32>
      %add3A_395 = arith.constant 32 : i32
      %add3A_396 = arith.addi %mul3A_386, %add3A_395 : i32
      %get3A_397 = arith.index_cast %add3A_396 : i32 to index
      %get3A_398 = tpu.vector_load %arg4[%get3A_397] {strides = array<i32>} : memref<32768xf32, #tpu.memory_space<vmem>>, vector<16xf32>,
      %max3A_399 = arith.maximumf %scan3A_379, %get3A_398 : vector<16xf32>
      %add3A_400 = arith.constant 48 : i32
      %add3A_401 = arith.addi %mul3A_386, %add3A_400 : i32
      %get3A_402 = arith.index_cast %add3A_401 : i32 to index
      %get3A_403 = tpu.vector_load %arg4[%get3A_402] {strides = array<i32>} : memref<32768xf32, #tpu.memory_space<vmem>>, vector<16xf32>,
      %max3A_404 = arith.maximumf %scan3A_380, %get3A_403 : vector<16xf32>
      %add3A_405 = arith.constant 64 : i32
      %add3A_406 = arith.addi %mul3A_386, %add3A_405 : i32
      %get3A_407 = arith.index_cast %add3A_406 : i32 to index
      %get3A_408 = tpu.vector_load %arg4[%get3A_407] {strides = array<i32>} : memref<32768xf32, #tpu.memory_space<vmem>>, vector<16xf32>,
      %max3A_409 = arith.maximumf %scan3A_381, %get3A_408 : vector<16xf32>
      %add3A_410 = arith.constant 80 : i32
      %add3A_411 = arith.addi %mul3A_386, %add3A_410 : i32
      %get3A_412 = arith.index_cast %add3A_411 : i32 to index
      %get3A_413 = tpu.vector_load %arg4[%get3A_412] {strides = array<i32>} : memref<32768xf32, #tpu.memory_space<vmem>>, vector<16xf32>,
      %max3A_414 = arith.maximumf %scan3A_382, %get3A_413 : vector<16xf32>
      %add3A_415 = arith.constant 96 : i32
      %add3A_416 = arith.addi %mul3A_386, %add3A_415 : i32
      %get3A_417 = arith.index_cast %add3A_416 : i32 to index
      %get3A_418 = tpu.vector_load %arg4[%get3A_417] {strides = array<i32>} : memref<32768xf32, #tpu.memory_space<vmem>>, vector<16xf32>,
      %max3A_419 = arith.maximumf %scan3A_383, %get3A_418 : vector<16xf32>
      %add3A_420 = arith.constant 112 : i32
      %add3A_421 = arith.addi %mul3A_386, %add3A_420 : i32
      %get3A_422 = arith.index_cast %add3A_421 : i32 to index
      %get3A_423 = tpu.vector_load %arg4[%get3A_422] {strides = array<i32>} : memref<32768xf32, #tpu.memory_space<vmem>>, vector<16xf32>,
      %max3A_424 = arith.maximumf %scan3A_384, %get3A_423 : vector<16xf32>
      scf.yield %max3A, %max3A_394, %max3A_399, %max3A_404, %max3A_409, %max3A_414, %max3A_419, %max3A_424 : vector<16xf32>, vector<16xf32>, vector<16xf32>, vector<16xf32>, vector<16xf32>, vector<16xf32>, vector<16xf32>, vector<16xf32>
    }
    %scan3A_189 = arith.constant 256 : i32
    %min3A_190 = arith.minimumf %scan3A_188#0, %scan3A_188#1 : vector<16xf32>
    %min3A_191 = arith.minimumf %scan3A_188#2, %scan3A_188#3 : vector<16xf32>
    %min3A_192 = arith.minimumf %min3A_190, %min3A_191 : vector<16xf32>
    %min3A_193 = arith.minimumf %scan3A_188#4, %scan3A_188#5 : vector<16xf32>
    %min3A_194 = arith.minimumf %scan3A_188#6, %scan3A_188#7 : vector<16xf32>
    %min3A_195 = arith.minimumf %min3A_193, %min3A_194 : vector<16xf32>
    %min3A_196 = arith.minimumf %min3A_192, %min3A_195 : vector<16xf32>
    %neg3A_197 = arith.constant 0.000000e+00 : f32
    %neg3A_198 = vector.broadcast %neg3A_197 : f32 to vector<16xf32>
    %neg3A_199 = arith.subf %neg3A_198, %min3A_196 : vector<16xf32>
    %reduce_max3A_200 = arith.constant true
    %reduce_max3A_201 = vector.broadcast %reduce_max3A_200 : i1 to vector<16xi1>
    %reduce_max3A_202 = tpu.scan <max>, %neg3A_199 masked %reduce_max3A_201 : vector<16xf32>, vector<16xi1> -> vector<16xf32>
    %reduce_max3A_203 = vector.extract %reduce_max3A_202[15] : f32 from vector<16xf32>
    %neg3A_204 = arith.constant 0.000000e+00 : f32
    %neg3A_205 = arith.subf %neg3A_204, %reduce_max3A_203 : f32
    %scan3A_206 = arith.constant 0 : i32
    %scan3A_207 = arith.constant 0 : i32
    %scan3A_208 = arith.constant 256 : i32
    %scan3A_209 = arith.addi %scan3A_207, %scan3A_208 : i32
    %scan3A_210 = arith.constant 1 : i32
    %scan3A_211 = scf.for %scan3A_376 = %scan3A_207 to %scan3A_209 step %scan3A_210 iter_args(%scan3A_377 = %scan3A_206) -> (i32)  : i32 {
      %mul3A_378 = arith.constant 128 : i32
      %mul3A_379 = arith.muli %scan3A_376, %mul3A_378 : i32
      %add3A_380 = arith.constant 0 : i32
      %add3A_381 = arith.addi %mul3A_379, %add3A_380 : i32
      %get3A = arith.index_cast %add3A_381 : i32 to index
      %get3A_382 = tpu.vector_load %arg4[%get3A] {strides = array<i32>} : memref<32768xf32, #tpu.memory_space<vmem>>, vector<16xf32>,
      %add3A_383 = arith.constant 16 : i32
      %add3A_384 = arith.addi %mul3A_379, %add3A_383 : i32
      %get3A_385 = arith.index_cast %add3A_384 : i32 to index
      %get3A_386 = tpu.vector_load %arg4[%get3A_385] {strides = array<i32>} : memref<32768xf32, #tpu.memory_space<vmem>>, vector<16xf32>,
      %add3A_387 = arith.constant 32 : i32
      %add3A_388 = arith.addi %mul3A_379, %add3A_387 : i32
      %get3A_389 = arith.index_cast %add3A_388 : i32 to index
      %get3A_390 = tpu.vector_load %arg4[%get3A_389] {strides = array<i32>} : memref<32768xf32, #tpu.memory_space<vmem>>, vector<16xf32>,
      %add3A_391 = arith.constant 48 : i32
      %add3A_392 = arith.addi %mul3A_379, %add3A_391 : i32
      %get3A_393 = arith.index_cast %add3A_392 : i32 to index
      %get3A_394 = tpu.vector_load %arg4[%get3A_393] {strides = array<i32>} : memref<32768xf32, #tpu.memory_space<vmem>>, vector<16xf32>,
      %add3A_395 = arith.constant 64 : i32
      %add3A_396 = arith.addi %mul3A_379, %add3A_395 : i32
      %get3A_397 = arith.index_cast %add3A_396 : i32 to index
      %get3A_398 = tpu.vector_load %arg4[%get3A_397] {strides = array<i32>} : memref<32768xf32, #tpu.memory_space<vmem>>, vector<16xf32>,
      %add3A_399 = arith.constant 80 : i32
      %add3A_400 = arith.addi %mul3A_379, %add3A_399 : i32
      %get3A_401 = arith.index_cast %add3A_400 : i32 to index
      %get3A_402 = tpu.vector_load %arg4[%get3A_401] {strides = array<i32>} : memref<32768xf32, #tpu.memory_space<vmem>>, vector<16xf32>,
      %add3A_403 = arith.constant 96 : i32
      %add3A_404 = arith.addi %mul3A_379, %add3A_403 : i32
      %get3A_405 = arith.index_cast %add3A_404 : i32 to index
      %get3A_406 = tpu.vector_load %arg4[%get3A_405] {strides = array<i32>} : memref<32768xf32, #tpu.memory_space<vmem>>, vector<16xf32>,
      %add3A_407 = arith.constant 112 : i32
      %add3A_408 = arith.addi %mul3A_379, %add3A_407 : i32
      %get3A_409 = arith.index_cast %add3A_408 : i32 to index
      %get3A_410 = tpu.vector_load %arg4[%get3A_409] {strides = array<i32>} : memref<32768xf32, #tpu.memory_space<vmem>>, vector<16xf32>,
      %ge3A = vector.broadcast %neg3A_205 : f32 to vector<16xf32>
      %ge3A_411 = arith.cmpf oge, %get3A_382, %ge3A : vector<16xf32>
      %ge3A_412 = vector.broadcast %neg3A_205 : f32 to vector<16xf32>
      %ge3A_413 = arith.cmpf oge, %get3A_386, %ge3A_412 : vector<16xf32>
      %ge3A_414 = vector.broadcast %neg3A_205 : f32 to vector<16xf32>
      %ge3A_415 = arith.cmpf oge, %get3A_390, %ge3A_414 : vector<16xf32>
      %ge3A_416 = vector.broadcast %neg3A_205 : f32 to vector<16xf32>
      %ge3A_417 = arith.cmpf oge, %get3A_394, %ge3A_416 : vector<16xf32>
      %ge3A_418 = vector.broadcast %neg3A_205 : f32 to vector<16xf32>
      %ge3A_419 = arith.cmpf oge, %get3A_398, %ge3A_418 : vector<16xf32>
      %ge3A_420 = vector.broadcast %neg3A_205 : f32 to vector<16xf32>
      %ge3A_421 = arith.cmpf oge, %get3A_402, %ge3A_420 : vector<16xf32>
      %ge3A_422 = vector.broadcast %neg3A_205 : f32 to vector<16xf32>
      %ge3A_423 = arith.cmpf oge, %get3A_406, %ge3A_422 : vector<16xf32>
      %ge3A_424 = vector.broadcast %neg3A_205 : f32 to vector<16xf32>
      %ge3A_425 = arith.cmpf oge, %get3A_410, %ge3A_424 : vector<16xf32>
      %all_reduce_population_count3A = tpu.all_reduce %ge3A_411 {dim = 0 : i64, kind = #tpu.reduction_kind<sum>} : vector<16xi1> -> vector<16xi32>
      %slice3A = vector.extract_strided_slice %all_reduce_population_count3A {offsets = [0], sizes = [1], strides = [1]} : vector<16xi32> to vector<1xi32>
      %squeeze3A = vector.extract %slice3A[0] : i32 from vector<1xi32>
      %all_reduce_population_count3A_426 = tpu.all_reduce %ge3A_413 {dim = 0 : i64, kind = #tpu.reduction_kind<sum>} : vector<16xi1> -> vector<16xi32>
      %slice3A_427 = vector.extract_strided_slice %all_reduce_population_count3A_426 {offsets = [0], sizes = [1], strides = [1]} : vector<16xi32> to vector<1xi32>
      %squeeze3A_428 = vector.extract %slice3A_427[0] : i32 from vector<1xi32>
      %all_reduce_population_count3A_429 = tpu.all_reduce %ge3A_415 {dim = 0 : i64, kind = #tpu.reduction_kind<sum>} : vector<16xi1> -> vector<16xi32>
      %slice3A_430 = vector.extract_strided_slice %all_reduce_population_count3A_429 {offsets = [0], sizes = [1], strides = [1]} : vector<16xi32> to vector<1xi32>
      %squeeze3A_431 = vector.extract %slice3A_430[0] : i32 from vector<1xi32>
      %all_reduce_population_count3A_432 = tpu.all_reduce %ge3A_417 {dim = 0 : i64, kind = #tpu.reduction_kind<sum>} : vector<16xi1> -> vector<16xi32>
      %slice3A_433 = vector.extract_strided_slice %all_reduce_population_count3A_432 {offsets = [0], sizes = [1], strides = [1]} : vector<16xi32> to vector<1xi32>
      %squeeze3A_434 = vector.extract %slice3A_433[0] : i32 from vector<1xi32>
      %all_reduce_population_count3A_435 = tpu.all_reduce %ge3A_419 {dim = 0 : i64, kind = #tpu.reduction_kind<sum>} : vector<16xi1> -> vector<16xi32>
      %slice3A_436 = vector.extract_strided_slice %all_reduce_population_count3A_435 {offsets = [0], sizes = [1], strides = [1]} : vector<16xi32> to vector<1xi32>
      %squeeze3A_437 = vector.extract %slice3A_436[0] : i32 from vector<1xi32>
      %all_reduce_population_count3A_438 = tpu.all_reduce %ge3A_421 {dim = 0 : i64, kind = #tpu.reduction_kind<sum>} : vector<16xi1> -> vector<16xi32>
      %slice3A_439 = vector.extract_strided_slice %all_reduce_population_count3A_438 {offsets = [0], sizes = [1], strides = [1]} : vector<16xi32> to vector<1xi32>
      %squeeze3A_440 = vector.extract %slice3A_439[0] : i32 from vector<1xi32>
      %all_reduce_population_count3A_441 = tpu.all_reduce %ge3A_423 {dim = 0 : i64, kind = #tpu.reduction_kind<sum>} : vector<16xi1> -> vector<16xi32>
      %slice3A_442 = vector.extract_strided_slice %all_reduce_population_count3A_441 {offsets = [0], sizes = [1], strides = [1]} : vector<16xi32> to vector<1xi32>
      %squeeze3A_443 = vector.extract %slice3A_442[0] : i32 from vector<1xi32>
      %all_reduce_population_count3A_444 = tpu.all_reduce %ge3A_425 {dim = 0 : i64, kind = #tpu.reduction_kind<sum>} : vector<16xi1> -> vector<16xi32>
      %slice3A_445 = vector.extract_strided_slice %all_reduce_population_count3A_444 {offsets = [0], sizes = [1], strides = [1]} : vector<16xi32> to vector<1xi32>
      %squeeze3A_446 = vector.extract %slice3A_445[0] : i32 from vector<1xi32>
      %swap3A = arith.index_cast %scan3A_377 : i32 to index
      %swap3A_447 = tpu.vector_load %arg6[%swap3A] masked %ge3A_411 {strides = array<i32>} : memref<32800xf32, #tpu.memory_space<vmem>>, vector<16xf32>, vector<16xi1>
      tpu.vector_store %arg6[%swap3A], %get3A_382 masked %ge3A_411 {strides = array<i32>} : memref<32800xf32, #tpu.memory_space<vmem>>, vector<16xf32>, vector<16xi1>
      %add3A_448 = arith.addi %scan3A_377, %squeeze3A : i32
      %swap3A_449 = arith.index_cast %add3A_448 : i32 to index
      %swap3A_450 = tpu.vector_load %arg6[%swap3A_449] masked %ge3A_413 {strides = array<i32>} : memref<32800xf32, #tpu.memory_space<vmem>>, vector<16xf32>, vector<16xi1>
      tpu.vector_store %arg6[%swap3A_449], %get3A_386 masked %ge3A_413 {strides = array<i32>} : memref<32800xf32, #tpu.memory_space<vmem>>, vector<16xf32>, vector<16xi1>
      %add3A_451 = arith.addi %add3A_448, %squeeze3A_428 : i32
      %swap3A_452 = arith.index_cast %add3A_451 : i32 to index
      %swap3A_453 = tpu.vector_load %arg6[%swap3A_452] masked %ge3A_415 {strides = array<i32>} : memref<32800xf32, #tpu.memory_space<vmem>>, vector<16xf32>, vector<16xi1>
      tpu.vector_store %arg6[%swap3A_452], %get3A_390 masked %ge3A_415 {strides = array<i32>} : memref<32800xf32, #tpu.memory_space<vmem>>, vector<16xf32>, vector<16xi1>
      %add3A_454 = arith.addi %add3A_451, %squeeze3A_431 : i32
      %swap3A_455 = arith.index_cast %add3A_454 : i32 to index
      %swap3A_456 = tpu.vector_load %arg6[%swap3A_455] masked %ge3A_417 {strides = array<i32>} : memref<32800xf32, #tpu.memory_space<vmem>>, vector<16xf32>, vector<16xi1>
      tpu.vector_store %arg6[%swap3A_455], %get3A_394 masked %ge3A_417 {strides = array<i32>} : memref<32800xf32, #tpu.memory_space<vmem>>, vector<16xf32>, vector<16xi1>
      %add3A_457 = arith.addi %add3A_454, %squeeze3A_434 : i32
      %swap3A_458 = arith.index_cast %add3A_457 : i32 to index
      %swap3A_459 = tpu.vector_load %arg6[%swap3A_458] masked %ge3A_419 {strides = array<i32>} : memref<32800xf32, #tpu.memory_space<vmem>>, vector<16xf32>, vector<16xi1>
      tpu.vector_store %arg6[%swap3A_458], %get3A_398 masked %ge3A_419 {strides = array<i32>} : memref<32800xf32, #tpu.memory_space<vmem>>, vector<16xf32>, vector<16xi1>
      %add3A_460 = arith.addi %add3A_457, %squeeze3A_437 : i32
      %swap3A_461 = arith.index_cast %add3A_460 : i32 to index
      %swap3A_462 = tpu.vector_load %arg6[%swap3A_461] masked %ge3A_421 {strides = array<i32>} : memref<32800xf32, #tpu.memory_space<vmem>>, vector<16xf32>, vector<16xi1>
      tpu.vector_store %arg6[%swap3A_461], %get3A_402 masked %ge3A_421 {strides = array<i32>} : memref<32800xf32, #tpu.memory_space<vmem>>, vector<16xf32>, vector<16xi1>
      %add3A_463 = arith.addi %add3A_460, %squeeze3A_440 : i32
      %swap3A_464 = arith.index_cast %add3A_463 : i32 to index
      %swap3A_465 = tpu.vector_load %arg6[%swap3A_464] masked %ge3A_423 {strides = array<i32>} : memref<32800xf32, #tpu.memory_space<vmem>>, vector<16xf32>, vector<16xi1>
      tpu.vector_store %arg6[%swap3A_464], %get3A_406 masked %ge3A_423 {strides = array<i32>} : memref<32800xf32, #tpu.memory_space<vmem>>, vector<16xf32>, vector<16xi1>
      %add3A_466 = arith.addi %add3A_463, %squeeze3A_443 : i32
      %swap3A_467 = arith.index_cast %add3A_466 : i32 to index
      %swap3A_468 = tpu.vector_load %arg6[%swap3A_467] masked %ge3A_425 {strides = array<i32>} : memref<32800xf32, #tpu.memory_space<vmem>>, vector<16xf32>, vector<16xi1>
      tpu.vector_store %arg6[%swap3A_467], %get3A_410 masked %ge3A_425 {strides = array<i32>} : memref<32800xf32, #tpu.memory_space<vmem>>, vector<16xf32>, vector<16xi1>
      %add3A_469 = arith.addi %add3A_466, %squeeze3A_446 : i32
      scf.yield %add3A_469 : i32
    }
    %scan3A_212 = arith.constant 256 : i32
    %add3A_213 = arith.constant 16 : i32
    %add3A_214 = arith.addi %scan3A_211, %add3A_213 : i32
    %sub3A_215 = arith.constant 1 : i32
    %sub3A_216 = arith.subi %add3A_214, %sub3A_215 : i32
    %jit3A_217 = arith.constant 16 : i32
    %div3A_218 = arith.divsi %sub3A_216, %jit3A_217 : i32
    %sign3A_219 = arith.constant 0 : i32
    %sign3A_220 = arith.cmpi sgt, %sub3A_216, %sign3A_219 : i32
    %sign3A_221 = arith.extui %sign3A_220 : i1 to i32
    %sign3A_222 = arith.constant 0 : i32
    %sign3A_223 = arith.cmpi slt, %sub3A_216, %sign3A_222 : i32
    %sign3A_224 = arith.extui %sign3A_223 : i1 to i32
    %sign3A_225 = arith.subi %sign3A_221, %sign3A_224 : i32
    %sign3A_226 = arith.constant 0 : i32
    %sign3A_227 = arith.cmpi sgt, %jit3A_217, %sign3A_226 : i32
    %sign3A_228 = arith.extui %sign3A_227 : i1 to i32
    %sign3A_229 = arith.constant 0 : i32
    %sign3A_230 = arith.cmpi slt, %jit3A_217, %sign3A_229 : i32
    %sign3A_231 = arith.extui %sign3A_230 : i1 to i32
    %sign3A_232 = arith.subi %sign3A_228, %sign3A_231 : i32
    %ne3A_233 = arith.cmpi ne, %sign3A_225, %sign3A_232 : i32
    %rem3A_234 = arith.remsi %sub3A_216, %jit3A_217 : i32
    %ne3A_235 = arith.constant 0 : i32
    %ne3A_236 = arith.cmpi ne, %rem3A_234, %ne3A_235 : i32
    %and3A_237 = arith.andi %ne3A_233, %ne3A_236 : i1
    %sub3A_238 = arith.constant 1 : i32
    %sub3A_239 = arith.subi %div3A_218, %sub3A_238 : i32
    %select_n3A_240 = arith.select %and3A_237, %sub3A_239, %div3A_218 : i32
    %iota3A_241 = tpu.iota {dimensions = array<i32: 0>} : vector<16xi32>
    %while3A_242 = arith.constant 0 : i32
    %while3A_243 = arith.constant 0 : i32
    %while3A_244 = arith.subi %select_n3A_240, %while3A_243 : i32
    %while3A_245 = arith.addi %while3A_243, %while3A_244 : i32
    %while3A_246 = arith.constant 1 : i32
    %while3A_247 = arith.divsi %while3A_244, %while3A_246 : i32
    %while3A_248 = arith.muli %while3A_247, %while3A_246 : i32
    %while3A_249 = arith.addi %while3A_243, %while3A_248 : i32
    %while3A_250 = arith.constant 1 : i32
    scf.for %while3A_376 = %while3A_243 to %while3A_249 step %while3A_250  : i32 {
      %mul3A_377 = arith.constant 16 : i32
      %mul3A_378 = arith.muli %while3A_376, %mul3A_377 : i32
      %get3A = arith.index_cast %mul3A_378 : i32 to index
      %get3A_379 = tpu.vector_load %arg6[%get3A] {strides = array<i32>} : memref<32800xf32, #tpu.memory_space<vmem>>, vector<16xf32>,
      %bitcast3A_380 = vector.bitcast %get3A_379 : vector<16xf32> to vector<16xi32>
      %ge3A = arith.constant 0.000000e+00 : f32
      %ge3A_381 = vector.broadcast %ge3A : f32 to vector<16xf32>
      %ge3A_382 = arith.cmpf oge, %get3A_379, %ge3A_381 : vector<16xf32>
      %jit3A_383 = arith.constant -2147483648 : i32
      %jit3A_384 = arith.constant -1 : i32
      %broadcast_in_dim3A_385 = vector.broadcast %jit3A_383 : i32 to vector<16xi32>
      %broadcast_in_dim3A_386 = vector.broadcast %jit3A_384 : i32 to vector<16xi32>
      %select_n3A_387 = arith.select %ge3A_382, %broadcast_in_dim3A_385, %broadcast_in_dim3A_386 : vector<16xi1>, vector<16xi32>
      %xor3A_388 = arith.xori %bitcast3A_380, %select_n3A_387 : vector<16xi32>
      %mul3A_389 = arith.constant 16 : i32
      %mul3A_390 = arith.muli %while3A_376, %mul3A_389 : i32
      %sub3A_391 = arith.subi %scan3A_211, %mul3A_390 : i32
      %lt3A_392 = vector.broadcast %sub3A_391 : i32 to vector<16xi32>
      %lt3A_393 = arith.cmpi slt, %iota3A_241, %lt3A_392 : vector<16xi32>
      %jit3A_394 = arith.constant 0 : i32
      %broadcast_in_dim3A_395 = vector.broadcast %jit3A_394 : i32 to vector<16xi32>
      %select_n3A_396 = arith.select %lt3A_393, %xor3A_388, %broadcast_in_dim3A_395 : vector<16xi1>, vector<16xi32>
      %bitcast3A_397 = vector.bitcast %select_n3A_396 : vector<16xi32> to vector<16xf32>
      %mul3A_398 = arith.constant 16 : i32
      %mul3A_399 = arith.muli %while3A_376, %mul3A_398 : i32
      %swap3A = arith.index_cast %mul3A_399 : i32 to index
      %swap3A_400 = tpu.vector_load %arg6[%swap3A] {strides = array<i32>} : memref<32800xf32, #tpu.memory_space<vmem>>, vector<16xf32>,
      tpu.vector_store %arg6[%swap3A], %bitcast3A_397 {strides = array<i32>} : memref<32800xf32, #tpu.memory_space<vmem>>, vector<16xf32>,
    }
    %while3A_251 = arith.constant 1 : i32
    scf.for %while3A_376 = %while3A_249 to %while3A_245 step %while3A_251  : i32 {
      %mul3A_377 = arith.constant 16 : i32
      %mul3A_378 = arith.muli %while3A_376, %mul3A_377 : i32
      %get3A = arith.index_cast %mul3A_378 : i32 to index
      %get3A_379 = tpu.vector_load %arg6[%get3A] {strides = array<i32>} : memref<32800xf32, #tpu.memory_space<vmem>>, vector<16xf32>,
      %bitcast3A_380 = vector.bitcast %get3A_379 : vector<16xf32> to vector<16xi32>
      %ge3A = arith.constant 0.000000e+00 : f32
      %ge3A_381 = vector.broadcast %ge3A : f32 to vector<16xf32>
      %ge3A_382 = arith.cmpf oge, %get3A_379, %ge3A_381 : vector<16xf32>
      %jit3A_383 = arith.constant -2147483648 : i32
      %jit3A_384 = arith.constant -1 : i32
      %broadcast_in_dim3A_385 = vector.broadcast %jit3A_383 : i32 to vector<16xi32>
      %broadcast_in_dim3A_386 = vector.broadcast %jit3A_384 : i32 to vector<16xi32>
      %select_n3A_387 = arith.select %ge3A_382, %broadcast_in_dim3A_385, %broadcast_in_dim3A_386 : vector<16xi1>, vector<16xi32>
      %xor3A_388 = arith.xori %bitcast3A_380, %select_n3A_387 : vector<16xi32>
      %mul3A_389 = arith.constant 16 : i32
      %mul3A_390 = arith.muli %while3A_376, %mul3A_389 : i32
      %sub3A_391 = arith.subi %scan3A_211, %mul3A_390 : i32
      %lt3A_392 = vector.broadcast %sub3A_391 : i32 to vector<16xi32>
      %lt3A_393 = arith.cmpi slt, %iota3A_241, %lt3A_392 : vector<16xi32>
      %jit3A_394 = arith.constant 0 : i32
      %broadcast_in_dim3A_395 = vector.broadcast %jit3A_394 : i32 to vector<16xi32>
      %select_n3A_396 = arith.select %lt3A_393, %xor3A_388, %broadcast_in_dim3A_395 : vector<16xi1>, vector<16xi32>
      %bitcast3A_397 = vector.bitcast %select_n3A_396 : vector<16xi32> to vector<16xf32>
      %mul3A_398 = arith.constant 16 : i32
      %mul3A_399 = arith.muli %while3A_376, %mul3A_398 : i32
      %swap3A = arith.index_cast %mul3A_399 : i32 to index
      %swap3A_400 = tpu.vector_load %arg6[%swap3A] {strides = array<i32>} : memref<32800xf32, #tpu.memory_space<vmem>>, vector<16xf32>,
      tpu.vector_store %arg6[%swap3A], %bitcast3A_397 {strides = array<i32>} : memref<32800xf32, #tpu.memory_space<vmem>>, vector<16xf32>,
    }
    %scan3A_252 = arith.constant 0 : i32
    %scan3A_253 = arith.constant 0 : i32
    %scan3A_254 = arith.constant 32 : i32
    %scan3A_255 = arith.addi %scan3A_253, %scan3A_254 : i32
    %scan3A_256 = arith.constant 1 : i32
    %scan3A_257 = scf.for %scan3A_376 = %scan3A_253 to %scan3A_255 step %scan3A_256 iter_args(%scan3A_377 = %scan3A_252) -> (i32)  : i32 {
      %sub3A_378 = arith.constant 31 : i32
      %sub3A_379 = arith.subi %sub3A_378, %scan3A_376 : i32
      %shift_left3A = arith.constant 1 : i32
      %shift_left3A_380 = arith.shli %shift_left3A, %sub3A_379 : i32
      %or3A = arith.ori %scan3A_377, %shift_left3A_380 : i32
      %broadcast_in_dim3A_381 = arith.constant 0 : i32
      %broadcast_in_dim3A_382 = vector.broadcast %broadcast_in_dim3A_381 : i32 to vector<16xi32>
      %while3A_383 = arith.constant 0 : i32
      %while3A_384 = arith.subi %select_n3A_240, %while3A_383 : i32
      %while3A_385 = arith.addi %while3A_383, %while3A_384 : i32
      %while3A_386 = arith.constant 1 : i32
      %while3A_387 = arith.divsi %while3A_384, %while3A_386 : i32
      %while3A_388 = arith.muli %while3A_387, %while3A_386 : i32
      %while3A_389 = arith.addi %while3A_383, %while3A_388 : i32
      %while3A_390 = arith.constant 1 : i32
      %while3A_391 = scf.for %while3A_399 = %while3A_383 to %while3A_389 step %while3A_390 iter_args(%while3A_400 = %broadcast_in_dim3A_382) -> (vector<16xi32>)  : i32 {
        %mul3A_401 = arith.constant 16 : i32
        %mul3A_402 = arith.muli %while3A_399, %mul3A_401 : i32
        %get3A = arith.index_cast %mul3A_402 : i32 to index
        %get3A_403 = tpu.vector_load %arg6[%get3A] {strides = array<i32>} : memref<32800xf32, #tpu.memory_space<vmem>>, vector<16xf32>,
        %bitcast3A_404 = vector.bitcast %get3A_403 : vector<16xf32> to vector<16xi32>
        %ge3A_405 = vector.broadcast %or3A : i32 to vector<16xi32>
        %ge3A_406 = arith.cmpi uge, %bitcast3A_404, %ge3A_405 : vector<16xi32>
        %convert_element_type3A = arith.extui %ge3A_406 : vector<16xi1> to vector<16xi32>
        %add3A_407 = arith.addi %while3A_400, %convert_element_type3A : vector<16xi32>
        scf.yield %add3A_407 : vector<16xi32>
      }
      %while3A_392 = arith.constant 1 : i32
      %while3A_393 = scf.for %while3A_399 = %while3A_389 to %while3A_385 step %while3A_392 iter_args(%while3A_400 = %while3A_391) -> (vector<16xi32>)  : i32 {
        %mul3A_401 = arith.constant 16 : i32
        %mul3A_402 = arith.muli %while3A_399, %mul3A_401 : i32
        %get3A = arith.index_cast %mul3A_402 : i32 to index
        %get3A_403 = tpu.vector_load %arg6[%get3A] {strides = array<i32>} : memref<32800xf32, #tpu.memory_space<vmem>>, vector<16xf32>,
        %bitcast3A_404 = vector.bitcast %get3A_403 : vector<16xf32> to vector<16xi32>
        %ge3A_405 = vector.broadcast %or3A : i32 to vector<16xi32>
        %ge3A_406 = arith.cmpi uge, %bitcast3A_404, %ge3A_405 : vector<16xi32>
        %convert_element_type3A = arith.extui %ge3A_406 : vector<16xi1> to vector<16xi32>
        %add3A_407 = arith.addi %while3A_400, %convert_element_type3A : vector<16xi32>
        scf.yield %add3A_407 : vector<16xi32>
      }
      %reduce_sum3A = arith.constant true
      %reduce_sum3A_394 = vector.broadcast %reduce_sum3A : i1 to vector<16xi1>
      %reduce_sum3A_395 = tpu.scan <sum>, %while3A_393 masked %reduce_sum3A_394 : vector<16xi32>, vector<16xi1> -> vector<16xi32>
      %reduce_sum3A_396 = vector.extract %reduce_sum3A_395[15] : i32 from vector<16xi32>
      %ge3A = arith.constant 64 : i32
      %ge3A_397 = arith.cmpi sge, %reduce_sum3A_396, %ge3A : i32
      %select_n3A_398 = arith.select %ge3A_397, %or3A, %scan3A_377 : i32
      scf.yield %select_n3A_398 : i32
    }
    %scan3A_258 = arith.constant 32 : i32
    %broadcast_in_dim3A_259 = vector.broadcast %scan3A_257 : i32 to vector<16xi32>
    %lt3A_260 = arith.constant -2147483648 : i32
    %lt3A_261 = vector.broadcast %lt3A_260 : i32 to vector<16xi32>
    %lt3A_262 = arith.cmpi ult, %broadcast_in_dim3A_259, %lt3A_261 : vector<16xi32>
    %not3A_263 = arith.constant dense<-1> : vector<16xi32>
    %not3A_264 = arith.xori %broadcast_in_dim3A_259, %not3A_263 : vector<16xi32>
    %xor3A_265 = arith.constant -2147483648 : i32
    %xor3A_266 = vector.broadcast %xor3A_265 : i32 to vector<16xi32>
    %xor3A_267 = arith.xori %broadcast_in_dim3A_259, %xor3A_266 : vector<16xi32>
    %select_n3A_268 = arith.select %lt3A_262, %not3A_264, %xor3A_267 : vector<16xi1>, vector<16xi32>
    %bitcast3A_269 = vector.bitcast %select_n3A_268 : vector<16xi32> to vector<16xf32>
    %scan3A_270 = arith.constant 0 : i32
    %scan3A_271 = arith.constant 0 : i32
    %scan3A_272 = arith.constant 256 : i32
    %scan3A_273 = arith.addi %scan3A_271, %scan3A_272 : i32
    %scan3A_274 = arith.constant 1 : i32
    scf.for %scan3A_376 = %scan3A_271 to %scan3A_273 step %scan3A_274  : i32 {
      %mul3A_377 = arith.constant 128 : i32
      %mul3A_378 = arith.muli %scan3A_376, %mul3A_377 : i32
      %add3A_379 = arith.constant 0 : i32
      %add3A_380 = arith.addi %mul3A_378, %add3A_379 : i32
      %get3A = arith.index_cast %add3A_380 : i32 to index
      %get3A_381 = tpu.vector_load %arg4[%get3A] {strides = array<i32>} : memref<32768xf32, #tpu.memory_space<vmem>>, vector<16xf32>,
      %add3A_382 = arith.constant 16 : i32
      %add3A_383 = arith.addi %mul3A_378, %add3A_382 : i32
      %get3A_384 = arith.index_cast %add3A_383 : i32 to index
      %get3A_385 = tpu.vector_load %arg4[%get3A_384] {strides = array<i32>} : memref<32768xf32, #tpu.memory_space<vmem>>, vector<16xf32>,
      %add3A_386 = arith.constant 32 : i32
      %add3A_387 = arith.addi %mul3A_378, %add3A_386 : i32
      %get3A_388 = arith.index_cast %add3A_387 : i32 to index
      %get3A_389 = tpu.vector_load %arg4[%get3A_388] {strides = array<i32>} : memref<32768xf32, #tpu.memory_space<vmem>>, vector<16xf32>,
      %add3A_390 = arith.constant 48 : i32
      %add3A_391 = arith.addi %mul3A_378, %add3A_390 : i32
      %get3A_392 = arith.index_cast %add3A_391 : i32 to index
      %get3A_393 = tpu.vector_load %arg4[%get3A_392] {strides = array<i32>} : memref<32768xf32, #tpu.memory_space<vmem>>, vector<16xf32>,
      %add3A_394 = arith.constant 64 : i32
      %add3A_395 = arith.addi %mul3A_378, %add3A_394 : i32
      %get3A_396 = arith.index_cast %add3A_395 : i32 to index
      %get3A_397 = tpu.vector_load %arg4[%get3A_396] {strides = array<i32>} : memref<32768xf32, #tpu.memory_space<vmem>>, vector<16xf32>,
      %add3A_398 = arith.constant 80 : i32
      %add3A_399 = arith.addi %mul3A_378, %add3A_398 : i32
      %get3A_400 = arith.index_cast %add3A_399 : i32 to index
      %get3A_401 = tpu.vector_load %arg4[%get3A_400] {strides = array<i32>} : memref<32768xf32, #tpu.memory_space<vmem>>, vector<16xf32>,
      %add3A_402 = arith.constant 96 : i32
      %add3A_403 = arith.addi %mul3A_378, %add3A_402 : i32
      %get3A_404 = arith.index_cast %add3A_403 : i32 to index
      %get3A_405 = tpu.vector_load %arg4[%get3A_404] {strides = array<i32>} : memref<32768xf32, #tpu.memory_space<vmem>>, vector<16xf32>,
      %add3A_406 = arith.constant 112 : i32
      %add3A_407 = arith.addi %mul3A_378, %add3A_406 : i32
      %get3A_408 = arith.index_cast %add3A_407 : i32 to index
      %get3A_409 = tpu.vector_load %arg4[%get3A_408] {strides = array<i32>} : memref<32768xf32, #tpu.memory_space<vmem>>, vector<16xf32>,
      %ge3A = arith.cmpf oge, %get3A_381, %bitcast3A_269 : vector<16xf32>
      %max3A = arith.constant 0.000000e+00 : f32
      %max3A_410 = vector.broadcast %max3A : f32 to vector<16xf32>
      %max3A_411 = arith.maximumf %get3A_381, %max3A_410 : vector<16xf32>
      %jit3A_412 = arith.constant 0.000000e+00 : f32
      %broadcast_in_dim3A_413 = vector.broadcast %jit3A_412 : f32 to vector<16xf32>
      %select_n3A_414 = arith.select %ge3A, %max3A_411, %broadcast_in_dim3A_413 : vector<16xi1>, vector<16xf32>
      %ge3A_415 = arith.cmpf oge, %get3A_385, %bitcast3A_269 : vector<16xf32>
      %max3A_416 = arith.constant 0.000000e+00 : f32
      %max3A_417 = vector.broadcast %max3A_416 : f32 to vector<16xf32>
      %max3A_418 = arith.maximumf %get3A_385, %max3A_417 : vector<16xf32>
      %jit3A_419 = arith.constant 0.000000e+00 : f32
      %broadcast_in_dim3A_420 = vector.broadcast %jit3A_419 : f32 to vector<16xf32>
      %select_n3A_421 = arith.select %ge3A_415, %max3A_418, %broadcast_in_dim3A_420 : vector<16xi1>, vector<16xf32>
      %ge3A_422 = arith.cmpf oge, %get3A_389, %bitcast3A_269 : vector<16xf32>
      %max3A_423 = arith.constant 0.000000e+00 : f32
      %max3A_424 = vector.broadcast %max3A_423 : f32 to vector<16xf32>
      %max3A_425 = arith.maximumf %get3A_389, %max3A_424 : vector<16xf32>
      %jit3A_426 = arith.constant 0.000000e+00 : f32
      %broadcast_in_dim3A_427 = vector.broadcast %jit3A_426 : f32 to vector<16xf32>
      %select_n3A_428 = arith.select %ge3A_422, %max3A_425, %broadcast_in_dim3A_427 : vector<16xi1>, vector<16xf32>
      %ge3A_429 = arith.cmpf oge, %get3A_393, %bitcast3A_269 : vector<16xf32>
      %max3A_430 = arith.constant 0.000000e+00 : f32
      %max3A_431 = vector.broadcast %max3A_430 : f32 to vector<16xf32>
      %max3A_432 = arith.maximumf %get3A_393, %max3A_431 : vector<16xf32>
      %jit3A_433 = arith.constant 0.000000e+00 : f32
      %broadcast_in_dim3A_434 = vector.broadcast %jit3A_433 : f32 to vector<16xf32>
      %select_n3A_435 = arith.select %ge3A_429, %max3A_432, %broadcast_in_dim3A_434 : vector<16xi1>, vector<16xf32>
      %ge3A_436 = arith.cmpf oge, %get3A_397, %bitcast3A_269 : vector<16xf32>
      %max3A_437 = arith.constant 0.000000e+00 : f32
      %max3A_438 = vector.broadcast %max3A_437 : f32 to vector<16xf32>
      %max3A_439 = arith.maximumf %get3A_397, %max3A_438 : vector<16xf32>
      %jit3A_440 = arith.constant 0.000000e+00 : f32
      %broadcast_in_dim3A_441 = vector.broadcast %jit3A_440 : f32 to vector<16xf32>
      %select_n3A_442 = arith.select %ge3A_436, %max3A_439, %broadcast_in_dim3A_441 : vector<16xi1>, vector<16xf32>
      %ge3A_443 = arith.cmpf oge, %get3A_401, %bitcast3A_269 : vector<16xf32>
      %max3A_444 = arith.constant 0.000000e+00 : f32
      %max3A_445 = vector.broadcast %max3A_444 : f32 to vector<16xf32>
      %max3A_446 = arith.maximumf %get3A_401, %max3A_445 : vector<16xf32>
      %jit3A_447 = arith.constant 0.000000e+00 : f32
      %broadcast_in_dim3A_448 = vector.broadcast %jit3A_447 : f32 to vector<16xf32>
      %select_n3A_449 = arith.select %ge3A_443, %max3A_446, %broadcast_in_dim3A_448 : vector<16xi1>, vector<16xf32>
      %ge3A_450 = arith.cmpf oge, %get3A_405, %bitcast3A_269 : vector<16xf32>
      %max3A_451 = arith.constant 0.000000e+00 : f32
      %max3A_452 = vector.broadcast %max3A_451 : f32 to vector<16xf32>
      %max3A_453 = arith.maximumf %get3A_405, %max3A_452 : vector<16xf32>
      %jit3A_454 = arith.constant 0.000000e+00 : f32
      %broadcast_in_dim3A_455 = vector.broadcast %jit3A_454 : f32 to vector<16xf32>
      %select_n3A_456 = arith.select %ge3A_450, %max3A_453, %broadcast_in_dim3A_455 : vector<16xi1>, vector<16xf32>
      %ge3A_457 = arith.cmpf oge, %get3A_409, %bitcast3A_269 : vector<16xf32>
      %max3A_458 = arith.constant 0.000000e+00 : f32
      %max3A_459 = vector.broadcast %max3A_458 : f32 to vector<16xf32>
      %max3A_460 = arith.maximumf %get3A_409, %max3A_459 : vector<16xf32>
      %jit3A_461 = arith.constant 0.000000e+00 : f32
      %broadcast_in_dim3A_462 = vector.broadcast %jit3A_461 : f32 to vector<16xf32>
      %select_n3A_463 = arith.select %ge3A_457, %max3A_460, %broadcast_in_dim3A_462 : vector<16xi1>, vector<16xf32>
      %add3A_464 = arith.constant 0 : i32
      %add3A_465 = arith.addi %mul3A_378, %add3A_464 : i32
      %swap3A = arith.index_cast %add3A_465 : i32 to index
      %swap3A_466 = tpu.vector_load %arg4[%swap3A] {strides = array<i32>} : memref<32768xf32, #tpu.memory_space<vmem>>, vector<16xf32>,
      tpu.vector_store %arg4[%swap3A], %select_n3A_414 {strides = array<i32>} : memref<32768xf32, #tpu.memory_space<vmem>>, vector<16xf32>,
      %add3A_467 = arith.constant 16 : i32
      %add3A_468 = arith.addi %mul3A_378, %add3A_467 : i32
      %swap3A_469 = arith.index_cast %add3A_468 : i32 to index
      %swap3A_470 = tpu.vector_load %arg4[%swap3A_469] {strides = array<i32>} : memref<32768xf32, #tpu.memory_space<vmem>>, vector<16xf32>,
      tpu.vector_store %arg4[%swap3A_469], %select_n3A_421 {strides = array<i32>} : memref<32768xf32, #tpu.memory_space<vmem>>, vector<16xf32>,
      %add3A_471 = arith.constant 32 : i32
      %add3A_472 = arith.addi %mul3A_378, %add3A_471 : i32
      %swap3A_473 = arith.index_cast %add3A_472 : i32 to index
      %swap3A_474 = tpu.vector_load %arg4[%swap3A_473] {strides = array<i32>} : memref<32768xf32, #tpu.memory_space<vmem>>, vector<16xf32>,
      tpu.vector_store %arg4[%swap3A_473], %select_n3A_428 {strides = array<i32>} : memref<32768xf32, #tpu.memory_space<vmem>>, vector<16xf32>,
      %add3A_475 = arith.constant 48 : i32
      %add3A_476 = arith.addi %mul3A_378, %add3A_475 : i32
      %swap3A_477 = arith.index_cast %add3A_476 : i32 to index
      %swap3A_478 = tpu.vector_load %arg4[%swap3A_477] {strides = array<i32>} : memref<32768xf32, #tpu.memory_space<vmem>>, vector<16xf32>,
      tpu.vector_store %arg4[%swap3A_477], %select_n3A_435 {strides = array<i32>} : memref<32768xf32, #tpu.memory_space<vmem>>, vector<16xf32>,
      %add3A_479 = arith.constant 64 : i32
      %add3A_480 = arith.addi %mul3A_378, %add3A_479 : i32
      %swap3A_481 = arith.index_cast %add3A_480 : i32 to index
      %swap3A_482 = tpu.vector_load %arg4[%swap3A_481] {strides = array<i32>} : memref<32768xf32, #tpu.memory_space<vmem>>, vector<16xf32>,
      tpu.vector_store %arg4[%swap3A_481], %select_n3A_442 {strides = array<i32>} : memref<32768xf32, #tpu.memory_space<vmem>>, vector<16xf32>,
      %add3A_483 = arith.constant 80 : i32
      %add3A_484 = arith.addi %mul3A_378, %add3A_483 : i32
      %swap3A_485 = arith.index_cast %add3A_484 : i32 to index
      %swap3A_486 = tpu.vector_load %arg4[%swap3A_485] {strides = array<i32>} : memref<32768xf32, #tpu.memory_space<vmem>>, vector<16xf32>,
      tpu.vector_store %arg4[%swap3A_485], %select_n3A_449 {strides = array<i32>} : memref<32768xf32, #tpu.memory_space<vmem>>, vector<16xf32>,
      %add3A_487 = arith.constant 96 : i32
      %add3A_488 = arith.addi %mul3A_378, %add3A_487 : i32
      %swap3A_489 = arith.index_cast %add3A_488 : i32 to index
      %swap3A_490 = tpu.vector_load %arg4[%swap3A_489] {strides = array<i32>} : memref<32768xf32, #tpu.memory_space<vmem>>, vector<16xf32>,
      tpu.vector_store %arg4[%swap3A_489], %select_n3A_456 {strides = array<i32>} : memref<32768xf32, #tpu.memory_space<vmem>>, vector<16xf32>,
      %add3A_491 = arith.constant 112 : i32
      %add3A_492 = arith.addi %mul3A_378, %add3A_491 : i32
      %swap3A_493 = arith.index_cast %add3A_492 : i32 to index
      %swap3A_494 = tpu.vector_load %arg4[%swap3A_493] {strides = array<i32>} : memref<32768xf32, #tpu.memory_space<vmem>>, vector<16xf32>,
      tpu.vector_store %arg4[%swap3A_493], %select_n3A_463 {strides = array<i32>} : memref<32768xf32, #tpu.memory_space<vmem>>, vector<16xf32>,
    }
    %scan3A_275 = arith.constant 256 : i32
    %add3A_276 = arith.constant 2 : i32
    %add3A_277 = arith.addi %mul3A_2, %add3A_276 : i32
    "tpu.region"() ({
      %run_scoped3A = tpu.sem_alloc : memref<!tpu.dma_semaphore, #tpu.memory_space<semaphore_mem>>
      %dma_start3A = arith.constant 0 : i32
      %dma_start3A_376 = tpu.memref_slice %arg3[%add3A_277, %dma_start3A] : memref<128x32768xf32, #tpu.memory_space<hbm>> -> memref<1x32768xf32, #tpu.memory_space<hbm>>
      %dma_start3A_377 = tpu.memref_squeeze %dma_start3A_376 : memref<1x32768xf32, #tpu.memory_space<hbm>> -> memref<32768xf32, #tpu.memory_space<hbm>>
      %dma_start3A_378 = arith.constant 0 : i32
      %dma_start3A_379 = tpu.memref_slice %arg3[%add3A_277, %dma_start3A_378] : memref<128x32768xf32, #tpu.memory_space<hbm>> -> memref<1x32768xf32, #tpu.memory_space<hbm>>
      %dma_start3A_380 = tpu.memref_squeeze %dma_start3A_379 : memref<1x32768xf32, #tpu.memory_space<hbm>> -> memref<32768xf32, #tpu.memory_space<hbm>>
      tpu.enqueue_dma source(%arg4 : memref<32768xf32, #tpu.memory_space<vmem>>) target(%dma_start3A_380 : memref<32768xf32, #tpu.memory_space<hbm>>) target_semaphore(%run_scoped3A : memref<!tpu.dma_semaphore, #tpu.memory_space<semaphore_mem>>)
      %dma_wait3A = arith.constant 0 : i32
      %dma_wait3A_381 = tpu.memref_slice %arg3[%add3A_277, %dma_wait3A] : memref<128x32768xf32, #tpu.memory_space<hbm>> -> memref<1x32768xf32, #tpu.memory_space<hbm>>
      %dma_wait3A_382 = tpu.memref_squeeze %dma_wait3A_381 : memref<1x32768xf32, #tpu.memory_space<hbm>> -> memref<32768xf32, #tpu.memory_space<hbm>>
      %dma_wait3A_383 = arith.constant 0 : i32
      %dma_wait3A_384 = tpu.memref_slice %arg3[%add3A_277, %dma_wait3A_383] : memref<128x32768xf32, #tpu.memory_space<hbm>> -> memref<1x32768xf32, #tpu.memory_space<hbm>>
      %dma_wait3A_385 = tpu.memref_squeeze %dma_wait3A_384 : memref<1x32768xf32, #tpu.memory_space<hbm>> -> memref<32768xf32, #tpu.memory_space<hbm>>
      tpu.wait_dma2 semaphore(%run_scoped3A : memref<!tpu.dma_semaphore, #tpu.memory_space<semaphore_mem>>) src(%arg4 : memref<32768xf32, #tpu.memory_space<vmem>>) dst(%dma_wait3A_385 : memref<32768xf32, #tpu.memory_space<hbm>>)
      tpu.yield
    }) : () -> ()
    %add3A_278 = arith.constant 3 : i32
    %add3A_279 = arith.addi %mul3A_2, %add3A_278 : i32
    "tpu.region"() ({
      %run_scoped3A = tpu.sem_alloc : memref<!tpu.dma_semaphore, #tpu.memory_space<semaphore_mem>>
      %dma_start3A = arith.constant 0 : i32
      %dma_start3A_376 = tpu.memref_slice %arg2[%add3A_279, %dma_start3A] : memref<128x32768xf32, #tpu.memory_space<hbm>> -> memref<1x32768xf32, #tpu.memory_space<hbm>>
      %dma_start3A_377 = tpu.memref_squeeze %dma_start3A_376 : memref<1x32768xf32, #tpu.memory_space<hbm>> -> memref<32768xf32, #tpu.memory_space<hbm>>
      %dma_start3A_378 = arith.constant 0 : i32
      %dma_start3A_379 = tpu.memref_slice %arg2[%add3A_279, %dma_start3A_378] : memref<128x32768xf32, #tpu.memory_space<hbm>> -> memref<1x32768xf32, #tpu.memory_space<hbm>>
      %dma_start3A_380 = tpu.memref_squeeze %dma_start3A_379 : memref<1x32768xf32, #tpu.memory_space<hbm>> -> memref<32768xf32, #tpu.memory_space<hbm>>
      tpu.enqueue_dma source(%dma_start3A_380 : memref<32768xf32, #tpu.memory_space<hbm>>) target(%arg5 : memref<32768xf32, #tpu.memory_space<vmem>>) target_semaphore(%run_scoped3A : memref<!tpu.dma_semaphore, #tpu.memory_space<semaphore_mem>>)
      %dma_wait3A = arith.constant 0 : i32
      %dma_wait3A_381 = tpu.memref_slice %arg2[%add3A_279, %dma_wait3A] : memref<128x32768xf32, #tpu.memory_space<hbm>> -> memref<1x32768xf32, #tpu.memory_space<hbm>>
      %dma_wait3A_382 = tpu.memref_squeeze %dma_wait3A_381 : memref<1x32768xf32, #tpu.memory_space<hbm>> -> memref<32768xf32, #tpu.memory_space<hbm>>
      %dma_wait3A_383 = arith.constant 0 : i32
      %dma_wait3A_384 = tpu.memref_slice %arg2[%add3A_279, %dma_wait3A_383] : memref<128x32768xf32, #tpu.memory_space<hbm>> -> memref<1x32768xf32, #tpu.memory_space<hbm>>
      %dma_wait3A_385 = tpu.memref_squeeze %dma_wait3A_384 : memref<1x32768xf32, #tpu.memory_space<hbm>> -> memref<32768xf32, #tpu.memory_space<hbm>>
      tpu.wait_dma2 semaphore(%run_scoped3A : memref<!tpu.dma_semaphore, #tpu.memory_space<semaphore_mem>>) src(%dma_wait3A_385 : memref<32768xf32, #tpu.memory_space<hbm>>) dst(%arg5 : memref<32768xf32, #tpu.memory_space<vmem>>)
      tpu.yield
    }) : () -> ()
    %broadcast_in_dim3A_280 = arith.constant 0xFF800000 : f32
    %broadcast_in_dim3A_281 = vector.broadcast %broadcast_in_dim3A_280 : f32 to vector<16xf32>
    %scan3A_282 = arith.constant 0 : i32
    %scan3A_283 = arith.constant 256 : i32
    %scan3A_284 = arith.addi %scan3A_282, %scan3A_283 : i32
    %scan3A_285 = arith.constant 1 : i32
    %scan3A_286:8 = scf.for %scan3A_376 = %scan3A_282 to %scan3A_284 step %scan3A_285 iter_args(%scan3A_377 = %broadcast_in_dim3A_281, %scan3A_378 = %broadcast_in_dim3A_281, %scan3A_379 = %broadcast_in_dim3A_281, %scan3A_380 = %broadcast_in_dim3A_281, %scan3A_381 = %broadcast_in_dim3A_281, %scan3A_382 = %broadcast_in_dim3A_281, %scan3A_383 = %broadcast_in_dim3A_281, %scan3A_384 = %broadcast_in_dim3A_281) -> (vector<16xf32>, vector<16xf32>, vector<16xf32>, vector<16xf32>, vector<16xf32>, vector<16xf32>, vector<16xf32>, vector<16xf32>)  : i32 {
      %mul3A_385 = arith.constant 128 : i32
      %mul3A_386 = arith.muli %scan3A_376, %mul3A_385 : i32
      %add3A_387 = arith.constant 0 : i32
      %add3A_388 = arith.addi %mul3A_386, %add3A_387 : i32
      %get3A = arith.index_cast %add3A_388 : i32 to index
      %get3A_389 = tpu.vector_load %arg5[%get3A] {strides = array<i32>} : memref<32768xf32, #tpu.memory_space<vmem>>, vector<16xf32>,
      %max3A = arith.maximumf %scan3A_377, %get3A_389 : vector<16xf32>
      %add3A_390 = arith.constant 16 : i32
      %add3A_391 = arith.addi %mul3A_386, %add3A_390 : i32
      %get3A_392 = arith.index_cast %add3A_391 : i32 to index
      %get3A_393 = tpu.vector_load %arg5[%get3A_392] {strides = array<i32>} : memref<32768xf32, #tpu.memory_space<vmem>>, vector<16xf32>,
      %max3A_394 = arith.maximumf %scan3A_378, %get3A_393 : vector<16xf32>
      %add3A_395 = arith.constant 32 : i32
      %add3A_396 = arith.addi %mul3A_386, %add3A_395 : i32
      %get3A_397 = arith.index_cast %add3A_396 : i32 to index
      %get3A_398 = tpu.vector_load %arg5[%get3A_397] {strides = array<i32>} : memref<32768xf32, #tpu.memory_space<vmem>>, vector<16xf32>,
      %max3A_399 = arith.maximumf %scan3A_379, %get3A_398 : vector<16xf32>
      %add3A_400 = arith.constant 48 : i32
      %add3A_401 = arith.addi %mul3A_386, %add3A_400 : i32
      %get3A_402 = arith.index_cast %add3A_401 : i32 to index
      %get3A_403 = tpu.vector_load %arg5[%get3A_402] {strides = array<i32>} : memref<32768xf32, #tpu.memory_space<vmem>>, vector<16xf32>,
      %max3A_404 = arith.maximumf %scan3A_380, %get3A_403 : vector<16xf32>
      %add3A_405 = arith.constant 64 : i32
      %add3A_406 = arith.addi %mul3A_386, %add3A_405 : i32
      %get3A_407 = arith.index_cast %add3A_406 : i32 to index
      %get3A_408 = tpu.vector_load %arg5[%get3A_407] {strides = array<i32>} : memref<32768xf32, #tpu.memory_space<vmem>>, vector<16xf32>,
      %max3A_409 = arith.maximumf %scan3A_381, %get3A_408 : vector<16xf32>
      %add3A_410 = arith.constant 80 : i32
      %add3A_411 = arith.addi %mul3A_386, %add3A_410 : i32
      %get3A_412 = arith.index_cast %add3A_411 : i32 to index
      %get3A_413 = tpu.vector_load %arg5[%get3A_412] {strides = array<i32>} : memref<32768xf32, #tpu.memory_space<vmem>>, vector<16xf32>,
      %max3A_414 = arith.maximumf %scan3A_382, %get3A_413 : vector<16xf32>
      %add3A_415 = arith.constant 96 : i32
      %add3A_416 = arith.addi %mul3A_386, %add3A_415 : i32
      %get3A_417 = arith.index_cast %add3A_416 : i32 to index
      %get3A_418 = tpu.vector_load %arg5[%get3A_417] {strides = array<i32>} : memref<32768xf32, #tpu.memory_space<vmem>>, vector<16xf32>,
      %max3A_419 = arith.maximumf %scan3A_383, %get3A_418 : vector<16xf32>
      %add3A_420 = arith.constant 112 : i32
      %add3A_421 = arith.addi %mul3A_386, %add3A_420 : i32
      %get3A_422 = arith.index_cast %add3A_421 : i32 to index
      %get3A_423 = tpu.vector_load %arg5[%get3A_422] {strides = array<i32>} : memref<32768xf32, #tpu.memory_space<vmem>>, vector<16xf32>,
      %max3A_424 = arith.maximumf %scan3A_384, %get3A_423 : vector<16xf32>
      scf.yield %max3A, %max3A_394, %max3A_399, %max3A_404, %max3A_409, %max3A_414, %max3A_419, %max3A_424 : vector<16xf32>, vector<16xf32>, vector<16xf32>, vector<16xf32>, vector<16xf32>, vector<16xf32>, vector<16xf32>, vector<16xf32>
    }
    %scan3A_287 = arith.constant 256 : i32
    %min3A_288 = arith.minimumf %scan3A_286#0, %scan3A_286#1 : vector<16xf32>
    %min3A_289 = arith.minimumf %scan3A_286#2, %scan3A_286#3 : vector<16xf32>
    %min3A_290 = arith.minimumf %min3A_288, %min3A_289 : vector<16xf32>
    %min3A_291 = arith.minimumf %scan3A_286#4, %scan3A_286#5 : vector<16xf32>
    %min3A_292 = arith.minimumf %scan3A_286#6, %scan3A_286#7 : vector<16xf32>
    %min3A_293 = arith.minimumf %min3A_291, %min3A_292 : vector<16xf32>
    %min3A_294 = arith.minimumf %min3A_290, %min3A_293 : vector<16xf32>
    %neg3A_295 = arith.constant 0.000000e+00 : f32
    %neg3A_296 = vector.broadcast %neg3A_295 : f32 to vector<16xf32>
    %neg3A_297 = arith.subf %neg3A_296, %min3A_294 : vector<16xf32>
    %reduce_max3A_298 = arith.constant true
    %reduce_max3A_299 = vector.broadcast %reduce_max3A_298 : i1 to vector<16xi1>
    %reduce_max3A_300 = tpu.scan <max>, %neg3A_297 masked %reduce_max3A_299 : vector<16xf32>, vector<16xi1> -> vector<16xf32>
    %reduce_max3A_301 = vector.extract %reduce_max3A_300[15] : f32 from vector<16xf32>
    %neg3A_302 = arith.constant 0.000000e+00 : f32
    %neg3A_303 = arith.subf %neg3A_302, %reduce_max3A_301 : f32
    %scan3A_304 = arith.constant 0 : i32
    %scan3A_305 = arith.constant 0 : i32
    %scan3A_306 = arith.constant 256 : i32
    %scan3A_307 = arith.addi %scan3A_305, %scan3A_306 : i32
    %scan3A_308 = arith.constant 1 : i32
    %scan3A_309 = scf.for %scan3A_376 = %scan3A_305 to %scan3A_307 step %scan3A_308 iter_args(%scan3A_377 = %scan3A_304) -> (i32)  : i32 {
      %mul3A_378 = arith.constant 128 : i32
      %mul3A_379 = arith.muli %scan3A_376, %mul3A_378 : i32
      %add3A_380 = arith.constant 0 : i32
      %add3A_381 = arith.addi %mul3A_379, %add3A_380 : i32
      %get3A = arith.index_cast %add3A_381 : i32 to index
      %get3A_382 = tpu.vector_load %arg5[%get3A] {strides = array<i32>} : memref<32768xf32, #tpu.memory_space<vmem>>, vector<16xf32>,
      %add3A_383 = arith.constant 16 : i32
      %add3A_384 = arith.addi %mul3A_379, %add3A_383 : i32
      %get3A_385 = arith.index_cast %add3A_384 : i32 to index
      %get3A_386 = tpu.vector_load %arg5[%get3A_385] {strides = array<i32>} : memref<32768xf32, #tpu.memory_space<vmem>>, vector<16xf32>,
      %add3A_387 = arith.constant 32 : i32
      %add3A_388 = arith.addi %mul3A_379, %add3A_387 : i32
      %get3A_389 = arith.index_cast %add3A_388 : i32 to index
      %get3A_390 = tpu.vector_load %arg5[%get3A_389] {strides = array<i32>} : memref<32768xf32, #tpu.memory_space<vmem>>, vector<16xf32>,
      %add3A_391 = arith.constant 48 : i32
      %add3A_392 = arith.addi %mul3A_379, %add3A_391 : i32
      %get3A_393 = arith.index_cast %add3A_392 : i32 to index
      %get3A_394 = tpu.vector_load %arg5[%get3A_393] {strides = array<i32>} : memref<32768xf32, #tpu.memory_space<vmem>>, vector<16xf32>,
      %add3A_395 = arith.constant 64 : i32
      %add3A_396 = arith.addi %mul3A_379, %add3A_395 : i32
      %get3A_397 = arith.index_cast %add3A_396 : i32 to index
      %get3A_398 = tpu.vector_load %arg5[%get3A_397] {strides = array<i32>} : memref<32768xf32, #tpu.memory_space<vmem>>, vector<16xf32>,
      %add3A_399 = arith.constant 80 : i32
      %add3A_400 = arith.addi %mul3A_379, %add3A_399 : i32
      %get3A_401 = arith.index_cast %add3A_400 : i32 to index
      %get3A_402 = tpu.vector_load %arg5[%get3A_401] {strides = array<i32>} : memref<32768xf32, #tpu.memory_space<vmem>>, vector<16xf32>,
      %add3A_403 = arith.constant 96 : i32
      %add3A_404 = arith.addi %mul3A_379, %add3A_403 : i32
      %get3A_405 = arith.index_cast %add3A_404 : i32 to index
      %get3A_406 = tpu.vector_load %arg5[%get3A_405] {strides = array<i32>} : memref<32768xf32, #tpu.memory_space<vmem>>, vector<16xf32>,
      %add3A_407 = arith.constant 112 : i32
      %add3A_408 = arith.addi %mul3A_379, %add3A_407 : i32
      %get3A_409 = arith.index_cast %add3A_408 : i32 to index
      %get3A_410 = tpu.vector_load %arg5[%get3A_409] {strides = array<i32>} : memref<32768xf32, #tpu.memory_space<vmem>>, vector<16xf32>,
      %ge3A = vector.broadcast %neg3A_303 : f32 to vector<16xf32>
      %ge3A_411 = arith.cmpf oge, %get3A_382, %ge3A : vector<16xf32>
      %ge3A_412 = vector.broadcast %neg3A_303 : f32 to vector<16xf32>
      %ge3A_413 = arith.cmpf oge, %get3A_386, %ge3A_412 : vector<16xf32>
      %ge3A_414 = vector.broadcast %neg3A_303 : f32 to vector<16xf32>
      %ge3A_415 = arith.cmpf oge, %get3A_390, %ge3A_414 : vector<16xf32>
      %ge3A_416 = vector.broadcast %neg3A_303 : f32 to vector<16xf32>
      %ge3A_417 = arith.cmpf oge, %get3A_394, %ge3A_416 : vector<16xf32>
      %ge3A_418 = vector.broadcast %neg3A_303 : f32 to vector<16xf32>
      %ge3A_419 = arith.cmpf oge, %get3A_398, %ge3A_418 : vector<16xf32>
      %ge3A_420 = vector.broadcast %neg3A_303 : f32 to vector<16xf32>
      %ge3A_421 = arith.cmpf oge, %get3A_402, %ge3A_420 : vector<16xf32>
      %ge3A_422 = vector.broadcast %neg3A_303 : f32 to vector<16xf32>
      %ge3A_423 = arith.cmpf oge, %get3A_406, %ge3A_422 : vector<16xf32>
      %ge3A_424 = vector.broadcast %neg3A_303 : f32 to vector<16xf32>
      %ge3A_425 = arith.cmpf oge, %get3A_410, %ge3A_424 : vector<16xf32>
      %all_reduce_population_count3A = tpu.all_reduce %ge3A_411 {dim = 0 : i64, kind = #tpu.reduction_kind<sum>} : vector<16xi1> -> vector<16xi32>
      %slice3A = vector.extract_strided_slice %all_reduce_population_count3A {offsets = [0], sizes = [1], strides = [1]} : vector<16xi32> to vector<1xi32>
      %squeeze3A = vector.extract %slice3A[0] : i32 from vector<1xi32>
      %all_reduce_population_count3A_426 = tpu.all_reduce %ge3A_413 {dim = 0 : i64, kind = #tpu.reduction_kind<sum>} : vector<16xi1> -> vector<16xi32>
      %slice3A_427 = vector.extract_strided_slice %all_reduce_population_count3A_426 {offsets = [0], sizes = [1], strides = [1]} : vector<16xi32> to vector<1xi32>
      %squeeze3A_428 = vector.extract %slice3A_427[0] : i32 from vector<1xi32>
      %all_reduce_population_count3A_429 = tpu.all_reduce %ge3A_415 {dim = 0 : i64, kind = #tpu.reduction_kind<sum>} : vector<16xi1> -> vector<16xi32>
      %slice3A_430 = vector.extract_strided_slice %all_reduce_population_count3A_429 {offsets = [0], sizes = [1], strides = [1]} : vector<16xi32> to vector<1xi32>
      %squeeze3A_431 = vector.extract %slice3A_430[0] : i32 from vector<1xi32>
      %all_reduce_population_count3A_432 = tpu.all_reduce %ge3A_417 {dim = 0 : i64, kind = #tpu.reduction_kind<sum>} : vector<16xi1> -> vector<16xi32>
      %slice3A_433 = vector.extract_strided_slice %all_reduce_population_count3A_432 {offsets = [0], sizes = [1], strides = [1]} : vector<16xi32> to vector<1xi32>
      %squeeze3A_434 = vector.extract %slice3A_433[0] : i32 from vector<1xi32>
      %all_reduce_population_count3A_435 = tpu.all_reduce %ge3A_419 {dim = 0 : i64, kind = #tpu.reduction_kind<sum>} : vector<16xi1> -> vector<16xi32>
      %slice3A_436 = vector.extract_strided_slice %all_reduce_population_count3A_435 {offsets = [0], sizes = [1], strides = [1]} : vector<16xi32> to vector<1xi32>
      %squeeze3A_437 = vector.extract %slice3A_436[0] : i32 from vector<1xi32>
      %all_reduce_population_count3A_438 = tpu.all_reduce %ge3A_421 {dim = 0 : i64, kind = #tpu.reduction_kind<sum>} : vector<16xi1> -> vector<16xi32>
      %slice3A_439 = vector.extract_strided_slice %all_reduce_population_count3A_438 {offsets = [0], sizes = [1], strides = [1]} : vector<16xi32> to vector<1xi32>
      %squeeze3A_440 = vector.extract %slice3A_439[0] : i32 from vector<1xi32>
      %all_reduce_population_count3A_441 = tpu.all_reduce %ge3A_423 {dim = 0 : i64, kind = #tpu.reduction_kind<sum>} : vector<16xi1> -> vector<16xi32>
      %slice3A_442 = vector.extract_strided_slice %all_reduce_population_count3A_441 {offsets = [0], sizes = [1], strides = [1]} : vector<16xi32> to vector<1xi32>
      %squeeze3A_443 = vector.extract %slice3A_442[0] : i32 from vector<1xi32>
      %all_reduce_population_count3A_444 = tpu.all_reduce %ge3A_425 {dim = 0 : i64, kind = #tpu.reduction_kind<sum>} : vector<16xi1> -> vector<16xi32>
      %slice3A_445 = vector.extract_strided_slice %all_reduce_population_count3A_444 {offsets = [0], sizes = [1], strides = [1]} : vector<16xi32> to vector<1xi32>
      %squeeze3A_446 = vector.extract %slice3A_445[0] : i32 from vector<1xi32>
      %swap3A = arith.index_cast %scan3A_377 : i32 to index
      %swap3A_447 = tpu.vector_load %arg6[%swap3A] masked %ge3A_411 {strides = array<i32>} : memref<32800xf32, #tpu.memory_space<vmem>>, vector<16xf32>, vector<16xi1>
      tpu.vector_store %arg6[%swap3A], %get3A_382 masked %ge3A_411 {strides = array<i32>} : memref<32800xf32, #tpu.memory_space<vmem>>, vector<16xf32>, vector<16xi1>
      %add3A_448 = arith.addi %scan3A_377, %squeeze3A : i32
      %swap3A_449 = arith.index_cast %add3A_448 : i32 to index
      %swap3A_450 = tpu.vector_load %arg6[%swap3A_449] masked %ge3A_413 {strides = array<i32>} : memref<32800xf32, #tpu.memory_space<vmem>>, vector<16xf32>, vector<16xi1>
      tpu.vector_store %arg6[%swap3A_449], %get3A_386 masked %ge3A_413 {strides = array<i32>} : memref<32800xf32, #tpu.memory_space<vmem>>, vector<16xf32>, vector<16xi1>
      %add3A_451 = arith.addi %add3A_448, %squeeze3A_428 : i32
      %swap3A_452 = arith.index_cast %add3A_451 : i32 to index
      %swap3A_453 = tpu.vector_load %arg6[%swap3A_452] masked %ge3A_415 {strides = array<i32>} : memref<32800xf32, #tpu.memory_space<vmem>>, vector<16xf32>, vector<16xi1>
      tpu.vector_store %arg6[%swap3A_452], %get3A_390 masked %ge3A_415 {strides = array<i32>} : memref<32800xf32, #tpu.memory_space<vmem>>, vector<16xf32>, vector<16xi1>
      %add3A_454 = arith.addi %add3A_451, %squeeze3A_431 : i32
      %swap3A_455 = arith.index_cast %add3A_454 : i32 to index
      %swap3A_456 = tpu.vector_load %arg6[%swap3A_455] masked %ge3A_417 {strides = array<i32>} : memref<32800xf32, #tpu.memory_space<vmem>>, vector<16xf32>, vector<16xi1>
      tpu.vector_store %arg6[%swap3A_455], %get3A_394 masked %ge3A_417 {strides = array<i32>} : memref<32800xf32, #tpu.memory_space<vmem>>, vector<16xf32>, vector<16xi1>
      %add3A_457 = arith.addi %add3A_454, %squeeze3A_434 : i32
      %swap3A_458 = arith.index_cast %add3A_457 : i32 to index
      %swap3A_459 = tpu.vector_load %arg6[%swap3A_458] masked %ge3A_419 {strides = array<i32>} : memref<32800xf32, #tpu.memory_space<vmem>>, vector<16xf32>, vector<16xi1>
      tpu.vector_store %arg6[%swap3A_458], %get3A_398 masked %ge3A_419 {strides = array<i32>} : memref<32800xf32, #tpu.memory_space<vmem>>, vector<16xf32>, vector<16xi1>
      %add3A_460 = arith.addi %add3A_457, %squeeze3A_437 : i32
      %swap3A_461 = arith.index_cast %add3A_460 : i32 to index
      %swap3A_462 = tpu.vector_load %arg6[%swap3A_461] masked %ge3A_421 {strides = array<i32>} : memref<32800xf32, #tpu.memory_space<vmem>>, vector<16xf32>, vector<16xi1>
      tpu.vector_store %arg6[%swap3A_461], %get3A_402 masked %ge3A_421 {strides = array<i32>} : memref<32800xf32, #tpu.memory_space<vmem>>, vector<16xf32>, vector<16xi1>
      %add3A_463 = arith.addi %add3A_460, %squeeze3A_440 : i32
      %swap3A_464 = arith.index_cast %add3A_463 : i32 to index
      %swap3A_465 = tpu.vector_load %arg6[%swap3A_464] masked %ge3A_423 {strides = array<i32>} : memref<32800xf32, #tpu.memory_space<vmem>>, vector<16xf32>, vector<16xi1>
      tpu.vector_store %arg6[%swap3A_464], %get3A_406 masked %ge3A_423 {strides = array<i32>} : memref<32800xf32, #tpu.memory_space<vmem>>, vector<16xf32>, vector<16xi1>
      %add3A_466 = arith.addi %add3A_463, %squeeze3A_443 : i32
      %swap3A_467 = arith.index_cast %add3A_466 : i32 to index
      %swap3A_468 = tpu.vector_load %arg6[%swap3A_467] masked %ge3A_425 {strides = array<i32>} : memref<32800xf32, #tpu.memory_space<vmem>>, vector<16xf32>, vector<16xi1>
      tpu.vector_store %arg6[%swap3A_467], %get3A_410 masked %ge3A_425 {strides = array<i32>} : memref<32800xf32, #tpu.memory_space<vmem>>, vector<16xf32>, vector<16xi1>
      %add3A_469 = arith.addi %add3A_466, %squeeze3A_446 : i32
      scf.yield %add3A_469 : i32
    }
    %scan3A_310 = arith.constant 256 : i32
    %add3A_311 = arith.constant 16 : i32
    %add3A_312 = arith.addi %scan3A_309, %add3A_311 : i32
    %sub3A_313 = arith.constant 1 : i32
    %sub3A_314 = arith.subi %add3A_312, %sub3A_313 : i32
    %jit3A_315 = arith.constant 16 : i32
    %div3A_316 = arith.divsi %sub3A_314, %jit3A_315 : i32
    %sign3A_317 = arith.constant 0 : i32
    %sign3A_318 = arith.cmpi sgt, %sub3A_314, %sign3A_317 : i32
    %sign3A_319 = arith.extui %sign3A_318 : i1 to i32
    %sign3A_320 = arith.constant 0 : i32
    %sign3A_321 = arith.cmpi slt, %sub3A_314, %sign3A_320 : i32
    %sign3A_322 = arith.extui %sign3A_321 : i1 to i32
    %sign3A_323 = arith.subi %sign3A_319, %sign3A_322 : i32
    %sign3A_324 = arith.constant 0 : i32
    %sign3A_325 = arith.cmpi sgt, %jit3A_315, %sign3A_324 : i32
    %sign3A_326 = arith.extui %sign3A_325 : i1 to i32
    %sign3A_327 = arith.constant 0 : i32
    %sign3A_328 = arith.cmpi slt, %jit3A_315, %sign3A_327 : i32
    %sign3A_329 = arith.extui %sign3A_328 : i1 to i32
    %sign3A_330 = arith.subi %sign3A_326, %sign3A_329 : i32
    %ne3A_331 = arith.cmpi ne, %sign3A_323, %sign3A_330 : i32
    %rem3A_332 = arith.remsi %sub3A_314, %jit3A_315 : i32
    %ne3A_333 = arith.constant 0 : i32
    %ne3A_334 = arith.cmpi ne, %rem3A_332, %ne3A_333 : i32
    %and3A_335 = arith.andi %ne3A_331, %ne3A_334 : i1
    %sub3A_336 = arith.constant 1 : i32
    %sub3A_337 = arith.subi %div3A_316, %sub3A_336 : i32
    %select_n3A_338 = arith.select %and3A_335, %sub3A_337, %div3A_316 : i32
    %iota3A_339 = tpu.iota {dimensions = array<i32: 0>} : vector<16xi32>
    %while3A_340 = arith.constant 0 : i32
    %while3A_341 = arith.constant 0 : i32
    %while3A_342 = arith.subi %select_n3A_338, %while3A_341 : i32
    %while3A_343 = arith.addi %while3A_341, %while3A_342 : i32
    %while3A_344 = arith.constant 1 : i32
    %while3A_345 = arith.divsi %while3A_342, %while3A_344 : i32
    %while3A_346 = arith.muli %while3A_345, %while3A_344 : i32
    %while3A_347 = arith.addi %while3A_341, %while3A_346 : i32
    %while3A_348 = arith.constant 1 : i32
    scf.for %while3A_376 = %while3A_341 to %while3A_347 step %while3A_348  : i32 {
      %mul3A_377 = arith.constant 16 : i32
      %mul3A_378 = arith.muli %while3A_376, %mul3A_377 : i32
      %get3A = arith.index_cast %mul3A_378 : i32 to index
      %get3A_379 = tpu.vector_load %arg6[%get3A] {strides = array<i32>} : memref<32800xf32, #tpu.memory_space<vmem>>, vector<16xf32>,
      %bitcast3A_380 = vector.bitcast %get3A_379 : vector<16xf32> to vector<16xi32>
      %ge3A = arith.constant 0.000000e+00 : f32
      %ge3A_381 = vector.broadcast %ge3A : f32 to vector<16xf32>
      %ge3A_382 = arith.cmpf oge, %get3A_379, %ge3A_381 : vector<16xf32>
      %jit3A_383 = arith.constant -2147483648 : i32
      %jit3A_384 = arith.constant -1 : i32
      %broadcast_in_dim3A_385 = vector.broadcast %jit3A_383 : i32 to vector<16xi32>
      %broadcast_in_dim3A_386 = vector.broadcast %jit3A_384 : i32 to vector<16xi32>
      %select_n3A_387 = arith.select %ge3A_382, %broadcast_in_dim3A_385, %broadcast_in_dim3A_386 : vector<16xi1>, vector<16xi32>
      %xor3A_388 = arith.xori %bitcast3A_380, %select_n3A_387 : vector<16xi32>
      %mul3A_389 = arith.constant 16 : i32
      %mul3A_390 = arith.muli %while3A_376, %mul3A_389 : i32
      %sub3A_391 = arith.subi %scan3A_309, %mul3A_390 : i32
      %lt3A_392 = vector.broadcast %sub3A_391 : i32 to vector<16xi32>
      %lt3A_393 = arith.cmpi slt, %iota3A_339, %lt3A_392 : vector<16xi32>
      %jit3A_394 = arith.constant 0 : i32
      %broadcast_in_dim3A_395 = vector.broadcast %jit3A_394 : i32 to vector<16xi32>
      %select_n3A_396 = arith.select %lt3A_393, %xor3A_388, %broadcast_in_dim3A_395 : vector<16xi1>, vector<16xi32>
      %bitcast3A_397 = vector.bitcast %select_n3A_396 : vector<16xi32> to vector<16xf32>
      %mul3A_398 = arith.constant 16 : i32
      %mul3A_399 = arith.muli %while3A_376, %mul3A_398 : i32
      %swap3A = arith.index_cast %mul3A_399 : i32 to index
      %swap3A_400 = tpu.vector_load %arg6[%swap3A] {strides = array<i32>} : memref<32800xf32, #tpu.memory_space<vmem>>, vector<16xf32>,
      tpu.vector_store %arg6[%swap3A], %bitcast3A_397 {strides = array<i32>} : memref<32800xf32, #tpu.memory_space<vmem>>, vector<16xf32>,
    }
    %while3A_349 = arith.constant 1 : i32
    scf.for %while3A_376 = %while3A_347 to %while3A_343 step %while3A_349  : i32 {
      %mul3A_377 = arith.constant 16 : i32
      %mul3A_378 = arith.muli %while3A_376, %mul3A_377 : i32
      %get3A = arith.index_cast %mul3A_378 : i32 to index
      %get3A_379 = tpu.vector_load %arg6[%get3A] {strides = array<i32>} : memref<32800xf32, #tpu.memory_space<vmem>>, vector<16xf32>,
      %bitcast3A_380 = vector.bitcast %get3A_379 : vector<16xf32> to vector<16xi32>
      %ge3A = arith.constant 0.000000e+00 : f32
      %ge3A_381 = vector.broadcast %ge3A : f32 to vector<16xf32>
      %ge3A_382 = arith.cmpf oge, %get3A_379, %ge3A_381 : vector<16xf32>
      %jit3A_383 = arith.constant -2147483648 : i32
      %jit3A_384 = arith.constant -1 : i32
      %broadcast_in_dim3A_385 = vector.broadcast %jit3A_383 : i32 to vector<16xi32>
      %broadcast_in_dim3A_386 = vector.broadcast %jit3A_384 : i32 to vector<16xi32>
      %select_n3A_387 = arith.select %ge3A_382, %broadcast_in_dim3A_385, %broadcast_in_dim3A_386 : vector<16xi1>, vector<16xi32>
      %xor3A_388 = arith.xori %bitcast3A_380, %select_n3A_387 : vector<16xi32>
      %mul3A_389 = arith.constant 16 : i32
      %mul3A_390 = arith.muli %while3A_376, %mul3A_389 : i32
      %sub3A_391 = arith.subi %scan3A_309, %mul3A_390 : i32
      %lt3A_392 = vector.broadcast %sub3A_391 : i32 to vector<16xi32>
      %lt3A_393 = arith.cmpi slt, %iota3A_339, %lt3A_392 : vector<16xi32>
      %jit3A_394 = arith.constant 0 : i32
      %broadcast_in_dim3A_395 = vector.broadcast %jit3A_394 : i32 to vector<16xi32>
      %select_n3A_396 = arith.select %lt3A_393, %xor3A_388, %broadcast_in_dim3A_395 : vector<16xi1>, vector<16xi32>
      %bitcast3A_397 = vector.bitcast %select_n3A_396 : vector<16xi32> to vector<16xf32>
      %mul3A_398 = arith.constant 16 : i32
      %mul3A_399 = arith.muli %while3A_376, %mul3A_398 : i32
      %swap3A = arith.index_cast %mul3A_399 : i32 to index
      %swap3A_400 = tpu.vector_load %arg6[%swap3A] {strides = array<i32>} : memref<32800xf32, #tpu.memory_space<vmem>>, vector<16xf32>,
      tpu.vector_store %arg6[%swap3A], %bitcast3A_397 {strides = array<i32>} : memref<32800xf32, #tpu.memory_space<vmem>>, vector<16xf32>,
    }
    %scan3A_350 = arith.constant 0 : i32
    %scan3A_351 = arith.constant 0 : i32
    %scan3A_352 = arith.constant 32 : i32
    %scan3A_353 = arith.addi %scan3A_351, %scan3A_352 : i32
    %scan3A_354 = arith.constant 1 : i32
    %scan3A_355 = scf.for %scan3A_376 = %scan3A_351 to %scan3A_353 step %scan3A_354 iter_args(%scan3A_377 = %scan3A_350) -> (i32)  : i32 {
      %sub3A_378 = arith.constant 31 : i32
      %sub3A_379 = arith.subi %sub3A_378, %scan3A_376 : i32
      %shift_left3A = arith.constant 1 : i32
      %shift_left3A_380 = arith.shli %shift_left3A, %sub3A_379 : i32
      %or3A = arith.ori %scan3A_377, %shift_left3A_380 : i32
      %broadcast_in_dim3A_381 = arith.constant 0 : i32
      %broadcast_in_dim3A_382 = vector.broadcast %broadcast_in_dim3A_381 : i32 to vector<16xi32>
      %while3A_383 = arith.constant 0 : i32
      %while3A_384 = arith.subi %select_n3A_338, %while3A_383 : i32
      %while3A_385 = arith.addi %while3A_383, %while3A_384 : i32
      %while3A_386 = arith.constant 1 : i32
      %while3A_387 = arith.divsi %while3A_384, %while3A_386 : i32
      %while3A_388 = arith.muli %while3A_387, %while3A_386 : i32
      %while3A_389 = arith.addi %while3A_383, %while3A_388 : i32
      %while3A_390 = arith.constant 1 : i32
      %while3A_391 = scf.for %while3A_399 = %while3A_383 to %while3A_389 step %while3A_390 iter_args(%while3A_400 = %broadcast_in_dim3A_382) -> (vector<16xi32>)  : i32 {
        %mul3A_401 = arith.constant 16 : i32
        %mul3A_402 = arith.muli %while3A_399, %mul3A_401 : i32
        %get3A = arith.index_cast %mul3A_402 : i32 to index
        %get3A_403 = tpu.vector_load %arg6[%get3A] {strides = array<i32>} : memref<32800xf32, #tpu.memory_space<vmem>>, vector<16xf32>,
        %bitcast3A_404 = vector.bitcast %get3A_403 : vector<16xf32> to vector<16xi32>
        %ge3A_405 = vector.broadcast %or3A : i32 to vector<16xi32>
        %ge3A_406 = arith.cmpi uge, %bitcast3A_404, %ge3A_405 : vector<16xi32>
        %convert_element_type3A = arith.extui %ge3A_406 : vector<16xi1> to vector<16xi32>
        %add3A_407 = arith.addi %while3A_400, %convert_element_type3A : vector<16xi32>
        scf.yield %add3A_407 : vector<16xi32>
      }
      %while3A_392 = arith.constant 1 : i32
      %while3A_393 = scf.for %while3A_399 = %while3A_389 to %while3A_385 step %while3A_392 iter_args(%while3A_400 = %while3A_391) -> (vector<16xi32>)  : i32 {
        %mul3A_401 = arith.constant 16 : i32
        %mul3A_402 = arith.muli %while3A_399, %mul3A_401 : i32
        %get3A = arith.index_cast %mul3A_402 : i32 to index
        %get3A_403 = tpu.vector_load %arg6[%get3A] {strides = array<i32>} : memref<32800xf32, #tpu.memory_space<vmem>>, vector<16xf32>,
        %bitcast3A_404 = vector.bitcast %get3A_403 : vector<16xf32> to vector<16xi32>
        %ge3A_405 = vector.broadcast %or3A : i32 to vector<16xi32>
        %ge3A_406 = arith.cmpi uge, %bitcast3A_404, %ge3A_405 : vector<16xi32>
        %convert_element_type3A = arith.extui %ge3A_406 : vector<16xi1> to vector<16xi32>
        %add3A_407 = arith.addi %while3A_400, %convert_element_type3A : vector<16xi32>
        scf.yield %add3A_407 : vector<16xi32>
      }
      %reduce_sum3A = arith.constant true
      %reduce_sum3A_394 = vector.broadcast %reduce_sum3A : i1 to vector<16xi1>
      %reduce_sum3A_395 = tpu.scan <sum>, %while3A_393 masked %reduce_sum3A_394 : vector<16xi32>, vector<16xi1> -> vector<16xi32>
      %reduce_sum3A_396 = vector.extract %reduce_sum3A_395[15] : i32 from vector<16xi32>
      %ge3A = arith.constant 64 : i32
      %ge3A_397 = arith.cmpi sge, %reduce_sum3A_396, %ge3A : i32
      %select_n3A_398 = arith.select %ge3A_397, %or3A, %scan3A_377 : i32
      scf.yield %select_n3A_398 : i32
    }
    %scan3A_356 = arith.constant 32 : i32
    %broadcast_in_dim3A_357 = vector.broadcast %scan3A_355 : i32 to vector<16xi32>
    %lt3A_358 = arith.constant -2147483648 : i32
    %lt3A_359 = vector.broadcast %lt3A_358 : i32 to vector<16xi32>
    %lt3A_360 = arith.cmpi ult, %broadcast_in_dim3A_357, %lt3A_359 : vector<16xi32>
    %not3A_361 = arith.constant dense<-1> : vector<16xi32>
    %not3A_362 = arith.xori %broadcast_in_dim3A_357, %not3A_361 : vector<16xi32>
    %xor3A_363 = arith.constant -2147483648 : i32
    %xor3A_364 = vector.broadcast %xor3A_363 : i32 to vector<16xi32>
    %xor3A_365 = arith.xori %broadcast_in_dim3A_357, %xor3A_364 : vector<16xi32>
    %select_n3A_366 = arith.select %lt3A_360, %not3A_362, %xor3A_365 : vector<16xi1>, vector<16xi32>
    %bitcast3A_367 = vector.bitcast %select_n3A_366 : vector<16xi32> to vector<16xf32>
    %scan3A_368 = arith.constant 0 : i32
    %scan3A_369 = arith.constant 0 : i32
    %scan3A_370 = arith.constant 256 : i32
    %scan3A_371 = arith.addi %scan3A_369, %scan3A_370 : i32
    %scan3A_372 = arith.constant 1 : i32
    scf.for %scan3A_376 = %scan3A_369 to %scan3A_371 step %scan3A_372  : i32 {
      %mul3A_377 = arith.constant 128 : i32
      %mul3A_378 = arith.muli %scan3A_376, %mul3A_377 : i32
      %add3A_379 = arith.constant 0 : i32
      %add3A_380 = arith.addi %mul3A_378, %add3A_379 : i32
      %get3A = arith.index_cast %add3A_380 : i32 to index
      %get3A_381 = tpu.vector_load %arg5[%get3A] {strides = array<i32>} : memref<32768xf32, #tpu.memory_space<vmem>>, vector<16xf32>,
      %add3A_382 = arith.constant 16 : i32
      %add3A_383 = arith.addi %mul3A_378, %add3A_382 : i32
      %get3A_384 = arith.index_cast %add3A_383 : i32 to index
      %get3A_385 = tpu.vector_load %arg5[%get3A_384] {strides = array<i32>} : memref<32768xf32, #tpu.memory_space<vmem>>, vector<16xf32>,
      %add3A_386 = arith.constant 32 : i32
      %add3A_387 = arith.addi %mul3A_378, %add3A_386 : i32
      %get3A_388 = arith.index_cast %add3A_387 : i32 to index
      %get3A_389 = tpu.vector_load %arg5[%get3A_388] {strides = array<i32>} : memref<32768xf32, #tpu.memory_space<vmem>>, vector<16xf32>,
      %add3A_390 = arith.constant 48 : i32
      %add3A_391 = arith.addi %mul3A_378, %add3A_390 : i32
      %get3A_392 = arith.index_cast %add3A_391 : i32 to index
      %get3A_393 = tpu.vector_load %arg5[%get3A_392] {strides = array<i32>} : memref<32768xf32, #tpu.memory_space<vmem>>, vector<16xf32>,
      %add3A_394 = arith.constant 64 : i32
      %add3A_395 = arith.addi %mul3A_378, %add3A_394 : i32
      %get3A_396 = arith.index_cast %add3A_395 : i32 to index
      %get3A_397 = tpu.vector_load %arg5[%get3A_396] {strides = array<i32>} : memref<32768xf32, #tpu.memory_space<vmem>>, vector<16xf32>,
      %add3A_398 = arith.constant 80 : i32
      %add3A_399 = arith.addi %mul3A_378, %add3A_398 : i32
      %get3A_400 = arith.index_cast %add3A_399 : i32 to index
      %get3A_401 = tpu.vector_load %arg5[%get3A_400] {strides = array<i32>} : memref<32768xf32, #tpu.memory_space<vmem>>, vector<16xf32>,
      %add3A_402 = arith.constant 96 : i32
      %add3A_403 = arith.addi %mul3A_378, %add3A_402 : i32
      %get3A_404 = arith.index_cast %add3A_403 : i32 to index
      %get3A_405 = tpu.vector_load %arg5[%get3A_404] {strides = array<i32>} : memref<32768xf32, #tpu.memory_space<vmem>>, vector<16xf32>,
      %add3A_406 = arith.constant 112 : i32
      %add3A_407 = arith.addi %mul3A_378, %add3A_406 : i32
      %get3A_408 = arith.index_cast %add3A_407 : i32 to index
      %get3A_409 = tpu.vector_load %arg5[%get3A_408] {strides = array<i32>} : memref<32768xf32, #tpu.memory_space<vmem>>, vector<16xf32>,
      %ge3A = arith.cmpf oge, %get3A_381, %bitcast3A_367 : vector<16xf32>
      %max3A = arith.constant 0.000000e+00 : f32
      %max3A_410 = vector.broadcast %max3A : f32 to vector<16xf32>
      %max3A_411 = arith.maximumf %get3A_381, %max3A_410 : vector<16xf32>
      %jit3A_412 = arith.constant 0.000000e+00 : f32
      %broadcast_in_dim3A_413 = vector.broadcast %jit3A_412 : f32 to vector<16xf32>
      %select_n3A_414 = arith.select %ge3A, %max3A_411, %broadcast_in_dim3A_413 : vector<16xi1>, vector<16xf32>
      %ge3A_415 = arith.cmpf oge, %get3A_385, %bitcast3A_367 : vector<16xf32>
      %max3A_416 = arith.constant 0.000000e+00 : f32
      %max3A_417 = vector.broadcast %max3A_416 : f32 to vector<16xf32>
      %max3A_418 = arith.maximumf %get3A_385, %max3A_417 : vector<16xf32>
      %jit3A_419 = arith.constant 0.000000e+00 : f32
      %broadcast_in_dim3A_420 = vector.broadcast %jit3A_419 : f32 to vector<16xf32>
      %select_n3A_421 = arith.select %ge3A_415, %max3A_418, %broadcast_in_dim3A_420 : vector<16xi1>, vector<16xf32>
      %ge3A_422 = arith.cmpf oge, %get3A_389, %bitcast3A_367 : vector<16xf32>
      %max3A_423 = arith.constant 0.000000e+00 : f32
      %max3A_424 = vector.broadcast %max3A_423 : f32 to vector<16xf32>
      %max3A_425 = arith.maximumf %get3A_389, %max3A_424 : vector<16xf32>
      %jit3A_426 = arith.constant 0.000000e+00 : f32
      %broadcast_in_dim3A_427 = vector.broadcast %jit3A_426 : f32 to vector<16xf32>
      %select_n3A_428 = arith.select %ge3A_422, %max3A_425, %broadcast_in_dim3A_427 : vector<16xi1>, vector<16xf32>
      %ge3A_429 = arith.cmpf oge, %get3A_393, %bitcast3A_367 : vector<16xf32>
      %max3A_430 = arith.constant 0.000000e+00 : f32
      %max3A_431 = vector.broadcast %max3A_430 : f32 to vector<16xf32>
      %max3A_432 = arith.maximumf %get3A_393, %max3A_431 : vector<16xf32>
      %jit3A_433 = arith.constant 0.000000e+00 : f32
      %broadcast_in_dim3A_434 = vector.broadcast %jit3A_433 : f32 to vector<16xf32>
      %select_n3A_435 = arith.select %ge3A_429, %max3A_432, %broadcast_in_dim3A_434 : vector<16xi1>, vector<16xf32>
      %ge3A_436 = arith.cmpf oge, %get3A_397, %bitcast3A_367 : vector<16xf32>
      %max3A_437 = arith.constant 0.000000e+00 : f32
      %max3A_438 = vector.broadcast %max3A_437 : f32 to vector<16xf32>
      %max3A_439 = arith.maximumf %get3A_397, %max3A_438 : vector<16xf32>
      %jit3A_440 = arith.constant 0.000000e+00 : f32
      %broadcast_in_dim3A_441 = vector.broadcast %jit3A_440 : f32 to vector<16xf32>
      %select_n3A_442 = arith.select %ge3A_436, %max3A_439, %broadcast_in_dim3A_441 : vector<16xi1>, vector<16xf32>
      %ge3A_443 = arith.cmpf oge, %get3A_401, %bitcast3A_367 : vector<16xf32>
      %max3A_444 = arith.constant 0.000000e+00 : f32
      %max3A_445 = vector.broadcast %max3A_444 : f32 to vector<16xf32>
      %max3A_446 = arith.maximumf %get3A_401, %max3A_445 : vector<16xf32>
      %jit3A_447 = arith.constant 0.000000e+00 : f32
      %broadcast_in_dim3A_448 = vector.broadcast %jit3A_447 : f32 to vector<16xf32>
      %select_n3A_449 = arith.select %ge3A_443, %max3A_446, %broadcast_in_dim3A_448 : vector<16xi1>, vector<16xf32>
      %ge3A_450 = arith.cmpf oge, %get3A_405, %bitcast3A_367 : vector<16xf32>
      %max3A_451 = arith.constant 0.000000e+00 : f32
      %max3A_452 = vector.broadcast %max3A_451 : f32 to vector<16xf32>
      %max3A_453 = arith.maximumf %get3A_405, %max3A_452 : vector<16xf32>
      %jit3A_454 = arith.constant 0.000000e+00 : f32
      %broadcast_in_dim3A_455 = vector.broadcast %jit3A_454 : f32 to vector<16xf32>
      %select_n3A_456 = arith.select %ge3A_450, %max3A_453, %broadcast_in_dim3A_455 : vector<16xi1>, vector<16xf32>
      %ge3A_457 = arith.cmpf oge, %get3A_409, %bitcast3A_367 : vector<16xf32>
      %max3A_458 = arith.constant 0.000000e+00 : f32
      %max3A_459 = vector.broadcast %max3A_458 : f32 to vector<16xf32>
      %max3A_460 = arith.maximumf %get3A_409, %max3A_459 : vector<16xf32>
      %jit3A_461 = arith.constant 0.000000e+00 : f32
      %broadcast_in_dim3A_462 = vector.broadcast %jit3A_461 : f32 to vector<16xf32>
      %select_n3A_463 = arith.select %ge3A_457, %max3A_460, %broadcast_in_dim3A_462 : vector<16xi1>, vector<16xf32>
      %add3A_464 = arith.constant 0 : i32
      %add3A_465 = arith.addi %mul3A_378, %add3A_464 : i32
      %swap3A = arith.index_cast %add3A_465 : i32 to index
      %swap3A_466 = tpu.vector_load %arg5[%swap3A] {strides = array<i32>} : memref<32768xf32, #tpu.memory_space<vmem>>, vector<16xf32>,
      tpu.vector_store %arg5[%swap3A], %select_n3A_414 {strides = array<i32>} : memref<32768xf32, #tpu.memory_space<vmem>>, vector<16xf32>,
      %add3A_467 = arith.constant 16 : i32
      %add3A_468 = arith.addi %mul3A_378, %add3A_467 : i32
      %swap3A_469 = arith.index_cast %add3A_468 : i32 to index
      %swap3A_470 = tpu.vector_load %arg5[%swap3A_469] {strides = array<i32>} : memref<32768xf32, #tpu.memory_space<vmem>>, vector<16xf32>,
      tpu.vector_store %arg5[%swap3A_469], %select_n3A_421 {strides = array<i32>} : memref<32768xf32, #tpu.memory_space<vmem>>, vector<16xf32>,
      %add3A_471 = arith.constant 32 : i32
      %add3A_472 = arith.addi %mul3A_378, %add3A_471 : i32
      %swap3A_473 = arith.index_cast %add3A_472 : i32 to index
      %swap3A_474 = tpu.vector_load %arg5[%swap3A_473] {strides = array<i32>} : memref<32768xf32, #tpu.memory_space<vmem>>, vector<16xf32>,
      tpu.vector_store %arg5[%swap3A_473], %select_n3A_428 {strides = array<i32>} : memref<32768xf32, #tpu.memory_space<vmem>>, vector<16xf32>,
      %add3A_475 = arith.constant 48 : i32
      %add3A_476 = arith.addi %mul3A_378, %add3A_475 : i32
      %swap3A_477 = arith.index_cast %add3A_476 : i32 to index
      %swap3A_478 = tpu.vector_load %arg5[%swap3A_477] {strides = array<i32>} : memref<32768xf32, #tpu.memory_space<vmem>>, vector<16xf32>,
      tpu.vector_store %arg5[%swap3A_477], %select_n3A_435 {strides = array<i32>} : memref<32768xf32, #tpu.memory_space<vmem>>, vector<16xf32>,
      %add3A_479 = arith.constant 64 : i32
      %add3A_480 = arith.addi %mul3A_378, %add3A_479 : i32
      %swap3A_481 = arith.index_cast %add3A_480 : i32 to index
      %swap3A_482 = tpu.vector_load %arg5[%swap3A_481] {strides = array<i32>} : memref<32768xf32, #tpu.memory_space<vmem>>, vector<16xf32>,
      tpu.vector_store %arg5[%swap3A_481], %select_n3A_442 {strides = array<i32>} : memref<32768xf32, #tpu.memory_space<vmem>>, vector<16xf32>,
      %add3A_483 = arith.constant 80 : i32
      %add3A_484 = arith.addi %mul3A_378, %add3A_483 : i32
      %swap3A_485 = arith.index_cast %add3A_484 : i32 to index
      %swap3A_486 = tpu.vector_load %arg5[%swap3A_485] {strides = array<i32>} : memref<32768xf32, #tpu.memory_space<vmem>>, vector<16xf32>,
      tpu.vector_store %arg5[%swap3A_485], %select_n3A_449 {strides = array<i32>} : memref<32768xf32, #tpu.memory_space<vmem>>, vector<16xf32>,
      %add3A_487 = arith.constant 96 : i32
      %add3A_488 = arith.addi %mul3A_378, %add3A_487 : i32
      %swap3A_489 = arith.index_cast %add3A_488 : i32 to index
      %swap3A_490 = tpu.vector_load %arg5[%swap3A_489] {strides = array<i32>} : memref<32768xf32, #tpu.memory_space<vmem>>, vector<16xf32>,
      tpu.vector_store %arg5[%swap3A_489], %select_n3A_456 {strides = array<i32>} : memref<32768xf32, #tpu.memory_space<vmem>>, vector<16xf32>,
      %add3A_491 = arith.constant 112 : i32
      %add3A_492 = arith.addi %mul3A_378, %add3A_491 : i32
      %swap3A_493 = arith.index_cast %add3A_492 : i32 to index
      %swap3A_494 = tpu.vector_load %arg5[%swap3A_493] {strides = array<i32>} : memref<32768xf32, #tpu.memory_space<vmem>>, vector<16xf32>,
      tpu.vector_store %arg5[%swap3A_493], %select_n3A_463 {strides = array<i32>} : memref<32768xf32, #tpu.memory_space<vmem>>, vector<16xf32>,
    }
    %scan3A_373 = arith.constant 256 : i32
    %add3A_374 = arith.constant 3 : i32
    %add3A_375 = arith.addi %mul3A_2, %add3A_374 : i32
    "tpu.region"() ({
      %run_scoped3A = tpu.sem_alloc : memref<!tpu.dma_semaphore, #tpu.memory_space<semaphore_mem>>
      %dma_start3A = arith.constant 0 : i32
      %dma_start3A_376 = tpu.memref_slice %arg3[%add3A_375, %dma_start3A] : memref<128x32768xf32, #tpu.memory_space<hbm>> -> memref<1x32768xf32, #tpu.memory_space<hbm>>
      %dma_start3A_377 = tpu.memref_squeeze %dma_start3A_376 : memref<1x32768xf32, #tpu.memory_space<hbm>> -> memref<32768xf32, #tpu.memory_space<hbm>>
      %dma_start3A_378 = arith.constant 0 : i32
      %dma_start3A_379 = tpu.memref_slice %arg3[%add3A_375, %dma_start3A_378] : memref<128x32768xf32, #tpu.memory_space<hbm>> -> memref<1x32768xf32, #tpu.memory_space<hbm>>
      %dma_start3A_380 = tpu.memref_squeeze %dma_start3A_379 : memref<1x32768xf32, #tpu.memory_space<hbm>> -> memref<32768xf32, #tpu.memory_space<hbm>>
      tpu.enqueue_dma source(%arg5 : memref<32768xf32, #tpu.memory_space<vmem>>) target(%dma_start3A_380 : memref<32768xf32, #tpu.memory_space<hbm>>) target_semaphore(%run_scoped3A : memref<!tpu.dma_semaphore, #tpu.memory_space<semaphore_mem>>)
      %dma_wait3A = arith.constant 0 : i32
      %dma_wait3A_381 = tpu.memref_slice %arg3[%add3A_375, %dma_wait3A] : memref<128x32768xf32, #tpu.memory_space<hbm>> -> memref<1x32768xf32, #tpu.memory_space<hbm>>
      %dma_wait3A_382 = tpu.memref_squeeze %dma_wait3A_381 : memref<1x32768xf32, #tpu.memory_space<hbm>> -> memref<32768xf32, #tpu.memory_space<hbm>>
      %dma_wait3A_383 = arith.constant 0 : i32
      %dma_wait3A_384 = tpu.memref_slice %arg3[%add3A_375, %dma_wait3A_383] : memref<128x32768xf32, #tpu.memory_space<hbm>> -> memref<1x32768xf32, #tpu.memory_space<hbm>>
      %dma_wait3A_385 = tpu.memref_squeeze %dma_wait3A_384 : memref<1x32768xf32, #tpu.memory_space<hbm>> -> memref<32768xf32, #tpu.memory_space<hbm>>
      tpu.wait_dma2 semaphore(%run_scoped3A : memref<!tpu.dma_semaphore, #tpu.memory_space<semaphore_mem>>) src(%arg5 : memref<32768xf32, #tpu.memory_space<vmem>>) dst(%dma_wait3A_385 : memref<32768xf32, #tpu.memory_space<hbm>>)
      tpu.yield
    }) : () -> ()
    return
  }
}

</mosaic_0001>

<sc_bundles>
// kernel: kernel.3.cloned.1.call-start
scs
__scs_entry_jumppad:
0x0: {  	(pc) =	sbr.rel $0x88, $3  }
0x1: {  	(tag) =	ssettag $0x0;
	lr =	simm.s32 $0x1  }
0x2: {  	[smem:$0x3FA0] =	sst lr;
	_ =	strace $0xD0000000  }
0x3: {  	_ = 	snop  }
0x4: {  	_ = 	snop  }
0x5: {  	_ = 	snop  }
0x6: {  	_ = 	snop  }
0x7: {  	_ = 	snop  }
__scs_overlays_trampoline_lowered:
0x8: {  	[smem:$0x3FAF] =	sst s0  }
0x9: {  	[smem:$0x3FB0] =	sst s1  }
0xa: {  	[smem:$0x3FB1] =	sst s2  }
0xb: {  	[smem:$0x3FB2] =	sst s3  }
0xc: {  	[smem:$0x3FB3] =	sst s4  }
0xd: {  	[smem:$0x3FB4] =	sst s5  }
0xe: {  	[smem:$0x3FB5] =	sst s6  }
0xf: {  	[smem:$0x3FB6] =	sst s7  }
0x10: {  	[smem:$0x3FB7] =	sst s8  }
0x11: {  	[smem:$0x3FB8] =	sst s9;
	s0 =	simm.s32 @!p0 $0x0  }
0x12: {  	s1 =	sld [smem:$0x3F9E];
	s0 =	simm.s32 @p0 $0x1  }
0x13: {  	[smem:$0x3FB9] =	sst s0;
	s0 =	simm.s32 @!p1 $0x0  }
0x14: {  	s2 =	sld [smem:$0x3F9D];
	s0 =	simm.s32 @p1 $0x1  }
0x15: {  	[smem:$0x3FBA] =	sst s0;
	s0 =	simm.s32 @!p2 $0x0  }
0x16: {  	s3 =	sld [smem:$0x3FDB];
	s0 =	simm.s32 @p2 $0x1  }
0x17: {  	s4 =	simm.s32 $0x1BF5;
	[smem:$0x3FBC] =	sst s0  }
0x18: {  	s0 =	sld [smem:$0x3F9F];
	_ =	swait.ge [sflag:s4], $0x0  }
0x19: {  	s7 =	sld [smem:$0x3FA0]  }
0x1a: {  	s8 =	sadd.s32 $0xFFFFE003, lr  }
0x1b: {  	s9 =	sadd.s32 $0xFFFFFEF7, lr;
	s5 =	simm.s32 $0xFFFFFFFF;
	p2 =	slt.u32 s8, $0xFFFFF086  }
0x1c: {  	p1 =	slt.u32 s9, $0xF7A;
	s5 =	simm.s32 @!p2 $0x0  }
0x1d: {  	s5 =	simm.s32 @p1 $0x1;
	p0 =	seq.s32 s7, s2  }
0x1e: {  	s7 =	smul.u32 @!p0 $0xF7A, s2;
	p2 =	seq.s32 @!p0 s5, $0x0  }
0x1f: {  	s9 =	smul.u32 $0xF7A, s1;
	s8 =	simm.s32 @!p0 $0x1BF5;
	p2 =	por !p2, p0  }
0x20: {  	[sflag:s8] =	ssyncset.s32 @!p0 $0xFFFFF086;
	s6 =	sadd.s32 @!p0 s3, s7;
	s7 =	simm.s32 @!p0 $0x108  }
0x21: {  	s3 =	sadd.s32 s3, s9;
	s6 =	sadd.s32 @!p0 $0x88, s6;
	s7 =	simm.s32 @p2 $0x1082  }
0x22: {  	[simem:s7], [sflag:s8] =	dma.local @!p0 [hbm:s6], $0xF7A  }
0x23: {  	s9 =	sor.u32 $0xD0000000, s2;
	s6 =	simm.s32 $0x108;
	_ =	swait.ge @!p0 [sflag:s8], $0x0  }
0x24: {  	s3 =	sadd.s32 $0x88, s3;
	s6 =	simm.s32 @!p1 $0x1082;
	[sflag:s4] =	ssyncset.s32 $0xFFFFF086  }
0x25: {  	[simem:s6], [sflag:s4] =	dma.local [hbm:s3], $0xF7A  }
0x26: {  	[smem:$0x3FA0] =	sst s1;
	(tag) =	ssettag s2;
	_ =	strace s9  }
0x27: {  	s1 =	sld [smem:$0x3FB0]  }
0x28: {  	s2 =	sld [smem:$0x3FB1]  }
0x29: {  	s4 =	sld [smem:$0x3FB3]  }
0x2a: {  	p0 =	seq.s32 s5, $0x0;
	s5 =	sld [smem:$0x3FB4]  }
0x2b: {  	s6 =	sld [smem:$0x3FB5]  }
0x2c: {  	s7 =	sld [smem:$0x3FB6]  }
0x2d: {  	s3 =	simm.s32 $0x108;
	s8 =	sld [smem:$0x3FB7]  }
0x2e: {  	s3 =	simm.s32 @!p0 $0x1082;
	s9 =	sld [smem:$0x3FB8]  }
0x2f: {  	lr =	sadd.s32 s0, s3;
	s0 =	sld [smem:$0x3FAF]  }
0x30: {  	s3 =	sld [smem:$0x3FB2]  }
0x31: {  	[smem:$0x3FBB] =	sst s10  }
0x32: {  	s10 =	sld [smem:$0x3FB9];
	_ =	sdelay $0x3  }
0x33: {  	p0 =	seq.s32 s10, $0x1;
	s10 =	sld [smem:$0x3FBB];
	_ =	sdelay $0x3  }
0x34: {  	[smem:$0x3FBB] =	sst s10  }
0x35: {  	s10 =	sld [smem:$0x3FBA];
	_ =	sdelay $0x3  }
0x36: {  	p1 =	seq.s32 s10, $0x1;
	s10 =	sld [smem:$0x3FBB];
	_ =	sdelay $0x3  }
0x37: {  	[smem:$0x3FBB] =	sst s10  }
0x38: {  	s10 =	sld [smem:$0x3FBC]  }
0x39: {  	_ = 	snop;
	(pc) =	sbr.ind lr, $3  }
0x3a: {  	_ = 	snop  }
0x3b: {  	_ = 	snop  }
0x3c: {  	p2 =	seq.s32 s10, $0x1;
	s10 =	sld [smem:$0x3FBB]  }
0x3d: {  	_ =	shalt  }
0x3e: {  	_ =	shalt  }
0x3f: {  	_ =	shalt  }
0x40: {  	_ =	shalt  }
0x41: {  	_ =	shalt  }
0x42: {  	_ =	shalt  }
0x43: {  	_ =	shalt  }
0x44: {  	_ =	shalt  }
0x45: {  	_ =	shalt  }
0x46: {  	_ =	shalt  }
0x47: {  	_ =	shalt  }
0x48: {  	_ =	shalt  }
0x49: {  	_ =	shalt  }
0x4a: {  	_ =	shalt  }
0x4b: {  	_ =	shalt  }
0x4c: {  	_ =	shalt  }
0x4d: {  	_ =	shalt  }
0x4e: {  	_ =	shalt  }
0x4f: {  	_ =	shalt  }
0x50: {  	_ =	shalt  }
0x51: {  	_ =	shalt  }
0x52: {  	_ =	shalt  }
0x53: {  	_ =	shalt  }
0x54: {  	_ =	shalt  }
0x55: {  	_ =	shalt  }
0x56: {  	_ =	shalt  }
0x57: {  	_ =	shalt  }
0x58: {  	_ =	shalt  }
0x59: {  	_ =	shalt  }
0x5a: {  	_ =	shalt  }
0x5b: {  	_ =	shalt  }
0x5c: {  	_ =	shalt  }
0x5d: {  	_ =	shalt  }
0x5e: {  	_ =	shalt  }
0x5f: {  	_ =	shalt  }
0x60: {  	_ =	shalt  }
0x61: {  	_ =	shalt  }
0x62: {  	_ =	shalt  }
0x63: {  	_ =	shalt  }
0x64: {  	_ =	shalt  }
0x65: {  	_ =	shalt  }
0x66: {  	_ =	shalt  }
0x67: {  	_ =	shalt  }
0x68: {  	_ =	shalt  }
0x69: {  	_ =	shalt  }
0x6a: {  	_ =	shalt  }
0x6b: {  	_ =	shalt  }
0x6c: {  	_ =	shalt  }
0x6d: {  	_ =	shalt  }
0x6e: {  	_ =	shalt  }
0x6f: {  	_ =	shalt  }
0x70: {  	_ =	shalt  }
0x71: {  	_ =	shalt  }
0x72: {  	_ =	shalt  }
0x73: {  	_ =	shalt  }
0x74: {  	_ =	shalt  }
0x75: {  	_ =	shalt  }
0x76: {  	_ =	shalt  }
0x77: {  	_ =	shalt  }
0x78: {  	_ =	shalt  }
0x79: {  	_ =	shalt  }
0x7a: {  	_ =	shalt  }
0x7b: {  	_ =	shalt  }
0x7c: {  	_ =	shalt  }
0x7d: {  	_ =	shalt  }
0x7e: {  	_ =	shalt  }
0x7f: {  	_ =	shalt  }
0x80: {  	_ =	shalt  }
0x81: {  	_ =	shalt  }
0x82: {  	_ =	shalt  }
0x83: {  	_ =	shalt  }
0x84: {  	_ =	shalt  }
0x85: {  	_ =	shalt  }
0x86: {  	_ =	shalt  }
0x87: {  	_ =	shalt  }
.Lfunc_end0:
.L_simem_size_0:
called_computation_lowered:
.L_overlay_start_0:
0x88: {  	s2 =	sld [smem:$0x3FD9]  }
0x89: {  	s3 =	sld [smem:$0x3FFE];
	_ =	sdelay $0x1  }
0x8a: {  	s1 =	srdreg.scid  }
0x8b: {  	s0 =	sand.u32 $0x1, s1  }
0x8c: {  	s18 =	sshll.u32 s0, $0xA;
	s2 =	sadd.s32 s3, s2  }
0x8d: {  	s2 =	sadd.s32 s2, s18  }
0x8e: {  	[smem:$0x3FC7] =	sst s2  }
0x8f: {  	_ = 	snop  }
0x90: {  	s2 =	sld [smem:$0x3FC9]  }
0x91: {  	s19 =	sld [smem:$0x3FD0];
	(tm) =	ssettm $0x1  }
0x92: {  	s4 =	sld [smem:$0x3FFB];
	_ =	sdelay $0x3  }
0x93: {  	_ =	strace s4  }
0x94: {  	s4 =	sld [smem:$0x3FFC];
	_ =	sdelay $0x3  }
0x95: {  	_ =	strace s4  }
0x96: {  	s4 =	sld [smem:$0x3FFD];
	_ =	sdelay $0x3  }
0x97: {  	_ =	strace s4  }
0x98: {  	_ =	strace $0x8FFFFFFF  }
0x99: {  	s20 =	sld [smem:$0x3FDB];
	_ =	sdelay $0x1  }
0x9a: {  	s5 =	simm.s32 $_scs_section_size  }
0x9b: {  	s6 =	simm.s32 $_size__tile_overlayer_lowered;
	s7 =	simm.s32 $_tile_overlayer_lowered  }
0x9c: {  	s23 =	simm.s32 $0x1BFF;
	s22 =	sshll.u32 s7, $0x1;
	s4 =	sadd.s32 s5, s20  }
0x9d: {  	s8 =	simm.s32 $0x0;
	s21 =	sshll.u32 s6, $0x1;
	s6 =	sadd.s32 s22, s4  }
0x9e: {  	[timem:s8], [sflag:s23] =	dma.local [hbm:s6], s21  }
0x9f: {  	_ =	swait.ge [sflag:s23], s21  }
0xa0: {  	s5 =	ssub.s32 $0x0, s21;
	[sflag:s23] =	ssyncset.done $0x0  }
0xa1: {  	[sflag:s23] =	ssyncadd.s32 s5;
	_ =	sdelay $0x1  }
0xa2: {  	s24 =	simm.s32 $0x1B8B  }
0xa3: {  	_ =	swait.ge [sflag:s24], $0x1  }
0xa4: {  	[sflag:s24] =	ssyncset.done $0x0  }
0xa5: {  	s25 =	simm.s32 $0x1B8E;
	[sflag:s24] =	ssyncadd.s32 $0xFFFFFFFF  }
0xa6: {  	s26 =	simm.s32 $execute0_lowered;
	[smem:$0x3FD2] =	sst s25  }
0xa7: {  	s5 =	sshll.u32 s26, $0x1;
	_ =	strace $0x80000046;
	[dreg:$0x1] =	wrdreg $0xFFFFFFFF  }
0xa8: {  	s28 =	simm.s32 $_size_execute0_lowered;
	s4 =	sadd.s32 s4, s5;
	[dreg:$0x0] =	wrdreg $0x0  }
0xa9: {  	s5 =	sshll.u32 s28, $0x1;
	[dreg:$0x2] =	wrdreg s4  }
0xaa: {  	[dreg:$0x3] =	wrdreg s5  }
0xab: {  	[dreg:$0x4] =	wrdreg $0xC0  }
0xac: {  	_ =	task [dreg:s8], $0x5FFFF  }
0xad: {  	[dreg:$0x1] =	wrdreg $0xFFFFFFFF  }
0xae: {  	[dreg:$0x0] =	wrdreg $0x60  }
0xaf: {  	[dreg:$0x2] =	wrdreg s2  }
0xb0: {  	[dreg:$0x3] =	wrdreg s19  }
0xb1: {  	[dreg:$0x4] =	wrdreg $0x9  }
0xb2: {  	_ =	task.clear_ibuf [dreg:s8], $0x5FFFF;
	_ =	strace $0x90000046  }
0xb3: {  	s29 =	simm.s32 $0x9;
	_ =	strace $0x80000048  }
0xb4: {  	_ =	swait.ge [sflag:s29], $0x1  }
0xb5: {  	[sflag:s29] =	ssyncadd.s32 $0xFFFFFFFF  }
0xb6: {  	_ =	strace $0x90000048  }
0xb7: {  	_ =	sfence  }
0xb8: {  	s30 =	sld [smem:$0x0];
	_ =	sdelay $0x2  }
0xb9: {  	s31 =	sshll.u32 s1, $0xD;
	s1 =	sshrl.u32 s1, $0x2  }
0xba: {  	s3 =	sand.u32 $0x4000, s31;
	s1 =	sadd.s32 s1, s30  }
0xbb: {  	s0 =	sor.u32 s3, s0;
	s1 =	sshll.u32 s1, $0x11  }
0xbc: {  	s0 =	sor.u32 s1, s0  }
0xbd: {  	s0 =	sadd.s32 $0x8F2B, s0  }
0xbe: {  	[sflag:s0] =	ssyncadd.remote.s32 $0x1  }
0xbf: {  	_ =	sfence.sel $0xFFFF  }
0xc0: {  	[dreg:$0x0] =	wrdreg $0xFFFFFFFF;
	(pc) =	sbr.abs _section_cstart, $3  }
0xc1: {  	[dreg:$0x1] =	wrdreg $0xFFFFFFFF  }
0xc2: {  	_ =	task.clear_ibuf [dreg:s8], $0x2FFFF;
	_ =	strace $0x9FFFFFFF  }
0xc3: {  	(tm) =	ssettm $0x7FFFFFFF  }
tec
execute0_lowered:
.L_overlay_start_1:
0x0: {  	(tag) =	ssettag $0x1  }
0x1: {  	s9 =	rddreg [dreg:$0x0]  }
0x2: {  	s10 =	rddreg [dreg:$0x1];
	s1 =	srdreg.scid;
	s0 =	simm.s32 $0x0  }
0x3: {  	s29 =	stileid.u32;
	s13 =	simm.s32 $0x400;
	s14 =	simm.s32 $0x1  }
0x4: {  	s15 =	simm.s32 $0x80000000;
	s16 =	simm.s32 $0x8000;
	s3 =	sand.u32 $0x1, s1  }
0x5: {  	s17 =	simm.s32 $0x0;
	[smem:$0x7FF] =	sst s0;
	s4 =	ssub.s32 $0x2, s3  }
0x6: {  	s6 =	sshll.u32 s29, $0xF;
	s3 =	sshll.u32 s3, $0x6;
	s5 =	sshrl.u32 s4, $0x1  }
0x7: {  	_ =	strace $0x80000047;
	s12 =	sor.u32 s3, s6;
	s11 =	ssub.s32 s4, s5  }
0x8: {  	s30 =	sadd.s32 s9, s12;
	s31 =	sadd.s32 s10, s12;
	s6 =	sor.u32 $0x10, s12  }
0x9: {  	s8 =	sor.u32 $0x20, s12;
	s12 =	sor.u32 $0x30, s12;
	[dreg:$0x3] =	wrdreg s30  }
0xa: {  	[dreg:$0x4] =	wrdreg s31;
	s5 =	sadd.s32 s9, s6;
	s6 =	sadd.s32 s10, s6  }
0xb: {  	v0 =	vimm.s32 $0xFFFFFFFF;
	s7 =	sadd.s32 s9, s8;
	s8 =	sadd.s32 s10, s8;
	s9 =	sadd.s32 s9, s12  }
0xc: {  	v1 =	vlaneseq.u32;
	v2 =	vimm.s32 $0x0;
	v3 =	vimm.s32 $0x80000000;
	s10 =	sadd.s32 s10, s12;
	s11 =	smax.u32 s11, $0x1;
	s12 =	simm.s32 $0x80  }
.LBB2_1:
0xd: {  	s0 =	simm.s32 $0x0;
	s1 =	rddreg [dreg:$0x3]  }
0xe: {  	[tilespmem:s0], [sflag:$0x1] =	stream.strided.gather [hbm4b:s1+s12], $0x8000, s13, s12, $0x38;
	[tilespmem:$0x18080] =	vst v63  }
0xf: {  	_ =	swait.ge [sflag:s14], $0x8000  }
0x10: {  	[sflag:s14] =	ssyncset.done $0x0  }
0x11: {  	s20 =	simm.s32 $0x0;
	[sflag:s14] =	ssyncadd.s32 $0xFFFF8000  }
0x12: {  	v4 =	vld [tilespmem:s20+$0x70]  }
0x13: {  	v5 =	vld [tilespmem:s20+$0x0]  }
0x14: {  	v6 =	vld [tilespmem:s20+$0x10]  }
0x15: {  	v9 =	vld [tilespmem:s20+$0x20]  }
0x16: {  	v10 =	vld [tilespmem:s20+$0x30]  }
0x17: {  	v7 =	vimm.f32 $-Inf;
	v8 =	vimm.f32 $-Inf;
	v11 =	vld [tilespmem:s20+$0x40]  }
0x18: {  	v12 =	vimm.f32 $-Inf;
	v13 =	vimm.f32 $-Inf;
	v14 =	vimm.f32 $-Inf;
	v15 =	vld [tilespmem:s20+$0x50]  }
0x19: {  	s18 =	simm.s32 $0x80;
	s19 =	simm.s32 $0x400;
	v16 =	vld [tilespmem:s20+$0x60];
	v4 =	vmax.f32 v7, v4;
	v5 =	vmax.f32 v7, v5;
	v6 =	vmax.f32 v7, v6  }
.LBB2_2:
0x1a: {  	p0 =	sne.s32 s19, $0x1FE00;
	v17 =	vld [tilespmem:s18+$0x70];
	v7 =	vmax.f32 v7, v9  }
0x1b: {  	v18 =	vld [tilespmem:s18+$0x0];
	v8 =	vmax.f32 v8, v10  }
0x1c: {  	v19 =	vld [tilespmem:s18+$0x10];
	v12 =	vmax.f32 v12, v11  }
.Ltmp0:
0x1d: {  	v9 =	vld [tilespmem:s18+$0x20];
	v13 =	vmax.f32 v13, v15;
	(pc) =	sbr.rel @p0 .LBB2_2-.Ltmp0, $4  }
0x1e: {  	v10 =	vld [tilespmem:s18+$0x30];
	v14 =	vmax.f32 v14, v16  }
0x1f: {  	v11 =	vld [tilespmem:s18+$0x40];
	v4 =	vmax.f32 v4, v17  }
0x20: {  	v5 =	vmax.f32 v5, v18;
	v15 =	vld [tilespmem:s18+$0x50]  }
0x21: {  	v6 =	vmax.f32 v6, v19;
	v16 =	vld [tilespmem:s18+$0x60];
	s18 =	sshra.s32 s19, $0x2;
	s19 =	sadd.s32 $0x200, s19  }
0x22: {  	v17 =	vld [tilespmem:s18+$0x70]  }
0x23: {  	v18 =	vld [tilespmem:s18+$0x0]  }
0x24: {  	v19 =	vld [tilespmem:s18+$0x10]  }
0x25: {  	v20 =	vld [tilespmem:s18+$0x20]  }
0x26: {  	v21 =	vld [tilespmem:s18+$0x30]  }
0x27: {  	v22 =	vld [tilespmem:s18+$0x40]  }
0x28: {  	v23 =	vld [tilespmem:s18+$0x50]  }
0x29: {  	v24 =	vld [tilespmem:s18+$0x60]  }
0x2a: {  	v7 =	vmax.f32 v7, v9;
	v8 =	vmax.f32 v8, v10  }
0x2b: {  	v48 =	vmax.f32 v12, v11;
	v49 =	vmax.f32 v13, v15;
	v50 =	vmax.f32 v14, v16  }
0x2c: {  	v4 =	vmax.f32 v4, v17;
	v5 =	vmax.f32 v5, v18;
	v6 =	vmax.f32 v6, v19  }
0x2d: {  	v7 =	vmax.f32 v7, v20;
	v8 =	vmax.f32 v8, v21;
	v9 =	vmax.f32 v48, v22  }
0x2e: {  	v10 =	vmax.f32 v49, v23;
	v11 =	vmax.f32 v50, v24;
	v5 =	vmin.f32 v5, v6  }
0x2f: {  	v6 =	vmin.f32 v7, v8;
	v7 =	vmin.f32 v9, v10;
	v4 =	vmin.f32 v11, v4  }
0x30: {  	v5 =	vmin.f32 v5, v6;
	v4 =	vmin.f32 v7, v4  }
0x31: {  	v4 =	vmin.f32 v5, v4  }
0x32: {  	v4 =	vsub.f32 $0.0e+00, v4;
	_ =	sdelay $0x1  }
0x33: {  	(xrf0) =	vmax.scan.msk.f32 $0xffff, v4;
	_ =	sdelay $0x5  }
0x34: {  	v4, _, _ =	vpop (xrf0)  }
0x35: {  	(v2sf) =	vpush v4, $0xF;
	_ =	sdelay $0xc  }
0x36: {  	s22 =	simm.s32 $0x0  }
0x37: {  	v6 =	vld [tilespmem:s22+$0x0]  }
0x38: {  	v7 =	vld [tilespmem:s22+$0x10];
	s19 =	spop (v2sf)  }
0x39: {  	v51 =	vld [tilespmem:s22+$0x20];
	s19 =	ssub.f32 $0.0e+00, s19  }
0x3a: {  	v52 =	vld [tilespmem:s22+$0x30]  }
0x3b: {  	v53 =	vld [tilespmem:s22+$0x40];
	v4 =	vmov s19  }
0x3c: {  	v54 =	vld [tilespmem:s22+$0x50];
	vm1 =	vge.f32 v6, v4  }
0x3d: {  	v55 =	vld [tilespmem:s22+$0x60];
	vm2 =	vge.f32 v7, v4;
	v56 =	vmpcnt.ones.xlane vm1  }
0x3e: {  	v5 =	vld [tilespmem:s22+$0x70];
	vm3 =	vge.f32 v51, v4;
	v57 =	vmpcnt.ones.xlane vm2  }
0x3f: {  	vm4 =	vge.f32 v52, v4;
	v58 =	vmpcnt.ones.xlane vm3;
	(v2sf) =	vpush v56, $0x0  }
0x40: {  	vm5 =	vge.f32 v53, v4;
	v59 =	vmpcnt.ones.xlane vm4;
	(v2sf) =	vpush v57, $0x0  }
0x41: {  	vm6 =	vge.f32 v54, v4;
	v60 =	vmpcnt.ones.xlane vm5;
	(v2sf) =	vpush v58, $0x0  }
0x42: {  	vm7 =	vge.f32 v55, v4;
	v61 =	vmpcnt.ones.xlane vm6;
	(v2sf) =	vpush v59, $0x0  }
0x43: {  	vm0 =	vge.f32 v5, v4;
	v62 =	vmpcnt.ones.xlane vm7;
	(v2sf) =	vpush v60, $0x0  }
0x44: {  	v63 =	vmpcnt.ones.xlane vm0;
	(v2sf) =	vpush v61, $0x0  }
0x45: {  	(v2sf) =	vpush v62, $0x0  }
0x46: {  	(v2sf) =	vpush v63, $0x0;
	_ =	sdelay $0x7  }
0x47: {  	s23 =	simm.s32 $0x0;
	s24 =	spop (v2sf)  }
0x48: {  	[tilespmem:s23+$0x10000] =	vst.msk vm1, v6;
	s25 =	sadd.s32 $0x0, s24;
	s26 =	spop (v2sf)  }
0x49: {  	[tilespmem:s25+$0x10000] =	vst.msk vm2, v7;
	s18 =	sadd.s32 s26, s25;
	s28 =	spop (v2sf)  }
0x4a: {  	[tilespmem:s18+$0x10000] =	vst.msk vm3, v51;
	s18 =	sadd.s32 s28, s18;
	s29 =	spop (v2sf)  }
0x4b: {  	[tilespmem:s18+$0x10000] =	vst.msk vm4, v52;
	s18 =	sadd.s32 s29, s18;
	s30 =	spop (v2sf)  }
0x4c: {  	[tilespmem:s18+$0x10000] =	vst.msk vm5, v53;
	s19 =	sadd.s32 s30, s18;
	s20 =	spop (v2sf)  }
0x4d: {  	s22 =	simm.s32 $0x400;
	[tilespmem:s19+$0x10000] =	vst.msk vm6, v54;
	s19 =	sadd.s32 s20, s19;
	s31 =	spop (v2sf)  }
0x4e: {  	s18 =	simm.s32 $0x200;
	[tilespmem:s19+$0x10000] =	vst.msk vm7, v55;
	s20 =	sadd.s32 s31, s19;
	s21 =	spop (v2sf)  }
.LBB2_4:
0x4f: {  	s23 =	sshra.s32 s18, $0x2  }
0x50: {  	[tilespmem:s20+$0x10000] =	vst.msk vm0, v5;
	s20 =	sadd.s32 s21, s20;
	s18 =	smov.u32 s22;
	s19 =	sadd.s32 $0x200, s22  }
0x51: {  	p0 =	sne.s32 s22, $0x1FE00;
	v6 =	vld [tilespmem:s23+$0x0]  }
0x52: {  	v7 =	vld [tilespmem:s23+$0x10]  }
0x53: {  	v8 =	vld [tilespmem:s23+$0x20]  }
0x54: {  	v9 =	vld [tilespmem:s23+$0x30]  }
0x55: {  	v10 =	vld [tilespmem:s23+$0x40]  }
0x56: {  	v11 =	vld [tilespmem:s23+$0x50];
	vm0 =	vge.f32 v6, v4  }
0x57: {  	v12 =	vld [tilespmem:s23+$0x60];
	vm2 =	vge.f32 v7, v4;
	v13 =	vmpcnt.ones.xlane vm0  }
0x58: {  	v5 =	vld [tilespmem:s23+$0x70];
	vm3 =	vge.f32 v8, v4;
	v14 =	vmpcnt.ones.xlane vm2  }
0x59: {  	vm1 =	vge.f32 v9, v4;
	v15 =	vmpcnt.ones.xlane vm3;
	[tilespmem:s20+$0x10000] =	vst.msk vm0, v6;
	(v2sf) =	vpush v13, $0x0  }
0x5a: {  	vm4 =	vge.f32 v10, v4;
	v6 =	vmpcnt.ones.xlane vm1;
	(v2sf) =	vpush v14, $0x0  }
0x5b: {  	vm5 =	vge.f32 v11, v4;
	v13 =	vmpcnt.ones.xlane vm4;
	(v2sf) =	vpush v15, $0x0  }
0x5c: {  	vm6 =	vge.f32 v12, v4;
	v14 =	vmpcnt.ones.xlane vm5;
	(v2sf) =	vpush v6, $0x0  }
0x5d: {  	vm0 =	vge.f32 v5, v4;
	v6 =	vmpcnt.ones.xlane vm6;
	(v2sf) =	vpush v13, $0x0  }
0x5e: {  	v13 =	vmpcnt.ones.xlane vm0;
	(v2sf) =	vpush v14, $0x0  }
0x5f: {  	(v2sf) =	vpush v6, $0x0  }
0x60: {  	(v2sf) =	vpush v13, $0x0;
	_ =	sdelay $0x7  }
0x61: {  	s21 =	spop (v2sf)  }
0x62: {  	s20 =	sadd.s32 s20, s21;
	s21 =	spop (v2sf)  }
0x63: {  	[tilespmem:s20+$0x10000] =	vst.msk vm2, v7;
	s20 =	sadd.s32 s21, s20;
	s21 =	spop (v2sf)  }
.Ltmp1:
0x64: {  	[tilespmem:s20+$0x10000] =	vst.msk vm3, v8;
	s20 =	sadd.s32 s21, s20;
	s21 =	spop (v2sf);
	(pc) =	sbr.rel @p0 .LBB2_4-.Ltmp1, $4  }
0x65: {  	[tilespmem:s20+$0x10000] =	vst.msk vm1, v9;
	s20 =	sadd.s32 s21, s20;
	s21 =	spop (v2sf)  }
0x66: {  	[tilespmem:s20+$0x10000] =	vst.msk vm4, v10;
	s20 =	sadd.s32 s21, s20;
	s21 =	spop (v2sf)  }
0x67: {  	[tilespmem:s20+$0x10000] =	vst.msk vm5, v11;
	s20 =	sadd.s32 s21, s20;
	s21 =	spop (v2sf)  }
0x68: {  	s22 =	smov.u32 s19;
	[tilespmem:s20+$0x10000] =	vst.msk vm6, v12;
	s20 =	sadd.s32 s21, s20;
	s21 =	spop (v2sf)  }
0x69: {  	s18 =	sshra.s32 s18, $0x2;
	[tilespmem:s20+$0x10000] =	vst.msk vm0, v5  }
0x6a: {  	v5 =	vld [tilespmem:s18+$0x0]  }
0x6b: {  	v6 =	vld [tilespmem:s18+$0x10]  }
0x6c: {  	v7 =	vld [tilespmem:s18+$0x20]  }
0x6d: {  	v8 =	vld [tilespmem:s18+$0x30]  }
0x6e: {  	v9 =	vld [tilespmem:s18+$0x40]  }
0x6f: {  	v10 =	vld [tilespmem:s18+$0x50];
	vm6 =	vge.f32 v5, v4  }
0x70: {  	v11 =	vld [tilespmem:s18+$0x60];
	vm7 =	vge.f32 v6, v4;
	v12 =	vmpcnt.ones.xlane vm6  }
0x71: {  	v13 =	vld [tilespmem:s18+$0x70];
	vm4 =	vge.f32 v7, v4;
	v14 =	vmpcnt.ones.xlane vm7  }
0x72: {  	vm2 =	vge.f32 v8, v4;
	v15 =	vmpcnt.ones.xlane vm4;
	(v2sf) =	vpush v12, $0x0  }
0x73: {  	vm15 =	vge.f32 v9, v4;
	v60 =	vmpcnt.ones.xlane vm2;
	(v2sf) =	vpush v14, $0x0  }
0x74: {  	vm1 =	vge.f32 v10, v4;
	v61 =	vmpcnt.ones.xlane vm15;
	(v2sf) =	vpush v15, $0x0  }
0x75: {  	vm3 =	vge.f32 v11, v4;
	v62 =	vmpcnt.ones.xlane vm1;
	(v2sf) =	vpush v60, $0x0  }
0x76: {  	vm5 =	vge.f32 v13, v4;
	v4 =	vmpcnt.ones.xlane vm3;
	(v2sf) =	vpush v61, $0x0  }
0x77: {  	v63 =	vmpcnt.ones.xlane vm5;
	(v2sf) =	vpush v62, $0x0  }
0x78: {  	(v2sf) =	vpush v4, $0x0  }
0x79: {  	(v2sf) =	vpush v63, $0x0;
	_ =	sdelay $0x7  }
0x7a: {  	s20 =	sadd.s32 s21, s20;
	s19 =	spop (v2sf)  }
0x7b: {  	s18 =	sadd.s32 s20, s19;
	s21 =	spop (v2sf)  }
0x7c: {  	s29 =	sadd.s32 s21, s18;
	s22 =	spop (v2sf)  }
0x7d: {  	s30 =	sadd.s32 s22, s29;
	s23 =	spop (v2sf)  }
0x7e: {  	s31 =	sadd.s32 s23, s30;
	s24 =	spop (v2sf)  }
0x7f: {  	s0 =	sadd.s32 s24, s31;
	s25 =	spop (v2sf)  }
0x80: {  	s1 =	sadd.s32 s25, s0;
	s26 =	spop (v2sf)  }
0x81: {  	s2 =	sadd.s32 s26, s1;
	s28 =	spop (v2sf)  }
0x82: {  	s3 =	sadd.s32 s28, s2  }
0x83: {  	s3 =	sadd.s32 $0xF, s3  }
0x84: {  	[tilespmem:s20+$0x10000] =	vst.msk vm6, v5;
	s4 =	sand.u32 $0xF, s3  }
0x85: {  	[tilespmem:s18+$0x10000] =	vst.msk vm7, v6;
	s18 =	sshra.s32 s3, $0x1F;
	p1 =	slt.s32 s3, $0x1;
	p0 =	sne.s32 s4, $0x0  }
0x86: {  	s4 =	sshrl.u32 s18, $0x1C;
	p0 =	por !p1, !p0  }
0x87: {  	s3 =	sadd.s32 s4, s3;
	s4 =	simm.s32 $0x1;
	p0 =	por !p0, !p0  }
0x88: {  	s3 =	sshra.s32 s3, $0x4;
	s4 =	simm.s32 @!p0 $0x0  }
0x89: {  	s18 =	ssub.s32 s3, s4  }
0x8a: {  	[tilespmem:s29+$0x10000] =	vst.msk vm4, v7;
	p0 =	slt.s32 s18, $0x1  }
.Ltmp2:
0x8b: {  	[tilespmem:s30+$0x10000] =	vst.msk vm2, v8;
	(pc) =	sbr.rel @p0 .LBB2_12-.Ltmp2, $4  }
0x8c: {  	[tilespmem:s31+$0x10000] =	vst.msk vm15, v9  }
0x8d: {  	[tilespmem:s0+$0x10000] =	vst.msk vm1, v10  }
0x8e: {  	[tilespmem:s1+$0x10000] =	vst.msk vm3, v11  }
0x8f: {  	[tilespmem:s2+$0x10000] =	vst.msk vm5, v13  }
0x90: {  	s0 =	sadd.s32 s21, s19  }
0x91: {  	s0 =	sadd.s32 s22, s0  }
0x92: {  	p2 =	sne.s32 s18, $0x1;
	s0 =	sadd.s32 s23, s0  }
.Ltmp3:
0x93: {  	s0 =	sadd.s32 s24, s0;
	(pc) =	sbr.rel @!p2 .LBB2_7-.Ltmp3, $4  }
0x94: {  	s0 =	sadd.s32 s25, s0  }
0x95: {  	s0 =	sadd.s32 s26, s0  }
0x96: {  	s19 =	simm.s32 $0x10000;
	s0 =	sadd.s32 s28, s0  }
0x97: {  	s21 =	sadd.s32 $0xFFFFFFFF, s18;
	p1 =	por $0x0, $0x0;
	v4 =	vld [tilespmem:s19+$0x0];
	s20 =	sadd.s32 s20, s0  }
0x98: {  	_ =	sdelay $0x3  }
0x99: {  	p2 =	sne.s32 s21, $0x1;
	vm0 =	vge.f32 v4, $0.0e+00  }
.Ltmp4:
0x9a: {  	v6 =	vmov s20;
	v5 =	vsel vm0, $0x80000000, v0;
	(pc) =	sbr.rel @!p2 .LBB2_9-.Ltmp4, $4  }
0x9b: {  	vm15 =	vgt.s32 v6, v1;
	v4 =	vxor.u32 v4, v5  }
0x9c: {  	v4 =	vnsel vm15, $0x0, v4  }
0x9d: {  	[tilespmem:s19+$0x0] =	vst v4;
	s19 =	simm.s32 $0x10010  }
0x9e: {  	s22 =	sadd.s32 $0xFFFFFFFF, s21;
	p1 =	por $0x1, $0x1;
	s21 =	smov.u32 s20;
	v4 =	vld [tilespmem:s19+$0x0]  }
.LBB2_10:
0x9f: {  	p2 =	sne.s32 s22, $0x1;
	_ =	sdelay $0x3  }
0xa0: {  	s21 =	sadd.s32 $0xFFFFFFF0, s21;
	vm0 =	vge.f32 v4, $0.0e+00  }
.Ltmp5:
0xa1: {  	v6 =	vmov s21;
	v5 =	vsel vm0, $0x80000000, v0;
	(pc) =	sbr.rel @p2 .LBB2_10-.Ltmp5, $4  }
0xa2: {  	vm0 =	vgt.s32 v6, v1;
	v4 =	vxor.u32 v4, v5  }
0xa3: {  	v4 =	vnsel vm0, $0x0, v4  }
0xa4: {  	[tilespmem:s19+$0x0] =	vst v4;
	s19 =	sadd.s32 $0x10, s19  }
0xa5: {  	s22 =	sadd.s32 $0xFFFFFFFF, s22;
	v4 =	vld [tilespmem:s19+$0x0]  }
.LBB2_11:
0xa6: {  	_ =	sdelay $0x2  }
0xa7: {  	s0 =	sadd.s32 @p1 $0xFFFFFFF0, s21  }
0xa8: {  	s20 =	smov.u32 @p1 s0;
	vm0 =	vge.f32 v4, $0.0e+00  }
0xa9: {  	v6 =	vmov s20;
	v5 =	vsel vm0, $0x80000000, v0  }
0xaa: {  	vm15 =	vgt.s32 v6, v1;
	v4 =	vxor.u32 v4, v5  }
0xab: {  	v4 =	vnsel vm15, $0x0, v4  }
0xac: {  	[tilespmem:s19+$0x0] =	vst v4  }
.LBB2_12:
.Ltmp6:
0xad: {  	(pc) =	sbr.rel .LBB2_13-.Ltmp6, $2  }
0xae: {  	_ =	sdelay $0x2  }
0xaf: {  	s19 =	simm.s32 $0x0;
	s20 =	simm.s32 $0x0  }
.LBB2_14:
0xb0: {  	v4 =	vimm.s32 $0x0  }
.LBB2_18:
0xb1: {  	(xrf0) =	vadd.scan.msk.s32 $0xffff, v4;
	_ =	sdelay $0x5  }
0xb2: {  	v4, _, _ =	vpop (xrf0)  }
0xb3: {  	(v2sf) =	vpush v4, $0xF;
	_ =	sdelay $0xa  }
0xb4: {  	s20 =	sadd.s32 $0x1, s20  }
0xb5: {  	p2 =	sne.s32 s20, $0x20  }
.Ltmp7:
0xb6: {  	_ = 	snop;
	(pc) =	sbr.rel @!p2 .LBB2_19-.Ltmp7, $4  }
0xb7: {  	_ = 	snop  }
0xb8: {  	s0 =	spop (v2sf)  }
0xb9: {  	p1 =	sgt.s32 s0, $0x3F  }
0xba: {  	s19 =	smov.u32 @p1 s21  }
.LBB2_13:
.Ltmp8:
0xbb: {  	(pc) =	sbr.rel @p0 .LBB2_14-.Ltmp8, $3  }
0xbc: {  	_ =	sdelay $0x1  }
0xbd: {  	s0 =	sshrl.u32 s15, s20  }
0xbe: {  	s21 =	sor.u32 s0, s19  }
0xbf: {  	s0 =	simm.s32 $0x10000  }
0xc0: {  	p1 =	sne.s32 s18, $0x1;
	v6 =	vld [tilespmem:s0+$0x0]  }
.Ltmp9:
0xc1: {  	_ = 	snop;
	(pc) =	sbr.rel @!p1 .LBB2_17-.Ltmp9, $3  }
0xc2: {  	_ =	sdelay $0x1  }
0xc3: {  	v5 =	vmov s21  }
0xc4: {  	v4 =	vimm.s32 $0x0;
	s22 =	sadd.s32 $0xFFFFFFFF, s18;
	s23 =	simm.s32 $0x10010;
	vm0 =	vge.u32 v6, v5  }
.LBB2_16:
0xc5: {  	v6 =	vld [tilespmem:s23+$0x0];
	p1 =	sne.s32 s22, $0x1;
	s22 =	sadd.s32 $0xFFFFFFFF, s22;
	v7 =	vsel vm0, $0x1, v2  }
.Ltmp10:
0xc6: {  	v4 =	vadd.s32 v7, v4;
	(pc) =	sbr.rel @p1 .LBB2_16-.Ltmp10, $2  }
0xc7: {  	_ =	sdelay $0x2  }
0xc8: {  	s23 =	sadd.s32 $0x10, s23;
	vm0 =	vge.u32 v6, v5  }
.LBB2_17:
.Ltmp11:
0xc9: {  	(pc) =	sbr.rel .LBB2_18-.Ltmp11, $3  }
0xca: {  	_ =	sdelay $0x1  }
0xcb: {  	v5 =	vsel vm0, $0x1, v2  }
0xcc: {  	v4 =	vadd.s32 v5, v4  }
.LBB2_19:
0xcd: {  	s18 =	simm.s32 $0x0  }
0xce: {  	v5 =	vld [tilespmem:s18+$0x0]  }
0xcf: {  	v4 =	vmov s19;
	v11 =	vld [tilespmem:s18+$0x10]  }
0xd0: {  	vm0 =	vgt.s32 v4, $0xFFFFFFFF;
	v9 =	vld [tilespmem:s18+$0x20]  }
0xd1: {  	v8 =	vld [tilespmem:s18+$0x30];
	v4 =	vsel vm0, $0xFFFFFFFF, v3  }
0xd2: {  	v7 =	vld [tilespmem:s18+$0x40];
	v4 =	vxor.u32 s19, v4  }
0xd3: {  	v6 =	vld [tilespmem:s18+$0x50];
	vm0 =	vge.f32 v5, v4;
	v10 =	vmax.f32 v5, $0.0e+00  }
0xd4: {  	s19 =	simm.s32 $0x200;
	v5 =	vld [tilespmem:s18+$0x60];
	v10 =	vnsel vm0, $0x0, v10;
	vm0 =	vge.f32 v11, v4;
	v11 =	vmax.f32 v11, $0.0e+00  }
.LBB2_20:
0xd5: {  	s0 =	sshra.s32 s19, $0x2;
	p0 =	sne.s32 s19, $0x1FE00;
	v12 =	vld [tilespmem:s18+$0x70];
	v11 =	vnsel vm0, $0x0, v11;
	vm0 =	vge.f32 v9, v4;
	v9 =	vmax.f32 v9, $0.0e+00;
	[tilespmem:s18+$0x0] =	vst v10  }
0xd6: {  	v10 =	vld [tilespmem:s0+$0x0];
	v9 =	vnsel vm0, $0x0, v9;
	vm0 =	vge.f32 v8, v4;
	v8 =	vmax.f32 v8, $0.0e+00;
	[tilespmem:s18+$0x10] =	vst v11  }
0xd7: {  	v11 =	vld [tilespmem:s0+$0x10];
	v8 =	vnsel vm0, $0x0, v8;
	vm0 =	vge.f32 v7, v4;
	v7 =	vmax.f32 v7, $0.0e+00;
	[tilespmem:s18+$0x20] =	vst v9  }
.Ltmp12:
0xd8: {  	v9 =	vld [tilespmem:s0+$0x20];
	v7 =	vnsel vm0, $0x0, v7;
	vm0 =	vge.f32 v6, v4;
	v6 =	vmax.f32 v6, $0.0e+00;
	[tilespmem:s18+$0x30] =	vst v8;
	(pc) =	sbr.rel @p0 .LBB2_20-.Ltmp12, $4  }
0xd9: {  	v8 =	vld [tilespmem:s0+$0x30];
	v6 =	vnsel vm0, $0x0, v6;
	vm0 =	vge.f32 v5, v4;
	v5 =	vmax.f32 v5, $0.0e+00;
	[tilespmem:s18+$0x40] =	vst v7  }
0xda: {  	v7 =	vld [tilespmem:s0+$0x40];
	v5 =	vnsel vm0, $0x0, v5;
	vm0 =	vge.f32 v12, v4;
	v12 =	vmax.f32 v12, $0.0e+00;
	[tilespmem:s18+$0x50] =	vst v6  }
0xdb: {  	v6 =	vld [tilespmem:s0+$0x50];
	vm1 =	vge.f32 v10, v4;
	v10 =	vmax.f32 v10, $0.0e+00;
	v12 =	vnsel vm0, $0x0, v12;
	[tilespmem:s18+$0x60] =	vst v5  }
0xdc: {  	s19 =	sadd.s32 $0x200, s19;
	v5 =	vld [tilespmem:s0+$0x60];
	v10 =	vnsel vm1, $0x0, v10;
	vm0 =	vge.f32 v11, v4;
	v11 =	vmax.f32 v11, $0.0e+00;
	[tilespmem:s18+$0x70] =	vst v12;
	s18 =	smov.u32 s0  }
0xdd: {  	v12 =	vld [tilespmem:s18+$0x70];
	v11 =	vnsel vm0, $0x0, v11;
	vm10 =	vge.f32 v9, v4;
	v9 =	vmax.f32 v9, $0.0e+00;
	[tilespmem:s18+$0x0] =	vst v10  }
0xde: {  	v9 =	vnsel vm10, $0x0, v9;
	vm11 =	vge.f32 v8, v4;
	v8 =	vmax.f32 v8, $0.0e+00;
	[tilespmem:s18+$0x10] =	vst v11  }
0xdf: {  	v8 =	vnsel vm11, $0x0, v8;
	vm12 =	vge.f32 v7, v4;
	v7 =	vmax.f32 v7, $0.0e+00;
	[tilespmem:s18+$0x20] =	vst v9  }
0xe0: {  	v7 =	vnsel vm12, $0x0, v7;
	vm13 =	vge.f32 v6, v4;
	v6 =	vmax.f32 v6, $0.0e+00;
	[tilespmem:s18+$0x30] =	vst v8  }
0xe1: {  	v6 =	vnsel vm13, $0x0, v6;
	vm14 =	vge.f32 v5, v4;
	v5 =	vmax.f32 v5, $0.0e+00;
	[tilespmem:s18+$0x40] =	vst v7  }
0xe2: {  	v5 =	vnsel vm14, $0x0, v5;
	vm15 =	vge.f32 v12, v4;
	v4 =	vmax.f32 v12, $0.0e+00;
	[tilespmem:s18+$0x50] =	vst v6  }
0xe3: {  	v4 =	vnsel vm15, $0x0, v4;
	[tilespmem:s18+$0x60] =	vst v5  }
0xe4: {  	s0 =	simm.s32 $0x0;
	s1 =	rddreg [dreg:$0x4];
	[tilespmem:s18+$0x70] =	vst v4  }
0xe5: {  	[hbm4b:s1+s12] =	stream.strided.scatter [tilespmem:s0], [sflag:$0x1], $0x8000, s13, s12, $0x38;
	[tilespmem:$0x18080] =	vst v63  }
0xe6: {  	_ =	swait.ge [sflag:s14], $0x8000  }
0xe7: {  	[sflag:s14] =	ssyncset.done $0x0  }
0xe8: {  	[sflag:s14] =	ssyncadd.s32 $0xFFFF8000  }
0xe9: {  	[tilespmem:s16], [sflag:$0x1] =	stream.strided.gather [hbm4b:s5+s12], $0x8000, s13, s12, $0x38;
	[tilespmem:$0x18080] =	vst v63  }
0xea: {  	_ =	swait.ge [sflag:s14], $0x8000  }
0xeb: {  	[sflag:s14] =	ssyncset.done $0x0  }
0xec: {  	s31 =	simm.s32 $0x0;
	[sflag:s14] =	ssyncadd.s32 $0xFFFF8000  }
0xed: {  	v4 =	vld [tilespmem:s31+$0x8070]  }
0xee: {  	v5 =	vld [tilespmem:s31+$0x8000]  }
0xef: {  	v6 =	vld [tilespmem:s31+$0x8010]  }
0xf0: {  	v9 =	vld [tilespmem:s31+$0x8020]  }
0xf1: {  	v10 =	vld [tilespmem:s31+$0x8030]  }
0xf2: {  	v13 =	vimm.f32 $-Inf;
	v14 =	vimm.f32 $-Inf;
	v11 =	vld [tilespmem:s31+$0x8040]  }
0xf3: {  	v8 =	vimm.f32 $-Inf;
	v7 =	vimm.f32 $-Inf;
	v12 =	vimm.f32 $-Inf;
	v15 =	vld [tilespmem:s31+$0x8050]  }
0xf4: {  	s19 =	simm.s32 $0x400;
	s18 =	simm.s32 $0x80;
	v16 =	vld [tilespmem:s31+$0x8060];
	v4 =	vmax.f32 v7, v4;
	v5 =	vmax.f32 v7, v5;
	v6 =	vmax.f32 v7, v6  }
.LBB2_22:
0xf5: {  	p0 =	sne.s32 s19, $0x1FE00;
	v17 =	vld [tilespmem:s18+$0x8070];
	v7 =	vmax.f32 v7, v9  }
0xf6: {  	v18 =	vld [tilespmem:s18+$0x8000];
	v8 =	vmax.f32 v8, v10  }
0xf7: {  	v19 =	vld [tilespmem:s18+$0x8010];
	v12 =	vmax.f32 v12, v11  }
.Ltmp13:
0xf8: {  	v9 =	vld [tilespmem:s18+$0x8020];
	v13 =	vmax.f32 v13, v15;
	(pc) =	sbr.rel @p0 .LBB2_22-.Ltmp13, $4  }
0xf9: {  	v10 =	vld [tilespmem:s18+$0x8030];
	v14 =	vmax.f32 v14, v16  }
0xfa: {  	v11 =	vld [tilespmem:s18+$0x8040];
	v4 =	vmax.f32 v4, v17  }
0xfb: {  	v5 =	vmax.f32 v5, v18;
	v15 =	vld [tilespmem:s18+$0x8050]  }
0xfc: {  	v6 =	vmax.f32 v6, v19;
	v16 =	vld [tilespmem:s18+$0x8060];
	s18 =	sshra.s32 s19, $0x2;
	s19 =	sadd.s32 $0x200, s19  }
0xfd: {  	v17 =	vld [tilespmem:s18+$0x8070]  }
0xfe: {  	v18 =	vld [tilespmem:s18+$0x8000]  }
0xff: {  	v19 =	vld [tilespmem:s18+$0x8010]  }
0x100: {  	v20 =	vld [tilespmem:s18+$0x8020]  }
0x101: {  	v21 =	vld [tilespmem:s18+$0x8030]  }
0x102: {  	v22 =	vld [tilespmem:s18+$0x8040]  }
0x103: {  	v23 =	vld [tilespmem:s18+$0x8050]  }
0x104: {  	v24 =	vld [tilespmem:s18+$0x8060]  }
0x105: {  	v7 =	vmax.f32 v7, v9;
	v8 =	vmax.f32 v8, v10  }
0x106: {  	v48 =	vmax.f32 v12, v11;
	v49 =	vmax.f32 v13, v15;
	v50 =	vmax.f32 v14, v16  }
0x107: {  	v4 =	vmax.f32 v4, v17;
	v5 =	vmax.f32 v5, v18;
	v6 =	vmax.f32 v6, v19  }
0x108: {  	v7 =	vmax.f32 v7, v20;
	v8 =	vmax.f32 v8, v21;
	v9 =	vmax.f32 v48, v22  }
0x109: {  	v10 =	vmax.f32 v49, v23;
	v11 =	vmax.f32 v50, v24;
	v5 =	vmin.f32 v5, v6  }
0x10a: {  	v6 =	vmin.f32 v7, v8;
	v7 =	vmin.f32 v9, v10;
	v4 =	vmin.f32 v11, v4  }
0x10b: {  	v5 =	vmin.f32 v5, v6;
	v4 =	vmin.f32 v7, v4  }
0x10c: {  	v4 =	vmin.f32 v5, v4  }
0x10d: {  	v4 =	vsub.f32 $0.0e+00, v4;
	_ =	sdelay $0x1  }
0x10e: {  	(xrf0) =	vmax.scan.msk.f32 $0xffff, v4;
	_ =	sdelay $0x5  }
0x10f: {  	v4, _, _ =	vpop (xrf0)  }
0x110: {  	(v2sf) =	vpush v4, $0xF;
	_ =	sdelay $0xc  }
0x111: {  	s0 =	simm.s32 $0x0  }
0x112: {  	v6 =	vld [tilespmem:s0+$0x8000]  }
0x113: {  	v7 =	vld [tilespmem:s0+$0x8010];
	s1 =	spop (v2sf)  }
0x114: {  	v51 =	vld [tilespmem:s0+$0x8020];
	s1 =	ssub.f32 $0.0e+00, s1  }
0x115: {  	v52 =	vld [tilespmem:s0+$0x8030]  }
0x116: {  	v53 =	vld [tilespmem:s0+$0x8040];
	v4 =	vmov s1  }
0x117: {  	v54 =	vld [tilespmem:s0+$0x8050];
	vm1 =	vge.f32 v6, v4  }
0x118: {  	v55 =	vld [tilespmem:s0+$0x8060];
	vm2 =	vge.f32 v7, v4;
	v56 =	vmpcnt.ones.xlane vm1  }
0x119: {  	v5 =	vld [tilespmem:s0+$0x8070];
	vm3 =	vge.f32 v51, v4;
	v57 =	vmpcnt.ones.xlane vm2  }
0x11a: {  	vm4 =	vge.f32 v52, v4;
	v58 =	vmpcnt.ones.xlane vm3;
	(v2sf) =	vpush v56, $0x0  }
0x11b: {  	vm5 =	vge.f32 v53, v4;
	v59 =	vmpcnt.ones.xlane vm4;
	(v2sf) =	vpush v57, $0x0  }
0x11c: {  	vm6 =	vge.f32 v54, v4;
	v60 =	vmpcnt.ones.xlane vm5;
	(v2sf) =	vpush v58, $0x0  }
0x11d: {  	vm7 =	vge.f32 v55, v4;
	v61 =	vmpcnt.ones.xlane vm6;
	(v2sf) =	vpush v59, $0x0  }
0x11e: {  	vm0 =	vge.f32 v5, v4;
	v62 =	vmpcnt.ones.xlane vm7;
	(v2sf) =	vpush v60, $0x0  }
0x11f: {  	v63 =	vmpcnt.ones.xlane vm0;
	(v2sf) =	vpush v61, $0x0  }
0x120: {  	(v2sf) =	vpush v62, $0x0  }
0x121: {  	(v2sf) =	vpush v63, $0x0;
	_ =	sdelay $0x7  }
0x122: {  	s22 =	simm.s32 $0x0;
	s23 =	spop (v2sf)  }
0x123: {  	[tilespmem:s22+$0x10000] =	vst.msk vm1, v6;
	s24 =	sadd.s32 $0x0, s23;
	s25 =	spop (v2sf)  }
0x124: {  	[tilespmem:s24+$0x10000] =	vst.msk vm2, v7;
	s0 =	sadd.s32 s25, s24;
	s26 =	spop (v2sf)  }
0x125: {  	[tilespmem:s0+$0x10000] =	vst.msk vm3, v51;
	s0 =	sadd.s32 s26, s0;
	s28 =	spop (v2sf)  }
0x126: {  	[tilespmem:s0+$0x10000] =	vst.msk vm4, v52;
	s0 =	sadd.s32 s28, s0;
	s29 =	spop (v2sf)  }
0x127: {  	[tilespmem:s0+$0x10000] =	vst.msk vm5, v53;
	s0 =	sadd.s32 s29, s0;
	s30 =	spop (v2sf)  }
0x128: {  	s18 =	simm.s32 $0x200;
	[tilespmem:s0+$0x10000] =	vst.msk vm6, v54;
	s0 =	sadd.s32 s30, s0;
	s31 =	spop (v2sf)  }
0x129: {  	s22 =	simm.s32 $0x400;
	[tilespmem:s0+$0x10000] =	vst.msk vm7, v55;
	s20 =	sadd.s32 s31, s0;
	s21 =	spop (v2sf)  }
.LBB2_24:
0x12a: {  	s0 =	sshra.s32 s18, $0x2  }
0x12b: {  	[tilespmem:s20+$0x10000] =	vst.msk vm0, v5;
	s20 =	sadd.s32 s21, s20;
	s18 =	smov.u32 s22;
	s19 =	sadd.s32 $0x200, s22  }
0x12c: {  	p0 =	sne.s32 s22, $0x1FE00;
	v6 =	vld [tilespmem:s0+$0x8000]  }
0x12d: {  	v7 =	vld [tilespmem:s0+$0x8010]  }
0x12e: {  	v8 =	vld [tilespmem:s0+$0x8020]  }
0x12f: {  	v9 =	vld [tilespmem:s0+$0x8030]  }
0x130: {  	v10 =	vld [tilespmem:s0+$0x8040]  }
0x131: {  	v11 =	vld [tilespmem:s0+$0x8050];
	vm0 =	vge.f32 v6, v4  }
0x132: {  	v12 =	vld [tilespmem:s0+$0x8060];
	vm2 =	vge.f32 v7, v4;
	v13 =	vmpcnt.ones.xlane vm0  }
0x133: {  	v5 =	vld [tilespmem:s0+$0x8070];
	vm3 =	vge.f32 v8, v4;
	v14 =	vmpcnt.ones.xlane vm2  }
0x134: {  	vm1 =	vge.f32 v9, v4;
	v15 =	vmpcnt.ones.xlane vm3;
	[tilespmem:s20+$0x10000] =	vst.msk vm0, v6;
	(v2sf) =	vpush v13, $0x0  }
0x135: {  	vm4 =	vge.f32 v10, v4;
	v6 =	vmpcnt.ones.xlane vm1;
	(v2sf) =	vpush v14, $0x0  }
0x136: {  	vm5 =	vge.f32 v11, v4;
	v13 =	vmpcnt.ones.xlane vm4;
	(v2sf) =	vpush v15, $0x0  }
0x137: {  	vm6 =	vge.f32 v12, v4;
	v14 =	vmpcnt.ones.xlane vm5;
	(v2sf) =	vpush v6, $0x0  }
0x138: {  	vm0 =	vge.f32 v5, v4;
	v6 =	vmpcnt.ones.xlane vm6;
	(v2sf) =	vpush v13, $0x0  }
0x139: {  	v13 =	vmpcnt.ones.xlane vm0;
	(v2sf) =	vpush v14, $0x0  }
0x13a: {  	(v2sf) =	vpush v6, $0x0  }
0x13b: {  	(v2sf) =	vpush v13, $0x0;
	_ =	sdelay $0x7  }
0x13c: {  	s0 =	spop (v2sf)  }
0x13d: {  	s0 =	sadd.s32 s20, s0;
	s1 =	spop (v2sf)  }
0x13e: {  	[tilespmem:s0+$0x10000] =	vst.msk vm2, v7;
	s0 =	sadd.s32 s1, s0;
	s1 =	spop (v2sf)  }
.Ltmp14:
0x13f: {  	[tilespmem:s0+$0x10000] =	vst.msk vm3, v8;
	s0 =	sadd.s32 s1, s0;
	s1 =	spop (v2sf);
	(pc) =	sbr.rel @p0 .LBB2_24-.Ltmp14, $4  }
0x140: {  	[tilespmem:s0+$0x10000] =	vst.msk vm1, v9;
	s0 =	sadd.s32 s1, s0;
	s1 =	spop (v2sf)  }
0x141: {  	[tilespmem:s0+$0x10000] =	vst.msk vm4, v10;
	s0 =	sadd.s32 s1, s0;
	s1 =	spop (v2sf)  }
0x142: {  	[tilespmem:s0+$0x10000] =	vst.msk vm5, v11;
	s0 =	sadd.s32 s1, s0;
	s1 =	spop (v2sf)  }
0x143: {  	s22 =	smov.u32 s19;
	[tilespmem:s0+$0x10000] =	vst.msk vm6, v12;
	s20 =	sadd.s32 s1, s0;
	s21 =	spop (v2sf)  }
0x144: {  	s0 =	sshra.s32 s18, $0x2;
	[tilespmem:s20+$0x10000] =	vst.msk vm0, v5  }
0x145: {  	v5 =	vld [tilespmem:s0+$0x8000]  }
0x146: {  	v6 =	vld [tilespmem:s0+$0x8010]  }
0x147: {  	v7 =	vld [tilespmem:s0+$0x8020]  }
0x148: {  	v8 =	vld [tilespmem:s0+$0x8030]  }
0x149: {  	v9 =	vld [tilespmem:s0+$0x8040]  }
0x14a: {  	v10 =	vld [tilespmem:s0+$0x8050];
	vm6 =	vge.f32 v5, v4  }
0x14b: {  	v11 =	vld [tilespmem:s0+$0x8060];
	vm7 =	vge.f32 v6, v4;
	v12 =	vmpcnt.ones.xlane vm6  }
0x14c: {  	v13 =	vld [tilespmem:s0+$0x8070];
	vm4 =	vge.f32 v7, v4;
	v14 =	vmpcnt.ones.xlane vm7  }
0x14d: {  	vm2 =	vge.f32 v8, v4;
	v15 =	vmpcnt.ones.xlane vm4;
	(v2sf) =	vpush v12, $0x0  }
0x14e: {  	vm15 =	vge.f32 v9, v4;
	v60 =	vmpcnt.ones.xlane vm2;
	(v2sf) =	vpush v14, $0x0  }
0x14f: {  	vm1 =	vge.f32 v10, v4;
	v61 =	vmpcnt.ones.xlane vm15;
	(v2sf) =	vpush v15, $0x0  }
0x150: {  	vm3 =	vge.f32 v11, v4;
	v62 =	vmpcnt.ones.xlane vm1;
	(v2sf) =	vpush v60, $0x0  }
0x151: {  	vm5 =	vge.f32 v13, v4;
	v4 =	vmpcnt.ones.xlane vm3;
	(v2sf) =	vpush v61, $0x0  }
0x152: {  	v63 =	vmpcnt.ones.xlane vm5;
	(v2sf) =	vpush v62, $0x0  }
0x153: {  	(v2sf) =	vpush v4, $0x0  }
0x154: {  	(v2sf) =	vpush v63, $0x0;
	_ =	sdelay $0x7  }
0x155: {  	s20 =	sadd.s32 s21, s20;
	s19 =	spop (v2sf)  }
0x156: {  	s0 =	sadd.s32 s20, s19;
	s21 =	spop (v2sf)  }
0x157: {  	s1 =	sadd.s32 s21, s0;
	s22 =	spop (v2sf)  }
0x158: {  	s2 =	sadd.s32 s22, s1;
	s23 =	spop (v2sf)  }
0x159: {  	s3 =	sadd.s32 s23, s2;
	s24 =	spop (v2sf)  }
0x15a: {  	s4 =	sadd.s32 s24, s3;
	s25 =	spop (v2sf)  }
0x15b: {  	s29 =	sadd.s32 s25, s4;
	s26 =	spop (v2sf)  }
0x15c: {  	s30 =	sadd.s32 s26, s29;
	s28 =	spop (v2sf)  }
0x15d: {  	s31 =	sadd.s32 s28, s30  }
0x15e: {  	s18 =	sadd.s32 $0xF, s31  }
0x15f: {  	s31 =	sand.u32 $0xF, s18  }
0x160: {  	[tilespmem:s20+$0x10000] =	vst.msk vm6, v5;
	p1 =	slt.s32 s18, $0x1;
	p0 =	sne.s32 s31, $0x0;
	s31 =	sshra.s32 s18, $0x1F  }
0x161: {  	[tilespmem:s0+$0x10000] =	vst.msk vm7, v6;
	s0 =	sshrl.u32 s31, $0x1C;
	p0 =	por !p1, !p0  }
0x162: {  	[tilespmem:s1+$0x10000] =	vst.msk vm4, v7;
	s1 =	simm.s32 $0x1;
	s0 =	sadd.s32 s0, s18;
	p0 =	por !p0, !p0  }
0x163: {  	s0 =	sshra.s32 s0, $0x4;
	s1 =	simm.s32 @!p0 $0x0  }
0x164: {  	s18 =	ssub.s32 s0, s1  }
0x165: {  	p0 =	slt.s32 s18, $0x1  }
.Ltmp15:
0x166: {  	[tilespmem:s2+$0x10000] =	vst.msk vm2, v8;
	(pc) =	sbr.rel @p0 .LBB2_32-.Ltmp15, $4  }
0x167: {  	[tilespmem:s3+$0x10000] =	vst.msk vm15, v9  }
0x168: {  	[tilespmem:s4+$0x10000] =	vst.msk vm1, v10  }
0x169: {  	[tilespmem:s29+$0x10000] =	vst.msk vm3, v11  }
0x16a: {  	[tilespmem:s30+$0x10000] =	vst.msk vm5, v13  }
0x16b: {  	s0 =	sadd.s32 s21, s19  }
0x16c: {  	s0 =	sadd.s32 s22, s0  }
0x16d: {  	p2 =	sne.s32 s18, $0x1;
	s0 =	sadd.s32 s23, s0  }
.Ltmp16:
0x16e: {  	s0 =	sadd.s32 s24, s0;
	(pc) =	sbr.rel @!p2 .LBB2_27-.Ltmp16, $4  }
0x16f: {  	s0 =	sadd.s32 s25, s0  }
0x170: {  	s0 =	sadd.s32 s26, s0  }
0x171: {  	s19 =	simm.s32 $0x10000;
	s0 =	sadd.s32 s28, s0  }
0x172: {  	s21 =	sadd.s32 $0xFFFFFFFF, s18;
	p1 =	por $0x0, $0x0;
	v4 =	vld [tilespmem:s19+$0x0];
	s20 =	sadd.s32 s20, s0  }
0x173: {  	_ =	sdelay $0x3  }
0x174: {  	p2 =	sne.s32 s21, $0x1;
	vm0 =	vge.f32 v4, $0.0e+00  }
.Ltmp17:
0x175: {  	v6 =	vmov s20;
	v5 =	vsel vm0, $0x80000000, v0;
	(pc) =	sbr.rel @!p2 .LBB2_29-.Ltmp17, $4  }
0x176: {  	vm15 =	vgt.s32 v6, v1;
	v4 =	vxor.u32 v4, v5  }
0x177: {  	v4 =	vnsel vm15, $0x0, v4  }
0x178: {  	[tilespmem:s19+$0x0] =	vst v4;
	s19 =	simm.s32 $0x10010  }
0x179: {  	s22 =	sadd.s32 $0xFFFFFFFF, s21;
	p1 =	por $0x1, $0x1;
	s21 =	smov.u32 s20;
	v4 =	vld [tilespmem:s19+$0x0]  }
.LBB2_30:
0x17a: {  	p2 =	sne.s32 s22, $0x1;
	_ =	sdelay $0x3  }
0x17b: {  	s21 =	sadd.s32 $0xFFFFFFF0, s21;
	vm0 =	vge.f32 v4, $0.0e+00  }
.Ltmp18:
0x17c: {  	v6 =	vmov s21;
	v5 =	vsel vm0, $0x80000000, v0;
	(pc) =	sbr.rel @p2 .LBB2_30-.Ltmp18, $4  }
0x17d: {  	vm0 =	vgt.s32 v6, v1;
	v4 =	vxor.u32 v4, v5  }
0x17e: {  	v4 =	vnsel vm0, $0x0, v4  }
0x17f: {  	[tilespmem:s19+$0x0] =	vst v4;
	s19 =	sadd.s32 $0x10, s19  }
0x180: {  	s22 =	sadd.s32 $0xFFFFFFFF, s22;
	v4 =	vld [tilespmem:s19+$0x0]  }
.LBB2_31:
0x181: {  	_ =	sdelay $0x2  }
0x182: {  	s0 =	sadd.s32 @p1 $0xFFFFFFF0, s21  }
0x183: {  	s20 =	smov.u32 @p1 s0;
	vm0 =	vge.f32 v4, $0.0e+00  }
0x184: {  	v6 =	vmov s20;
	v5 =	vsel vm0, $0x80000000, v0  }
0x185: {  	vm15 =	vgt.s32 v6, v1;
	v4 =	vxor.u32 v4, v5  }
0x186: {  	v4 =	vnsel vm15, $0x0, v4  }
0x187: {  	[tilespmem:s19+$0x0] =	vst v4  }
.LBB2_32:
.Ltmp19:
0x188: {  	(pc) =	sbr.rel .LBB2_33-.Ltmp19, $2  }
0x189: {  	_ =	sdelay $0x2  }
0x18a: {  	s19 =	simm.s32 $0x0;
	s20 =	simm.s32 $0x0  }
.LBB2_34:
0x18b: {  	v4 =	vimm.s32 $0x0  }
.LBB2_38:
0x18c: {  	(xrf0) =	vadd.scan.msk.s32 $0xffff, v4;
	_ =	sdelay $0x5  }
0x18d: {  	v4, _, _ =	vpop (xrf0)  }
0x18e: {  	(v2sf) =	vpush v4, $0xF;
	_ =	sdelay $0xa  }
0x18f: {  	s20 =	sadd.s32 $0x1, s20  }
0x190: {  	p2 =	sne.s32 s20, $0x20  }
.Ltmp20:
0x191: {  	_ = 	snop;
	(pc) =	sbr.rel @!p2 .LBB2_39-.Ltmp20, $4  }
0x192: {  	_ = 	snop  }
0x193: {  	s0 =	spop (v2sf)  }
0x194: {  	p1 =	sgt.s32 s0, $0x3F  }
0x195: {  	s19 =	smov.u32 @p1 s21  }
.LBB2_33:
.Ltmp21:
0x196: {  	(pc) =	sbr.rel @p0 .LBB2_34-.Ltmp21, $3  }
0x197: {  	_ =	sdelay $0x1  }
0x198: {  	s0 =	sshrl.u32 s15, s20  }
0x199: {  	s21 =	sor.u32 s0, s19  }
0x19a: {  	s0 =	simm.s32 $0x10000  }
0x19b: {  	p1 =	sne.s32 s18, $0x1;
	v6 =	vld [tilespmem:s0+$0x0]  }
.Ltmp22:
0x19c: {  	_ = 	snop;
	(pc) =	sbr.rel @!p1 .LBB2_37-.Ltmp22, $3  }
0x19d: {  	_ =	sdelay $0x1  }
0x19e: {  	v5 =	vmov s21  }
0x19f: {  	v4 =	vimm.s32 $0x0;
	s22 =	sadd.s32 $0xFFFFFFFF, s18;
	s23 =	simm.s32 $0x10010;
	vm0 =	vge.u32 v6, v5  }
.LBB2_36:
0x1a0: {  	v6 =	vld [tilespmem:s23+$0x0];
	p1 =	sne.s32 s22, $0x1;
	s22 =	sadd.s32 $0xFFFFFFFF, s22;
	v7 =	vsel vm0, $0x1, v2  }
.Ltmp23:
0x1a1: {  	v4 =	vadd.s32 v7, v4;
	(pc) =	sbr.rel @p1 .LBB2_36-.Ltmp23, $2  }
0x1a2: {  	_ =	sdelay $0x2  }
0x1a3: {  	s23 =	sadd.s32 $0x10, s23;
	vm0 =	vge.u32 v6, v5  }
.LBB2_37:
.Ltmp24:
0x1a4: {  	(pc) =	sbr.rel .LBB2_38-.Ltmp24, $3  }
0x1a5: {  	_ =	sdelay $0x1  }
0x1a6: {  	v5 =	vsel vm0, $0x1, v2  }
0x1a7: {  	v4 =	vadd.s32 v5, v4  }
.LBB2_39:
0x1a8: {  	s18 =	simm.s32 $0x0  }
0x1a9: {  	v5 =	vld [tilespmem:s18+$0x8000]  }
0x1aa: {  	v4 =	vmov s19;
	v11 =	vld [tilespmem:s18+$0x8010]  }
0x1ab: {  	vm0 =	vgt.s32 v4, $0xFFFFFFFF;
	v9 =	vld [tilespmem:s18+$0x8020]  }
0x1ac: {  	v8 =	vld [tilespmem:s18+$0x8030];
	v4 =	vsel vm0, $0xFFFFFFFF, v3  }
0x1ad: {  	v7 =	vld [tilespmem:s18+$0x8040];
	v4 =	vxor.u32 s19, v4  }
0x1ae: {  	v6 =	vld [tilespmem:s18+$0x8050];
	vm0 =	vge.f32 v5, v4;
	v10 =	vmax.f32 v5, $0.0e+00  }
0x1af: {  	s19 =	simm.s32 $0x200;
	v5 =	vld [tilespmem:s18+$0x8060];
	v10 =	vnsel vm0, $0x0, v10;
	vm0 =	vge.f32 v11, v4;
	v11 =	vmax.f32 v11, $0.0e+00  }
.LBB2_40:
0x1b0: {  	s0 =	sshra.s32 s19, $0x2;
	p0 =	sne.s32 s19, $0x1FE00;
	v12 =	vld [tilespmem:s18+$0x8070];
	v11 =	vnsel vm0, $0x0, v11;
	vm0 =	vge.f32 v9, v4;
	v9 =	vmax.f32 v9, $0.0e+00;
	[tilespmem:s18+$0x8000] =	vst v10  }
0x1b1: {  	v10 =	vld [tilespmem:s0+$0x8000];
	v9 =	vnsel vm0, $0x0, v9;
	vm0 =	vge.f32 v8, v4;
	v8 =	vmax.f32 v8, $0.0e+00;
	[tilespmem:s18+$0x8010] =	vst v11  }
0x1b2: {  	v11 =	vld [tilespmem:s0+$0x8010];
	v8 =	vnsel vm0, $0x0, v8;
	vm0 =	vge.f32 v7, v4;
	v7 =	vmax.f32 v7, $0.0e+00;
	[tilespmem:s18+$0x8020] =	vst v9  }
.Ltmp25:
0x1b3: {  	v9 =	vld [tilespmem:s0+$0x8020];
	v7 =	vnsel vm0, $0x0, v7;
	vm0 =	vge.f32 v6, v4;
	v6 =	vmax.f32 v6, $0.0e+00;
	[tilespmem:s18+$0x8030] =	vst v8;
	(pc) =	sbr.rel @p0 .LBB2_40-.Ltmp25, $4  }
0x1b4: {  	v8 =	vld [tilespmem:s0+$0x8030];
	v6 =	vnsel vm0, $0x0, v6;
	vm0 =	vge.f32 v5, v4;
	v5 =	vmax.f32 v5, $0.0e+00;
	[tilespmem:s18+$0x8040] =	vst v7  }
0x1b5: {  	v7 =	vld [tilespmem:s0+$0x8040];
	v5 =	vnsel vm0, $0x0, v5;
	vm0 =	vge.f32 v12, v4;
	v12 =	vmax.f32 v12, $0.0e+00;
	[tilespmem:s18+$0x8050] =	vst v6  }
0x1b6: {  	v6 =	vld [tilespmem:s0+$0x8050];
	vm1 =	vge.f32 v10, v4;
	v10 =	vmax.f32 v10, $0.0e+00;
	v12 =	vnsel vm0, $0x0, v12;
	[tilespmem:s18+$0x8060] =	vst v5  }
0x1b7: {  	s19 =	sadd.s32 $0x200, s19;
	v5 =	vld [tilespmem:s0+$0x8060];
	v10 =	vnsel vm1, $0x0, v10;
	vm0 =	vge.f32 v11, v4;
	v11 =	vmax.f32 v11, $0.0e+00;
	[tilespmem:s18+$0x8070] =	vst v12;
	s18 =	smov.u32 s0  }
0x1b8: {  	v12 =	vld [tilespmem:s18+$0x8070];
	v11 =	vnsel vm0, $0x0, v11;
	vm10 =	vge.f32 v9, v4;
	v9 =	vmax.f32 v9, $0.0e+00;
	[tilespmem:s18+$0x8000] =	vst v10  }
0x1b9: {  	v9 =	vnsel vm10, $0x0, v9;
	vm11 =	vge.f32 v8, v4;
	v8 =	vmax.f32 v8, $0.0e+00;
	[tilespmem:s18+$0x8010] =	vst v11  }
0x1ba: {  	v8 =	vnsel vm11, $0x0, v8;
	vm12 =	vge.f32 v7, v4;
	v7 =	vmax.f32 v7, $0.0e+00;
	[tilespmem:s18+$0x8020] =	vst v9  }
0x1bb: {  	v7 =	vnsel vm12, $0x0, v7;
	vm13 =	vge.f32 v6, v4;
	v6 =	vmax.f32 v6, $0.0e+00;
	[tilespmem:s18+$0x8030] =	vst v8  }
0x1bc: {  	v6 =	vnsel vm13, $0x0, v6;
	vm14 =	vge.f32 v5, v4;
	v5 =	vmax.f32 v5, $0.0e+00;
	[tilespmem:s18+$0x8040] =	vst v7  }
0x1bd: {  	v5 =	vnsel vm14, $0x0, v5;
	vm15 =	vge.f32 v12, v4;
	v4 =	vmax.f32 v12, $0.0e+00;
	[tilespmem:s18+$0x8050] =	vst v6  }
0x1be: {  	v4 =	vnsel vm15, $0x0, v4;
	[tilespmem:s18+$0x8060] =	vst v5  }
0x1bf: {  	[tilespmem:s18+$0x8070] =	vst v4  }
0x1c0: {  	[hbm4b:s6+s12] =	stream.strided.scatter [tilespmem:s16], [sflag:$0x1], $0x8000, s13, s12, $0x38;
	[tilespmem:$0x18080] =	vst v63  }
0x1c1: {  	_ =	swait.ge [sflag:s14], $0x8000  }
0x1c2: {  	[sflag:s14] =	ssyncset.done $0x0  }
0x1c3: {  	s0 =	simm.s32 $0x0;
	[sflag:s14] =	ssyncadd.s32 $0xFFFF8000  }
0x1c4: {  	[tilespmem:s0], [sflag:$0x1] =	stream.strided.gather [hbm4b:s7+s12], $0x8000, s13, s12, $0x38;
	[tilespmem:$0x18080] =	vst v63  }
0x1c5: {  	_ =	swait.ge [sflag:s14], $0x8000  }
0x1c6: {  	[sflag:s14] =	ssyncset.done $0x0  }
0x1c7: {  	s31 =	simm.s32 $0x0;
	[sflag:s14] =	ssyncadd.s32 $0xFFFF8000  }
0x1c8: {  	v4 =	vld [tilespmem:s31+$0x70]  }
0x1c9: {  	v5 =	vld [tilespmem:s31+$0x0]  }
0x1ca: {  	v6 =	vld [tilespmem:s31+$0x10]  }
0x1cb: {  	v9 =	vld [tilespmem:s31+$0x20]  }
0x1cc: {  	v10 =	vld [tilespmem:s31+$0x30]  }
0x1cd: {  	v13 =	vimm.f32 $-Inf;
	v14 =	vimm.f32 $-Inf;
	v11 =	vld [tilespmem:s31+$0x40]  }
0x1ce: {  	v8 =	vimm.f32 $-Inf;
	v7 =	vimm.f32 $-Inf;
	v12 =	vimm.f32 $-Inf;
	v15 =	vld [tilespmem:s31+$0x50]  }
0x1cf: {  	s19 =	simm.s32 $0x400;
	s18 =	simm.s32 $0x80;
	v16 =	vld [tilespmem:s31+$0x60];
	v4 =	vmax.f32 v7, v4;
	v5 =	vmax.f32 v7, v5;
	v6 =	vmax.f32 v7, v6  }
.LBB2_42:
0x1d0: {  	p0 =	sne.s32 s19, $0x1FE00;
	v17 =	vld [tilespmem:s18+$0x70];
	v7 =	vmax.f32 v7, v9  }
0x1d1: {  	v18 =	vld [tilespmem:s18+$0x0];
	v8 =	vmax.f32 v8, v10  }
0x1d2: {  	v19 =	vld [tilespmem:s18+$0x10];
	v12 =	vmax.f32 v12, v11  }
.Ltmp26:
0x1d3: {  	v9 =	vld [tilespmem:s18+$0x20];
	v13 =	vmax.f32 v13, v15;
	(pc) =	sbr.rel @p0 .LBB2_42-.Ltmp26, $4  }
0x1d4: {  	v10 =	vld [tilespmem:s18+$0x30];
	v14 =	vmax.f32 v14, v16  }
0x1d5: {  	v11 =	vld [tilespmem:s18+$0x40];
	v4 =	vmax.f32 v4, v17  }
0x1d6: {  	v5 =	vmax.f32 v5, v18;
	v15 =	vld [tilespmem:s18+$0x50]  }
0x1d7: {  	v6 =	vmax.f32 v6, v19;
	v16 =	vld [tilespmem:s18+$0x60];
	s18 =	sshra.s32 s19, $0x2;
	s19 =	sadd.s32 $0x200, s19  }
0x1d8: {  	v17 =	vld [tilespmem:s18+$0x70]  }
0x1d9: {  	v18 =	vld [tilespmem:s18+$0x0]  }
0x1da: {  	v19 =	vld [tilespmem:s18+$0x10]  }
0x1db: {  	v20 =	vld [tilespmem:s18+$0x20]  }
0x1dc: {  	v21 =	vld [tilespmem:s18+$0x30]  }
0x1dd: {  	v22 =	vld [tilespmem:s18+$0x40]  }
0x1de: {  	v23 =	vld [tilespmem:s18+$0x50]  }
0x1df: {  	v24 =	vld [tilespmem:s18+$0x60]  }
0x1e0: {  	v7 =	vmax.f32 v7, v9;
	v8 =	vmax.f32 v8, v10  }
0x1e1: {  	v48 =	vmax.f32 v12, v11;
	v49 =	vmax.f32 v13, v15;
	v50 =	vmax.f32 v14, v16  }
0x1e2: {  	v4 =	vmax.f32 v4, v17;
	v5 =	vmax.f32 v5, v18;
	v6 =	vmax.f32 v6, v19  }
0x1e3: {  	v7 =	vmax.f32 v7, v20;
	v8 =	vmax.f32 v8, v21;
	v9 =	vmax.f32 v48, v22  }
0x1e4: {  	v10 =	vmax.f32 v49, v23;
	v11 =	vmax.f32 v50, v24;
	v5 =	vmin.f32 v5, v6  }
0x1e5: {  	v6 =	vmin.f32 v7, v8;
	v7 =	vmin.f32 v9, v10;
	v4 =	vmin.f32 v11, v4  }
0x1e6: {  	v5 =	vmin.f32 v5, v6;
	v4 =	vmin.f32 v7, v4  }
0x1e7: {  	v4 =	vmin.f32 v5, v4  }
0x1e8: {  	v4 =	vsub.f32 $0.0e+00, v4;
	_ =	sdelay $0x1  }
0x1e9: {  	(xrf0) =	vmax.scan.msk.f32 $0xffff, v4;
	_ =	sdelay $0x5  }
0x1ea: {  	v4, _, _ =	vpop (xrf0)  }
0x1eb: {  	(v2sf) =	vpush v4, $0xF;
	_ =	sdelay $0xc  }
0x1ec: {  	s0 =	simm.s32 $0x0  }
0x1ed: {  	v6 =	vld [tilespmem:s0+$0x0]  }
0x1ee: {  	v7 =	vld [tilespmem:s0+$0x10];
	s1 =	spop (v2sf)  }
0x1ef: {  	v51 =	vld [tilespmem:s0+$0x20];
	s1 =	ssub.f32 $0.0e+00, s1  }
0x1f0: {  	v52 =	vld [tilespmem:s0+$0x30]  }
0x1f1: {  	v53 =	vld [tilespmem:s0+$0x40];
	v4 =	vmov s1  }
0x1f2: {  	v54 =	vld [tilespmem:s0+$0x50];
	vm1 =	vge.f32 v6, v4  }
0x1f3: {  	v55 =	vld [tilespmem:s0+$0x60];
	vm2 =	vge.f32 v7, v4;
	v56 =	vmpcnt.ones.xlane vm1  }
0x1f4: {  	v5 =	vld [tilespmem:s0+$0x70];
	vm3 =	vge.f32 v51, v4;
	v57 =	vmpcnt.ones.xlane vm2  }
0x1f5: {  	vm4 =	vge.f32 v52, v4;
	v58 =	vmpcnt.ones.xlane vm3;
	(v2sf) =	vpush v56, $0x0  }
0x1f6: {  	vm5 =	vge.f32 v53, v4;
	v59 =	vmpcnt.ones.xlane vm4;
	(v2sf) =	vpush v57, $0x0  }
0x1f7: {  	vm6 =	vge.f32 v54, v4;
	v60 =	vmpcnt.ones.xlane vm5;
	(v2sf) =	vpush v58, $0x0  }
0x1f8: {  	vm7 =	vge.f32 v55, v4;
	v61 =	vmpcnt.ones.xlane vm6;
	(v2sf) =	vpush v59, $0x0  }
0x1f9: {  	vm0 =	vge.f32 v5, v4;
	v62 =	vmpcnt.ones.xlane vm7;
	(v2sf) =	vpush v60, $0x0  }
0x1fa: {  	v63 =	vmpcnt.ones.xlane vm0;
	(v2sf) =	vpush v61, $0x0  }
0x1fb: {  	(v2sf) =	vpush v62, $0x0  }
0x1fc: {  	(v2sf) =	vpush v63, $0x0;
	_ =	sdelay $0x7  }
0x1fd: {  	s22 =	simm.s32 $0x0;
	s23 =	spop (v2sf)  }
0x1fe: {  	[tilespmem:s22+$0x10000] =	vst.msk vm1, v6;
	s24 =	sadd.s32 $0x0, s23;
	s25 =	spop (v2sf)  }
0x1ff: {  	[tilespmem:s24+$0x10000] =	vst.msk vm2, v7;
	s0 =	sadd.s32 s25, s24;
	s26 =	spop (v2sf)  }
0x200: {  	[tilespmem:s0+$0x10000] =	vst.msk vm3, v51;
	s0 =	sadd.s32 s26, s0;
	s28 =	spop (v2sf)  }
0x201: {  	[tilespmem:s0+$0x10000] =	vst.msk vm4, v52;
	s0 =	sadd.s32 s28, s0;
	s29 =	spop (v2sf)  }
0x202: {  	[tilespmem:s0+$0x10000] =	vst.msk vm5, v53;
	s0 =	sadd.s32 s29, s0;
	s30 =	spop (v2sf)  }
0x203: {  	s18 =	simm.s32 $0x200;
	[tilespmem:s0+$0x10000] =	vst.msk vm6, v54;
	s0 =	sadd.s32 s30, s0;
	s31 =	spop (v2sf)  }
0x204: {  	s22 =	simm.s32 $0x400;
	[tilespmem:s0+$0x10000] =	vst.msk vm7, v55;
	s20 =	sadd.s32 s31, s0;
	s21 =	spop (v2sf)  }
.LBB2_44:
0x205: {  	s0 =	sshra.s32 s18, $0x2  }
0x206: {  	[tilespmem:s20+$0x10000] =	vst.msk vm0, v5;
	s20 =	sadd.s32 s21, s20;
	s18 =	smov.u32 s22;
	s19 =	sadd.s32 $0x200, s22  }
0x207: {  	p0 =	sne.s32 s22, $0x1FE00;
	v6 =	vld [tilespmem:s0+$0x0]  }
0x208: {  	v7 =	vld [tilespmem:s0+$0x10]  }
0x209: {  	v8 =	vld [tilespmem:s0+$0x20]  }
0x20a: {  	v9 =	vld [tilespmem:s0+$0x30]  }
0x20b: {  	v10 =	vld [tilespmem:s0+$0x40]  }
0x20c: {  	v11 =	vld [tilespmem:s0+$0x50];
	vm0 =	vge.f32 v6, v4  }
0x20d: {  	v12 =	vld [tilespmem:s0+$0x60];
	vm2 =	vge.f32 v7, v4;
	v13 =	vmpcnt.ones.xlane vm0  }
0x20e: {  	v5 =	vld [tilespmem:s0+$0x70];
	vm3 =	vge.f32 v8, v4;
	v14 =	vmpcnt.ones.xlane vm2  }
0x20f: {  	vm1 =	vge.f32 v9, v4;
	v15 =	vmpcnt.ones.xlane vm3;
	[tilespmem:s20+$0x10000] =	vst.msk vm0, v6;
	(v2sf) =	vpush v13, $0x0  }
0x210: {  	vm4 =	vge.f32 v10, v4;
	v6 =	vmpcnt.ones.xlane vm1;
	(v2sf) =	vpush v14, $0x0  }
0x211: {  	vm5 =	vge.f32 v11, v4;
	v13 =	vmpcnt.ones.xlane vm4;
	(v2sf) =	vpush v15, $0x0  }
0x212: {  	vm6 =	vge.f32 v12, v4;
	v14 =	vmpcnt.ones.xlane vm5;
	(v2sf) =	vpush v6, $0x0  }
0x213: {  	vm0 =	vge.f32 v5, v4;
	v6 =	vmpcnt.ones.xlane vm6;
	(v2sf) =	vpush v13, $0x0  }
0x214: {  	v13 =	vmpcnt.ones.xlane vm0;
	(v2sf) =	vpush v14, $0x0  }
0x215: {  	(v2sf) =	vpush v6, $0x0  }
0x216: {  	(v2sf) =	vpush v13, $0x0;
	_ =	sdelay $0x7  }
0x217: {  	s0 =	spop (v2sf)  }
0x218: {  	s0 =	sadd.s32 s20, s0;
	s1 =	spop (v2sf)  }
0x219: {  	[tilespmem:s0+$0x10000] =	vst.msk vm2, v7;
	s0 =	sadd.s32 s1, s0;
	s1 =	spop (v2sf)  }
.Ltmp27:
0x21a: {  	[tilespmem:s0+$0x10000] =	vst.msk vm3, v8;
	s0 =	sadd.s32 s1, s0;
	s1 =	spop (v2sf);
	(pc) =	sbr.rel @p0 .LBB2_44-.Ltmp27, $4  }
0x21b: {  	[tilespmem:s0+$0x10000] =	vst.msk vm1, v9;
	s0 =	sadd.s32 s1, s0;
	s1 =	spop (v2sf)  }
0x21c: {  	[tilespmem:s0+$0x10000] =	vst.msk vm4, v10;
	s0 =	sadd.s32 s1, s0;
	s1 =	spop (v2sf)  }
0x21d: {  	[tilespmem:s0+$0x10000] =	vst.msk vm5, v11;
	s0 =	sadd.s32 s1, s0;
	s1 =	spop (v2sf)  }
0x21e: {  	s22 =	smov.u32 s19;
	[tilespmem:s0+$0x10000] =	vst.msk vm6, v12;
	s20 =	sadd.s32 s1, s0;
	s21 =	spop (v2sf)  }
0x21f: {  	s0 =	sshra.s32 s18, $0x2;
	[tilespmem:s20+$0x10000] =	vst.msk vm0, v5  }
0x220: {  	v5 =	vld [tilespmem:s0+$0x0]  }
0x221: {  	v6 =	vld [tilespmem:s0+$0x10]  }
0x222: {  	v7 =	vld [tilespmem:s0+$0x20]  }
0x223: {  	v8 =	vld [tilespmem:s0+$0x30]  }
0x224: {  	v9 =	vld [tilespmem:s0+$0x40]  }
0x225: {  	v10 =	vld [tilespmem:s0+$0x50];
	vm6 =	vge.f32 v5, v4  }
0x226: {  	v11 =	vld [tilespmem:s0+$0x60];
	vm7 =	vge.f32 v6, v4;
	v12 =	vmpcnt.ones.xlane vm6  }
0x227: {  	v13 =	vld [tilespmem:s0+$0x70];
	vm4 =	vge.f32 v7, v4;
	v14 =	vmpcnt.ones.xlane vm7  }
0x228: {  	vm2 =	vge.f32 v8, v4;
	v15 =	vmpcnt.ones.xlane vm4;
	(v2sf) =	vpush v12, $0x0  }
0x229: {  	vm15 =	vge.f32 v9, v4;
	v60 =	vmpcnt.ones.xlane vm2;
	(v2sf) =	vpush v14, $0x0  }
0x22a: {  	vm1 =	vge.f32 v10, v4;
	v61 =	vmpcnt.ones.xlane vm15;
	(v2sf) =	vpush v15, $0x0  }
0x22b: {  	vm3 =	vge.f32 v11, v4;
	v62 =	vmpcnt.ones.xlane vm1;
	(v2sf) =	vpush v60, $0x0  }
0x22c: {  	vm5 =	vge.f32 v13, v4;
	v4 =	vmpcnt.ones.xlane vm3;
	(v2sf) =	vpush v61, $0x0  }
0x22d: {  	v63 =	vmpcnt.ones.xlane vm5;
	(v2sf) =	vpush v62, $0x0  }
0x22e: {  	(v2sf) =	vpush v4, $0x0  }
0x22f: {  	(v2sf) =	vpush v63, $0x0;
	_ =	sdelay $0x7  }
0x230: {  	s20 =	sadd.s32 s21, s20;
	s19 =	spop (v2sf)  }
0x231: {  	s0 =	sadd.s32 s20, s19;
	s21 =	spop (v2sf)  }
0x232: {  	s1 =	sadd.s32 s21, s0;
	s22 =	spop (v2sf)  }
0x233: {  	s2 =	sadd.s32 s22, s1;
	s23 =	spop (v2sf)  }
0x234: {  	s3 =	sadd.s32 s23, s2;
	s24 =	spop (v2sf)  }
0x235: {  	s4 =	sadd.s32 s24, s3;
	s25 =	spop (v2sf)  }
0x236: {  	s29 =	sadd.s32 s25, s4;
	s26 =	spop (v2sf)  }
0x237: {  	s30 =	sadd.s32 s26, s29;
	s28 =	spop (v2sf)  }
0x238: {  	s31 =	sadd.s32 s28, s30  }
0x239: {  	s18 =	sadd.s32 $0xF, s31  }
0x23a: {  	s31 =	sand.u32 $0xF, s18  }
0x23b: {  	[tilespmem:s20+$0x10000] =	vst.msk vm6, v5;
	p1 =	slt.s32 s18, $0x1;
	p0 =	sne.s32 s31, $0x0;
	s31 =	sshra.s32 s18, $0x1F  }
0x23c: {  	[tilespmem:s0+$0x10000] =	vst.msk vm7, v6;
	s0 =	sshrl.u32 s31, $0x1C;
	p0 =	por !p1, !p0  }
0x23d: {  	[tilespmem:s1+$0x10000] =	vst.msk vm4, v7;
	s1 =	simm.s32 $0x1;
	s0 =	sadd.s32 s0, s18;
	p0 =	por !p0, !p0  }
0x23e: {  	s0 =	sshra.s32 s0, $0x4;
	s1 =	simm.s32 @!p0 $0x0  }
0x23f: {  	s18 =	ssub.s32 s0, s1  }
0x240: {  	p0 =	slt.s32 s18, $0x1  }
.Ltmp28:
0x241: {  	[tilespmem:s2+$0x10000] =	vst.msk vm2, v8;
	(pc) =	sbr.rel @p0 .LBB2_52-.Ltmp28, $4  }
0x242: {  	[tilespmem:s3+$0x10000] =	vst.msk vm15, v9  }
0x243: {  	[tilespmem:s4+$0x10000] =	vst.msk vm1, v10  }
0x244: {  	[tilespmem:s29+$0x10000] =	vst.msk vm3, v11  }
0x245: {  	[tilespmem:s30+$0x10000] =	vst.msk vm5, v13  }
0x246: {  	s0 =	sadd.s32 s21, s19  }
0x247: {  	s0 =	sadd.s32 s22, s0  }
0x248: {  	p2 =	sne.s32 s18, $0x1;
	s0 =	sadd.s32 s23, s0  }
.Ltmp29:
0x249: {  	s0 =	sadd.s32 s24, s0;
	(pc) =	sbr.rel @!p2 .LBB2_47-.Ltmp29, $4  }
0x24a: {  	s0 =	sadd.s32 s25, s0  }
0x24b: {  	s0 =	sadd.s32 s26, s0  }
0x24c: {  	s19 =	simm.s32 $0x10000;
	s0 =	sadd.s32 s28, s0  }
0x24d: {  	s21 =	sadd.s32 $0xFFFFFFFF, s18;
	p1 =	por $0x0, $0x0;
	v4 =	vld [tilespmem:s19+$0x0];
	s20 =	sadd.s32 s20, s0  }
0x24e: {  	_ =	sdelay $0x3  }
0x24f: {  	p2 =	sne.s32 s21, $0x1;
	vm0 =	vge.f32 v4, $0.0e+00  }
.Ltmp30:
0x250: {  	v6 =	vmov s20;
	v5 =	vsel vm0, $0x80000000, v0;
	(pc) =	sbr.rel @!p2 .LBB2_49-.Ltmp30, $4  }
0x251: {  	vm15 =	vgt.s32 v6, v1;
	v4 =	vxor.u32 v4, v5  }
0x252: {  	v4 =	vnsel vm15, $0x0, v4  }
0x253: {  	[tilespmem:s19+$0x0] =	vst v4;
	s19 =	simm.s32 $0x10010  }
0x254: {  	s22 =	sadd.s32 $0xFFFFFFFF, s21;
	p1 =	por $0x1, $0x1;
	s21 =	smov.u32 s20;
	v4 =	vld [tilespmem:s19+$0x0]  }
.LBB2_50:
0x255: {  	p2 =	sne.s32 s22, $0x1;
	_ =	sdelay $0x3  }
0x256: {  	s21 =	sadd.s32 $0xFFFFFFF0, s21;
	vm0 =	vge.f32 v4, $0.0e+00  }
.Ltmp31:
0x257: {  	v6 =	vmov s21;
	v5 =	vsel vm0, $0x80000000, v0;
	(pc) =	sbr.rel @p2 .LBB2_50-.Ltmp31, $4  }
0x258: {  	vm0 =	vgt.s32 v6, v1;
	v4 =	vxor.u32 v4, v5  }
0x259: {  	v4 =	vnsel vm0, $0x0, v4  }
0x25a: {  	[tilespmem:s19+$0x0] =	vst v4;
	s19 =	sadd.s32 $0x10, s19  }
0x25b: {  	s22 =	sadd.s32 $0xFFFFFFFF, s22;
	v4 =	vld [tilespmem:s19+$0x0]  }
.LBB2_51:
0x25c: {  	_ =	sdelay $0x2  }
0x25d: {  	s0 =	sadd.s32 @p1 $0xFFFFFFF0, s21  }
0x25e: {  	s20 =	smov.u32 @p1 s0;
	vm0 =	vge.f32 v4, $0.0e+00  }
0x25f: {  	v6 =	vmov s20;
	v5 =	vsel vm0, $0x80000000, v0  }
0x260: {  	vm15 =	vgt.s32 v6, v1;
	v4 =	vxor.u32 v4, v5  }
0x261: {  	v4 =	vnsel vm15, $0x0, v4  }
0x262: {  	[tilespmem:s19+$0x0] =	vst v4  }
.LBB2_52:
.Ltmp32:
0x263: {  	(pc) =	sbr.rel .LBB2_53-.Ltmp32, $2  }
0x264: {  	_ =	sdelay $0x2  }
0x265: {  	s19 =	simm.s32 $0x0;
	s20 =	simm.s32 $0x0  }
.LBB2_54:
0x266: {  	v4 =	vimm.s32 $0x0  }
.LBB2_58:
0x267: {  	(xrf0) =	vadd.scan.msk.s32 $0xffff, v4;
	_ =	sdelay $0x5  }
0x268: {  	v4, _, _ =	vpop (xrf0)  }
0x269: {  	(v2sf) =	vpush v4, $0xF;
	_ =	sdelay $0xa  }
0x26a: {  	s20 =	sadd.s32 $0x1, s20  }
0x26b: {  	p2 =	sne.s32 s20, $0x20  }
.Ltmp33:
0x26c: {  	_ = 	snop;
	(pc) =	sbr.rel @!p2 .LBB2_59-.Ltmp33, $4  }
0x26d: {  	_ = 	snop  }
0x26e: {  	s0 =	spop (v2sf)  }
0x26f: {  	p1 =	sgt.s32 s0, $0x3F  }
0x270: {  	s19 =	smov.u32 @p1 s21  }
.LBB2_53:
.Ltmp34:
0x271: {  	(pc) =	sbr.rel @p0 .LBB2_54-.Ltmp34, $3  }
0x272: {  	_ =	sdelay $0x1  }
0x273: {  	s0 =	sshrl.u32 s15, s20  }
0x274: {  	s21 =	sor.u32 s0, s19  }
0x275: {  	s0 =	simm.s32 $0x10000  }
0x276: {  	p1 =	sne.s32 s18, $0x1;
	v6 =	vld [tilespmem:s0+$0x0]  }
.Ltmp35:
0x277: {  	_ = 	snop;
	(pc) =	sbr.rel @!p1 .LBB2_57-.Ltmp35, $3  }
0x278: {  	_ =	sdelay $0x1  }
0x279: {  	v5 =	vmov s21  }
0x27a: {  	v4 =	vimm.s32 $0x0;
	s22 =	sadd.s32 $0xFFFFFFFF, s18;
	s23 =	simm.s32 $0x10010;
	vm0 =	vge.u32 v6, v5  }
.LBB2_56:
0x27b: {  	v6 =	vld [tilespmem:s23+$0x0];
	p1 =	sne.s32 s22, $0x1;
	s22 =	sadd.s32 $0xFFFFFFFF, s22;
	v7 =	vsel vm0, $0x1, v2  }
.Ltmp36:
0x27c: {  	v4 =	vadd.s32 v7, v4;
	(pc) =	sbr.rel @p1 .LBB2_56-.Ltmp36, $2  }
0x27d: {  	_ =	sdelay $0x2  }
0x27e: {  	s23 =	sadd.s32 $0x10, s23;
	vm0 =	vge.u32 v6, v5  }
.LBB2_57:
.Ltmp37:
0x27f: {  	(pc) =	sbr.rel .LBB2_58-.Ltmp37, $3  }
0x280: {  	_ =	sdelay $0x1  }
0x281: {  	v5 =	vsel vm0, $0x1, v2  }
0x282: {  	v4 =	vadd.s32 v5, v4  }
.LBB2_59:
0x283: {  	s18 =	simm.s32 $0x0  }
0x284: {  	v5 =	vld [tilespmem:s18+$0x0]  }
0x285: {  	v4 =	vmov s19;
	v11 =	vld [tilespmem:s18+$0x10]  }
0x286: {  	vm0 =	vgt.s32 v4, $0xFFFFFFFF;
	v9 =	vld [tilespmem:s18+$0x20]  }
0x287: {  	v8 =	vld [tilespmem:s18+$0x30];
	v4 =	vsel vm0, $0xFFFFFFFF, v3  }
0x288: {  	v7 =	vld [tilespmem:s18+$0x40];
	v4 =	vxor.u32 s19, v4  }
0x289: {  	v6 =	vld [tilespmem:s18+$0x50];
	vm0 =	vge.f32 v5, v4;
	v10 =	vmax.f32 v5, $0.0e+00  }
0x28a: {  	s19 =	simm.s32 $0x200;
	v5 =	vld [tilespmem:s18+$0x60];
	v10 =	vnsel vm0, $0x0, v10;
	vm0 =	vge.f32 v11, v4;
	v11 =	vmax.f32 v11, $0.0e+00  }
.LBB2_60:
0x28b: {  	s0 =	sshra.s32 s19, $0x2;
	p0 =	sne.s32 s19, $0x1FE00;
	v12 =	vld [tilespmem:s18+$0x70];
	v11 =	vnsel vm0, $0x0, v11;
	vm0 =	vge.f32 v9, v4;
	v9 =	vmax.f32 v9, $0.0e+00;
	[tilespmem:s18+$0x0] =	vst v10  }
0x28c: {  	v10 =	vld [tilespmem:s0+$0x0];
	v9 =	vnsel vm0, $0x0, v9;
	vm0 =	vge.f32 v8, v4;
	v8 =	vmax.f32 v8, $0.0e+00;
	[tilespmem:s18+$0x10] =	vst v11  }
0x28d: {  	v11 =	vld [tilespmem:s0+$0x10];
	v8 =	vnsel vm0, $0x0, v8;
	vm0 =	vge.f32 v7, v4;
	v7 =	vmax.f32 v7, $0.0e+00;
	[tilespmem:s18+$0x20] =	vst v9  }
.Ltmp38:
0x28e: {  	v9 =	vld [tilespmem:s0+$0x20];
	v7 =	vnsel vm0, $0x0, v7;
	vm0 =	vge.f32 v6, v4;
	v6 =	vmax.f32 v6, $0.0e+00;
	[tilespmem:s18+$0x30] =	vst v8;
	(pc) =	sbr.rel @p0 .LBB2_60-.Ltmp38, $4  }
0x28f: {  	v8 =	vld [tilespmem:s0+$0x30];
	v6 =	vnsel vm0, $0x0, v6;
	vm0 =	vge.f32 v5, v4;
	v5 =	vmax.f32 v5, $0.0e+00;
	[tilespmem:s18+$0x40] =	vst v7  }
0x290: {  	v7 =	vld [tilespmem:s0+$0x40];
	v5 =	vnsel vm0, $0x0, v5;
	vm0 =	vge.f32 v12, v4;
	v12 =	vmax.f32 v12, $0.0e+00;
	[tilespmem:s18+$0x50] =	vst v6  }
0x291: {  	v6 =	vld [tilespmem:s0+$0x50];
	vm1 =	vge.f32 v10, v4;
	v10 =	vmax.f32 v10, $0.0e+00;
	v12 =	vnsel vm0, $0x0, v12;
	[tilespmem:s18+$0x60] =	vst v5  }
0x292: {  	s19 =	sadd.s32 $0x200, s19;
	v5 =	vld [tilespmem:s0+$0x60];
	v10 =	vnsel vm1, $0x0, v10;
	vm0 =	vge.f32 v11, v4;
	v11 =	vmax.f32 v11, $0.0e+00;
	[tilespmem:s18+$0x70] =	vst v12;
	s18 =	smov.u32 s0  }
0x293: {  	v12 =	vld [tilespmem:s18+$0x70];
	v11 =	vnsel vm0, $0x0, v11;
	vm10 =	vge.f32 v9, v4;
	v9 =	vmax.f32 v9, $0.0e+00;
	[tilespmem:s18+$0x0] =	vst v10  }
0x294: {  	v9 =	vnsel vm10, $0x0, v9;
	vm11 =	vge.f32 v8, v4;
	v8 =	vmax.f32 v8, $0.0e+00;
	[tilespmem:s18+$0x10] =	vst v11  }
0x295: {  	v8 =	vnsel vm11, $0x0, v8;
	vm12 =	vge.f32 v7, v4;
	v7 =	vmax.f32 v7, $0.0e+00;
	[tilespmem:s18+$0x20] =	vst v9  }
0x296: {  	v7 =	vnsel vm12, $0x0, v7;
	vm13 =	vge.f32 v6, v4;
	v6 =	vmax.f32 v6, $0.0e+00;
	[tilespmem:s18+$0x30] =	vst v8  }
0x297: {  	v6 =	vnsel vm13, $0x0, v6;
	vm14 =	vge.f32 v5, v4;
	v5 =	vmax.f32 v5, $0.0e+00;
	[tilespmem:s18+$0x40] =	vst v7  }
0x298: {  	v5 =	vnsel vm14, $0x0, v5;
	vm15 =	vge.f32 v12, v4;
	v4 =	vmax.f32 v12, $0.0e+00;
	[tilespmem:s18+$0x50] =	vst v6  }
0x299: {  	v4 =	vnsel vm15, $0x0, v4;
	[tilespmem:s18+$0x60] =	vst v5  }
0x29a: {  	s0 =	simm.s32 $0x0;
	[tilespmem:s18+$0x70] =	vst v4  }
0x29b: {  	[hbm4b:s8+s12] =	stream.strided.scatter [tilespmem:s0], [sflag:$0x1], $0x8000, s13, s12, $0x38;
	[tilespmem:$0x18080] =	vst v63  }
0x29c: {  	_ =	swait.ge [sflag:s14], $0x8000  }
0x29d: {  	[sflag:s14] =	ssyncset.done $0x0  }
0x29e: {  	[sflag:s14] =	ssyncadd.s32 $0xFFFF8000  }
0x29f: {  	[tilespmem:s16], [sflag:$0x1] =	stream.strided.gather [hbm4b:s9+s12], $0x8000, s13, s12, $0x38;
	[tilespmem:$0x18080] =	vst v63  }
0x2a0: {  	_ =	swait.ge [sflag:s14], $0x8000  }
0x2a1: {  	[sflag:s14] =	ssyncset.done $0x0  }
0x2a2: {  	s31 =	simm.s32 $0x0;
	[sflag:s14] =	ssyncadd.s32 $0xFFFF8000  }
0x2a3: {  	v4 =	vld [tilespmem:s31+$0x8070]  }
0x2a4: {  	v5 =	vld [tilespmem:s31+$0x8000]  }
0x2a5: {  	v6 =	vld [tilespmem:s31+$0x8010]  }
0x2a6: {  	v9 =	vld [tilespmem:s31+$0x8020]  }
0x2a7: {  	v10 =	vld [tilespmem:s31+$0x8030]  }
0x2a8: {  	v13 =	vimm.f32 $-Inf;
	v14 =	vimm.f32 $-Inf;
	v11 =	vld [tilespmem:s31+$0x8040]  }
0x2a9: {  	v8 =	vimm.f32 $-Inf;
	v7 =	vimm.f32 $-Inf;
	v12 =	vimm.f32 $-Inf;
	v15 =	vld [tilespmem:s31+$0x8050]  }
0x2aa: {  	s19 =	simm.s32 $0x400;
	s18 =	simm.s32 $0x80;
	v16 =	vld [tilespmem:s31+$0x8060];
	v4 =	vmax.f32 v7, v4;
	v5 =	vmax.f32 v7, v5;
	v6 =	vmax.f32 v7, v6  }
.LBB2_62:
0x2ab: {  	p0 =	sne.s32 s19, $0x1FE00;
	v17 =	vld [tilespmem:s18+$0x8070];
	v7 =	vmax.f32 v7, v9  }
0x2ac: {  	v18 =	vld [tilespmem:s18+$0x8000];
	v8 =	vmax.f32 v8, v10  }
0x2ad: {  	v19 =	vld [tilespmem:s18+$0x8010];
	v12 =	vmax.f32 v12, v11  }
.Ltmp39:
0x2ae: {  	v9 =	vld [tilespmem:s18+$0x8020];
	v13 =	vmax.f32 v13, v15;
	(pc) =	sbr.rel @p0 .LBB2_62-.Ltmp39, $4  }
0x2af: {  	v10 =	vld [tilespmem:s18+$0x8030];
	v14 =	vmax.f32 v14, v16  }
0x2b0: {  	v11 =	vld [tilespmem:s18+$0x8040];
	v4 =	vmax.f32 v4, v17  }
0x2b1: {  	v5 =	vmax.f32 v5, v18;
	v15 =	vld [tilespmem:s18+$0x8050]  }
0x2b2: {  	v6 =	vmax.f32 v6, v19;
	v16 =	vld [tilespmem:s18+$0x8060];
	s18 =	sshra.s32 s19, $0x2;
	s19 =	sadd.s32 $0x200, s19  }
0x2b3: {  	v17 =	vld [tilespmem:s18+$0x8070]  }
0x2b4: {  	v18 =	vld [tilespmem:s18+$0x8000]  }
0x2b5: {  	v19 =	vld [tilespmem:s18+$0x8010]  }
0x2b6: {  	v20 =	vld [tilespmem:s18+$0x8020]  }
0x2b7: {  	v21 =	vld [tilespmem:s18+$0x8030]  }
0x2b8: {  	v22 =	vld [tilespmem:s18+$0x8040]  }
0x2b9: {  	v23 =	vld [tilespmem:s18+$0x8050]  }
0x2ba: {  	v24 =	vld [tilespmem:s18+$0x8060]  }
0x2bb: {  	v7 =	vmax.f32 v7, v9;
	v8 =	vmax.f32 v8, v10  }
0x2bc: {  	v48 =	vmax.f32 v12, v11;
	v49 =	vmax.f32 v13, v15;
	v50 =	vmax.f32 v14, v16  }
0x2bd: {  	v4 =	vmax.f32 v4, v17;
	v5 =	vmax.f32 v5, v18;
	v6 =	vmax.f32 v6, v19  }
0x2be: {  	v7 =	vmax.f32 v7, v20;
	v8 =	vmax.f32 v8, v21;
	v9 =	vmax.f32 v48, v22  }
0x2bf: {  	v10 =	vmax.f32 v49, v23;
	v11 =	vmax.f32 v50, v24;
	v5 =	vmin.f32 v5, v6  }
0x2c0: {  	v6 =	vmin.f32 v7, v8;
	v7 =	vmin.f32 v9, v10;
	v4 =	vmin.f32 v11, v4  }
0x2c1: {  	v5 =	vmin.f32 v5, v6;
	v4 =	vmin.f32 v7, v4  }
0x2c2: {  	v4 =	vmin.f32 v5, v4  }
0x2c3: {  	v4 =	vsub.f32 $0.0e+00, v4;
	_ =	sdelay $0x1  }
0x2c4: {  	(xrf0) =	vmax.scan.msk.f32 $0xffff, v4;
	_ =	sdelay $0x5  }
0x2c5: {  	v4, _, _ =	vpop (xrf0)  }
0x2c6: {  	(v2sf) =	vpush v4, $0xF;
	_ =	sdelay $0xc  }
0x2c7: {  	s0 =	simm.s32 $0x0  }
0x2c8: {  	v6 =	vld [tilespmem:s0+$0x8000]  }
0x2c9: {  	v7 =	vld [tilespmem:s0+$0x8010];
	s1 =	spop (v2sf)  }
0x2ca: {  	v51 =	vld [tilespmem:s0+$0x8020];
	s1 =	ssub.f32 $0.0e+00, s1  }
0x2cb: {  	v52 =	vld [tilespmem:s0+$0x8030]  }
0x2cc: {  	v53 =	vld [tilespmem:s0+$0x8040];
	v4 =	vmov s1  }
0x2cd: {  	v54 =	vld [tilespmem:s0+$0x8050];
	vm1 =	vge.f32 v6, v4  }
0x2ce: {  	v55 =	vld [tilespmem:s0+$0x8060];
	vm2 =	vge.f32 v7, v4;
	v56 =	vmpcnt.ones.xlane vm1  }
0x2cf: {  	v5 =	vld [tilespmem:s0+$0x8070];
	vm3 =	vge.f32 v51, v4;
	v57 =	vmpcnt.ones.xlane vm2  }
0x2d0: {  	vm4 =	vge.f32 v52, v4;
	v58 =	vmpcnt.ones.xlane vm3;
	(v2sf) =	vpush v56, $0x0  }
0x2d1: {  	vm5 =	vge.f32 v53, v4;
	v59 =	vmpcnt.ones.xlane vm4;
	(v2sf) =	vpush v57, $0x0  }
0x2d2: {  	vm6 =	vge.f32 v54, v4;
	v60 =	vmpcnt.ones.xlane vm5;
	(v2sf) =	vpush v58, $0x0  }
0x2d3: {  	vm7 =	vge.f32 v55, v4;
	v61 =	vmpcnt.ones.xlane vm6;
	(v2sf) =	vpush v59, $0x0  }
0x2d4: {  	vm0 =	vge.f32 v5, v4;
	v62 =	vmpcnt.ones.xlane vm7;
	(v2sf) =	vpush v60, $0x0  }
0x2d5: {  	v63 =	vmpcnt.ones.xlane vm0;
	(v2sf) =	vpush v61, $0x0  }
0x2d6: {  	(v2sf) =	vpush v62, $0x0  }
0x2d7: {  	(v2sf) =	vpush v63, $0x0;
	_ =	sdelay $0x7  }
0x2d8: {  	s22 =	simm.s32 $0x0;
	s23 =	spop (v2sf)  }
0x2d9: {  	[tilespmem:s22+$0x10000] =	vst.msk vm1, v6;
	s24 =	sadd.s32 $0x0, s23;
	s25 =	spop (v2sf)  }
0x2da: {  	[tilespmem:s24+$0x10000] =	vst.msk vm2, v7;
	s0 =	sadd.s32 s25, s24;
	s26 =	spop (v2sf)  }
0x2db: {  	[tilespmem:s0+$0x10000] =	vst.msk vm3, v51;
	s0 =	sadd.s32 s26, s0;
	s28 =	spop (v2sf)  }
0x2dc: {  	[tilespmem:s0+$0x10000] =	vst.msk vm4, v52;
	s0 =	sadd.s32 s28, s0;
	s29 =	spop (v2sf)  }
0x2dd: {  	[tilespmem:s0+$0x10000] =	vst.msk vm5, v53;
	s0 =	sadd.s32 s29, s0;
	s30 =	spop (v2sf)  }
0x2de: {  	s18 =	simm.s32 $0x200;
	[tilespmem:s0+$0x10000] =	vst.msk vm6, v54;
	s0 =	sadd.s32 s30, s0;
	s31 =	spop (v2sf)  }
0x2df: {  	s22 =	simm.s32 $0x400;
	[tilespmem:s0+$0x10000] =	vst.msk vm7, v55;
	s20 =	sadd.s32 s31, s0;
	s21 =	spop (v2sf)  }
.LBB2_64:
0x2e0: {  	s0 =	sshra.s32 s18, $0x2  }
0x2e1: {  	[tilespmem:s20+$0x10000] =	vst.msk vm0, v5;
	s20 =	sadd.s32 s21, s20;
	s18 =	smov.u32 s22;
	s19 =	sadd.s32 $0x200, s22  }
0x2e2: {  	p0 =	sne.s32 s22, $0x1FE00;
	v6 =	vld [tilespmem:s0+$0x8000]  }
0x2e3: {  	v7 =	vld [tilespmem:s0+$0x8010]  }
0x2e4: {  	v8 =	vld [tilespmem:s0+$0x8020]  }
0x2e5: {  	v9 =	vld [tilespmem:s0+$0x8030]  }
0x2e6: {  	v10 =	vld [tilespmem:s0+$0x8040]  }
0x2e7: {  	v11 =	vld [tilespmem:s0+$0x8050];
	vm0 =	vge.f32 v6, v4  }
0x2e8: {  	v12 =	vld [tilespmem:s0+$0x8060];
	vm2 =	vge.f32 v7, v4;
	v13 =	vmpcnt.ones.xlane vm0  }
0x2e9: {  	v5 =	vld [tilespmem:s0+$0x8070];
	vm3 =	vge.f32 v8, v4;
	v14 =	vmpcnt.ones.xlane vm2  }
0x2ea: {  	vm1 =	vge.f32 v9, v4;
	v15 =	vmpcnt.ones.xlane vm3;
	[tilespmem:s20+$0x10000] =	vst.msk vm0, v6;
	(v2sf) =	vpush v13, $0x0  }
0x2eb: {  	vm4 =	vge.f32 v10, v4;
	v6 =	vmpcnt.ones.xlane vm1;
	(v2sf) =	vpush v14, $0x0  }
0x2ec: {  	vm5 =	vge.f32 v11, v4;
	v13 =	vmpcnt.ones.xlane vm4;
	(v2sf) =	vpush v15, $0x0  }
0x2ed: {  	vm6 =	vge.f32 v12, v4;
	v14 =	vmpcnt.ones.xlane vm5;
	(v2sf) =	vpush v6, $0x0  }
0x2ee: {  	vm0 =	vge.f32 v5, v4;
	v6 =	vmpcnt.ones.xlane vm6;
	(v2sf) =	vpush v13, $0x0  }
0x2ef: {  	v13 =	vmpcnt.ones.xlane vm0;
	(v2sf) =	vpush v14, $0x0  }
0x2f0: {  	(v2sf) =	vpush v6, $0x0  }
0x2f1: {  	(v2sf) =	vpush v13, $0x0;
	_ =	sdelay $0x7  }
0x2f2: {  	s0 =	spop (v2sf)  }
0x2f3: {  	s0 =	sadd.s32 s20, s0;
	s1 =	spop (v2sf)  }
0x2f4: {  	[tilespmem:s0+$0x10000] =	vst.msk vm2, v7;
	s0 =	sadd.s32 s1, s0;
	s1 =	spop (v2sf)  }
.Ltmp40:
0x2f5: {  	[tilespmem:s0+$0x10000] =	vst.msk vm3, v8;
	s0 =	sadd.s32 s1, s0;
	s1 =	spop (v2sf);
	(pc) =	sbr.rel @p0 .LBB2_64-.Ltmp40, $4  }
0x2f6: {  	[tilespmem:s0+$0x10000] =	vst.msk vm1, v9;
	s0 =	sadd.s32 s1, s0;
	s1 =	spop (v2sf)  }
0x2f7: {  	[tilespmem:s0+$0x10000] =	vst.msk vm4, v10;
	s0 =	sadd.s32 s1, s0;
	s1 =	spop (v2sf)  }
0x2f8: {  	[tilespmem:s0+$0x10000] =	vst.msk vm5, v11;
	s0 =	sadd.s32 s1, s0;
	s1 =	spop (v2sf)  }
0x2f9: {  	s22 =	smov.u32 s19;
	[tilespmem:s0+$0x10000] =	vst.msk vm6, v12;
	s20 =	sadd.s32 s1, s0;
	s21 =	spop (v2sf)  }
0x2fa: {  	s0 =	sshra.s32 s18, $0x2;
	[tilespmem:s20+$0x10000] =	vst.msk vm0, v5  }
0x2fb: {  	v5 =	vld [tilespmem:s0+$0x8000]  }
0x2fc: {  	v6 =	vld [tilespmem:s0+$0x8010]  }
0x2fd: {  	v7 =	vld [tilespmem:s0+$0x8020]  }
0x2fe: {  	v8 =	vld [tilespmem:s0+$0x8030]  }
0x2ff: {  	v9 =	vld [tilespmem:s0+$0x8040]  }
0x300: {  	v10 =	vld [tilespmem:s0+$0x8050];
	vm6 =	vge.f32 v5, v4  }
0x301: {  	v11 =	vld [tilespmem:s0+$0x8060];
	vm7 =	vge.f32 v6, v4;
	v12 =	vmpcnt.ones.xlane vm6  }
0x302: {  	v13 =	vld [tilespmem:s0+$0x8070];
	vm4 =	vge.f32 v7, v4;
	v14 =	vmpcnt.ones.xlane vm7  }
0x303: {  	vm2 =	vge.f32 v8, v4;
	v15 =	vmpcnt.ones.xlane vm4;
	(v2sf) =	vpush v12, $0x0  }
0x304: {  	vm15 =	vge.f32 v9, v4;
	v60 =	vmpcnt.ones.xlane vm2;
	(v2sf) =	vpush v14, $0x0  }
0x305: {  	vm1 =	vge.f32 v10, v4;
	v61 =	vmpcnt.ones.xlane vm15;
	(v2sf) =	vpush v15, $0x0  }
0x306: {  	vm3 =	vge.f32 v11, v4;
	v62 =	vmpcnt.ones.xlane vm1;
	(v2sf) =	vpush v60, $0x0  }
0x307: {  	vm5 =	vge.f32 v13, v4;
	v4 =	vmpcnt.ones.xlane vm3;
	(v2sf) =	vpush v61, $0x0  }
0x308: {  	v63 =	vmpcnt.ones.xlane vm5;
	(v2sf) =	vpush v62, $0x0  }
0x309: {  	(v2sf) =	vpush v4, $0x0  }
0x30a: {  	(v2sf) =	vpush v63, $0x0;
	_ =	sdelay $0x7  }
0x30b: {  	s20 =	sadd.s32 s21, s20;
	s19 =	spop (v2sf)  }
0x30c: {  	s0 =	sadd.s32 s20, s19;
	s21 =	spop (v2sf)  }
0x30d: {  	s1 =	sadd.s32 s21, s0;
	s22 =	spop (v2sf)  }
0x30e: {  	s2 =	sadd.s32 s22, s1;
	s23 =	spop (v2sf)  }
0x30f: {  	s3 =	sadd.s32 s23, s2;
	s24 =	spop (v2sf)  }
0x310: {  	s4 =	sadd.s32 s24, s3;
	s25 =	spop (v2sf)  }
0x311: {  	s29 =	sadd.s32 s25, s4;
	s26 =	spop (v2sf)  }
0x312: {  	s30 =	sadd.s32 s26, s29;
	s28 =	spop (v2sf)  }
0x313: {  	s31 =	sadd.s32 s28, s30  }
0x314: {  	s18 =	sadd.s32 $0xF, s31  }
0x315: {  	s31 =	sand.u32 $0xF, s18  }
0x316: {  	[tilespmem:s20+$0x10000] =	vst.msk vm6, v5;
	p1 =	slt.s32 s18, $0x1;
	p0 =	sne.s32 s31, $0x0;
	s31 =	sshra.s32 s18, $0x1F  }
0x317: {  	[tilespmem:s0+$0x10000] =	vst.msk vm7, v6;
	s0 =	sshrl.u32 s31, $0x1C;
	p0 =	por !p1, !p0  }
0x318: {  	[tilespmem:s1+$0x10000] =	vst.msk vm4, v7;
	s1 =	simm.s32 $0x1;
	s0 =	sadd.s32 s0, s18;
	p0 =	por !p0, !p0  }
0x319: {  	s0 =	sshra.s32 s0, $0x4;
	s1 =	simm.s32 @!p0 $0x0  }
0x31a: {  	s18 =	ssub.s32 s0, s1  }
0x31b: {  	p0 =	slt.s32 s18, $0x1  }
.Ltmp41:
0x31c: {  	[tilespmem:s2+$0x10000] =	vst.msk vm2, v8;
	(pc) =	sbr.rel @p0 .LBB2_72-.Ltmp41, $4  }
0x31d: {  	[tilespmem:s3+$0x10000] =	vst.msk vm15, v9  }
0x31e: {  	[tilespmem:s4+$0x10000] =	vst.msk vm1, v10  }
0x31f: {  	[tilespmem:s29+$0x10000] =	vst.msk vm3, v11  }
0x320: {  	[tilespmem:s30+$0x10000] =	vst.msk vm5, v13  }
0x321: {  	s0 =	sadd.s32 s21, s19  }
0x322: {  	s0 =	sadd.s32 s22, s0  }
0x323: {  	p2 =	sne.s32 s18, $0x1;
	s0 =	sadd.s32 s23, s0  }
.Ltmp42:
0x324: {  	s0 =	sadd.s32 s24, s0;
	(pc) =	sbr.rel @!p2 .LBB2_67-.Ltmp42, $4  }
0x325: {  	s0 =	sadd.s32 s25, s0  }
0x326: {  	s0 =	sadd.s32 s26, s0  }
0x327: {  	s19 =	simm.s32 $0x10000;
	s0 =	sadd.s32 s28, s0  }
0x328: {  	s21 =	sadd.s32 $0xFFFFFFFF, s18;
	p1 =	por $0x0, $0x0;
	v4 =	vld [tilespmem:s19+$0x0];
	s20 =	sadd.s32 s20, s0  }
0x329: {  	_ =	sdelay $0x3  }
0x32a: {  	p2 =	sne.s32 s21, $0x1;
	vm0 =	vge.f32 v4, $0.0e+00  }
.Ltmp43:
0x32b: {  	v6 =	vmov s20;
	v5 =	vsel vm0, $0x80000000, v0;
	(pc) =	sbr.rel @!p2 .LBB2_69-.Ltmp43, $4  }
0x32c: {  	vm15 =	vgt.s32 v6, v1;
	v4 =	vxor.u32 v4, v5  }
0x32d: {  	v4 =	vnsel vm15, $0x0, v4  }
0x32e: {  	[tilespmem:s19+$0x0] =	vst v4;
	s19 =	simm.s32 $0x10010  }
0x32f: {  	s22 =	sadd.s32 $0xFFFFFFFF, s21;
	p1 =	por $0x1, $0x1;
	s21 =	smov.u32 s20;
	v4 =	vld [tilespmem:s19+$0x0]  }
.LBB2_70:
0x330: {  	p2 =	sne.s32 s22, $0x1;
	_ =	sdelay $0x3  }
0x331: {  	s21 =	sadd.s32 $0xFFFFFFF0, s21;
	vm0 =	vge.f32 v4, $0.0e+00  }
.Ltmp44:
0x332: {  	v6 =	vmov s21;
	v5 =	vsel vm0, $0x80000000, v0;
	(pc) =	sbr.rel @p2 .LBB2_70-.Ltmp44, $4  }
0x333: {  	vm0 =	vgt.s32 v6, v1;
	v4 =	vxor.u32 v4, v5  }
0x334: {  	v4 =	vnsel vm0, $0x0, v4  }
0x335: {  	[tilespmem:s19+$0x0] =	vst v4;
	s19 =	sadd.s32 $0x10, s19  }
0x336: {  	s22 =	sadd.s32 $0xFFFFFFFF, s22;
	v4 =	vld [tilespmem:s19+$0x0]  }
.LBB2_71:
0x337: {  	_ =	sdelay $0x2  }
0x338: {  	s0 =	sadd.s32 @p1 $0xFFFFFFF0, s21  }
0x339: {  	s20 =	smov.u32 @p1 s0;
	vm0 =	vge.f32 v4, $0.0e+00  }
0x33a: {  	v6 =	vmov s20;
	v5 =	vsel vm0, $0x80000000, v0  }
0x33b: {  	vm15 =	vgt.s32 v6, v1;
	v4 =	vxor.u32 v4, v5  }
0x33c: {  	v4 =	vnsel vm15, $0x0, v4  }
0x33d: {  	[tilespmem:s19+$0x0] =	vst v4  }
.LBB2_72:
.Ltmp45:
0x33e: {  	(pc) =	sbr.rel .LBB2_73-.Ltmp45, $2  }
0x33f: {  	_ =	sdelay $0x2  }
0x340: {  	s19 =	simm.s32 $0x0;
	s20 =	simm.s32 $0x0  }
.LBB2_74:
0x341: {  	v4 =	vimm.s32 $0x0  }
.LBB2_78:
0x342: {  	(xrf0) =	vadd.scan.msk.s32 $0xffff, v4;
	_ =	sdelay $0x5  }
0x343: {  	v4, _, _ =	vpop (xrf0)  }
0x344: {  	(v2sf) =	vpush v4, $0xF;
	_ =	sdelay $0xa  }
0x345: {  	s20 =	sadd.s32 $0x1, s20  }
0x346: {  	p2 =	sne.s32 s20, $0x20  }
.Ltmp46:
0x347: {  	_ = 	snop;
	(pc) =	sbr.rel @!p2 .LBB2_79-.Ltmp46, $4  }
0x348: {  	_ = 	snop  }
0x349: {  	s0 =	spop (v2sf)  }
0x34a: {  	p1 =	sgt.s32 s0, $0x3F  }
0x34b: {  	s19 =	smov.u32 @p1 s21  }
.LBB2_73:
.Ltmp47:
0x34c: {  	(pc) =	sbr.rel @p0 .LBB2_74-.Ltmp47, $3  }
0x34d: {  	_ =	sdelay $0x1  }
0x34e: {  	s0 =	sshrl.u32 s15, s20  }
0x34f: {  	s21 =	sor.u32 s0, s19  }
0x350: {  	s0 =	simm.s32 $0x10000  }
0x351: {  	p1 =	sne.s32 s18, $0x1;
	v6 =	vld [tilespmem:s0+$0x0]  }
.Ltmp48:
0x352: {  	_ = 	snop;
	(pc) =	sbr.rel @!p1 .LBB2_77-.Ltmp48, $3  }
0x353: {  	_ =	sdelay $0x1  }
0x354: {  	v5 =	vmov s21  }
0x355: {  	v4 =	vimm.s32 $0x0;
	s22 =	sadd.s32 $0xFFFFFFFF, s18;
	s23 =	simm.s32 $0x10010;
	vm0 =	vge.u32 v6, v5  }
.LBB2_76:
0x356: {  	v6 =	vld [tilespmem:s23+$0x0];
	p1 =	sne.s32 s22, $0x1;
	s22 =	sadd.s32 $0xFFFFFFFF, s22;
	v7 =	vsel vm0, $0x1, v2  }
.Ltmp49:
0x357: {  	v4 =	vadd.s32 v7, v4;
	(pc) =	sbr.rel @p1 .LBB2_76-.Ltmp49, $2  }
0x358: {  	_ =	sdelay $0x2  }
0x359: {  	s23 =	sadd.s32 $0x10, s23;
	vm0 =	vge.u32 v6, v5  }
.LBB2_77:
.Ltmp50:
0x35a: {  	(pc) =	sbr.rel .LBB2_78-.Ltmp50, $3  }
0x35b: {  	_ =	sdelay $0x1  }
0x35c: {  	v5 =	vsel vm0, $0x1, v2  }
0x35d: {  	v4 =	vadd.s32 v5, v4  }
.LBB2_79:
0x35e: {  	s18 =	simm.s32 $0x0  }
0x35f: {  	v5 =	vld [tilespmem:s18+$0x8000]  }
0x360: {  	v4 =	vmov s19;
	v11 =	vld [tilespmem:s18+$0x8010]  }
0x361: {  	vm0 =	vgt.s32 v4, $0xFFFFFFFF;
	v9 =	vld [tilespmem:s18+$0x8020]  }
0x362: {  	v8 =	vld [tilespmem:s18+$0x8030];
	v4 =	vsel vm0, $0xFFFFFFFF, v3  }
0x363: {  	v7 =	vld [tilespmem:s18+$0x8040];
	v4 =	vxor.u32 s19, v4  }
0x364: {  	v6 =	vld [tilespmem:s18+$0x8050];
	vm0 =	vge.f32 v5, v4;
	v10 =	vmax.f32 v5, $0.0e+00  }
0x365: {  	s19 =	simm.s32 $0x200;
	v5 =	vld [tilespmem:s18+$0x8060];
	v10 =	vnsel vm0, $0x0, v10;
	vm0 =	vge.f32 v11, v4;
	v11 =	vmax.f32 v11, $0.0e+00  }
.LBB2_80:
0x366: {  	s0 =	sshra.s32 s19, $0x2;
	p0 =	sne.s32 s19, $0x1FE00;
	v12 =	vld [tilespmem:s18+$0x8070];
	v11 =	vnsel vm0, $0x0, v11;
	vm0 =	vge.f32 v9, v4;
	v9 =	vmax.f32 v9, $0.0e+00;
	[tilespmem:s18+$0x8000] =	vst v10  }
0x367: {  	v10 =	vld [tilespmem:s0+$0x8000];
	v9 =	vnsel vm0, $0x0, v9;
	vm0 =	vge.f32 v8, v4;
	v8 =	vmax.f32 v8, $0.0e+00;
	[tilespmem:s18+$0x8010] =	vst v11  }
0x368: {  	v11 =	vld [tilespmem:s0+$0x8010];
	v8 =	vnsel vm0, $0x0, v8;
	vm0 =	vge.f32 v7, v4;
	v7 =	vmax.f32 v7, $0.0e+00;
	[tilespmem:s18+$0x8020] =	vst v9  }
.Ltmp51:
0x369: {  	v9 =	vld [tilespmem:s0+$0x8020];
	v7 =	vnsel vm0, $0x0, v7;
	vm0 =	vge.f32 v6, v4;
	v6 =	vmax.f32 v6, $0.0e+00;
	[tilespmem:s18+$0x8030] =	vst v8;
	(pc) =	sbr.rel @p0 .LBB2_80-.Ltmp51, $4  }
0x36a: {  	v8 =	vld [tilespmem:s0+$0x8030];
	v6 =	vnsel vm0, $0x0, v6;
	vm0 =	vge.f32 v5, v4;
	v5 =	vmax.f32 v5, $0.0e+00;
	[tilespmem:s18+$0x8040] =	vst v7  }
0x36b: {  	v7 =	vld [tilespmem:s0+$0x8040];
	v5 =	vnsel vm0, $0x0, v5;
	vm0 =	vge.f32 v12, v4;
	v12 =	vmax.f32 v12, $0.0e+00;
	[tilespmem:s18+$0x8050] =	vst v6  }
0x36c: {  	v6 =	vld [tilespmem:s0+$0x8050];
	vm1 =	vge.f32 v10, v4;
	v10 =	vmax.f32 v10, $0.0e+00;
	v12 =	vnsel vm0, $0x0, v12;
	[tilespmem:s18+$0x8060] =	vst v5  }
0x36d: {  	s19 =	sadd.s32 $0x200, s19;
	v5 =	vld [tilespmem:s0+$0x8060];
	v10 =	vnsel vm1, $0x0, v10;
	vm0 =	vge.f32 v11, v4;
	v11 =	vmax.f32 v11, $0.0e+00;
	[tilespmem:s18+$0x8070] =	vst v12;
	s18 =	smov.u32 s0  }
0x36e: {  	v12 =	vld [tilespmem:s18+$0x8070];
	v11 =	vnsel vm0, $0x0, v11;
	vm10 =	vge.f32 v9, v4;
	v60 =	vmax.f32 v9, $0.0e+00;
	[tilespmem:s18+$0x8000] =	vst v10  }
0x36f: {  	v9 =	vnsel vm10, $0x0, v60;
	vm11 =	vge.f32 v8, v4;
	v61 =	vmax.f32 v8, $0.0e+00;
	[tilespmem:s18+$0x8010] =	vst v11  }
0x370: {  	v8 =	vnsel vm11, $0x0, v61;
	vm12 =	vge.f32 v7, v4;
	v62 =	vmax.f32 v7, $0.0e+00;
	[tilespmem:s18+$0x8020] =	vst v9  }
0x371: {  	v7 =	vnsel vm12, $0x0, v62;
	vm13 =	vge.f32 v6, v4;
	v63 =	vmax.f32 v6, $0.0e+00;
	[tilespmem:s18+$0x8030] =	vst v8  }
0x372: {  	v6 =	vnsel vm13, $0x0, v63;
	vm14 =	vge.f32 v5, v4;
	v5 =	vmax.f32 v5, $0.0e+00;
	[tilespmem:s18+$0x8040] =	vst v7  }
0x373: {  	v5 =	vnsel vm14, $0x0, v5;
	vm15 =	vge.f32 v12, v4;
	v4 =	vmax.f32 v12, $0.0e+00;
	[tilespmem:s18+$0x8050] =	vst v6  }
0x374: {  	s17 =	sadd.s32 $0x1, s17;
	v4 =	vnsel vm15, $0x0, v4;
	[tilespmem:s18+$0x8060] =	vst v5  }
0x375: {  	p0 =	sne.s32 s17, s11;
	[tilespmem:s18+$0x8070] =	vst v4  }
0x376: {  	[hbm4b:s10+s12] =	stream.strided.scatter [tilespmem:s16], [sflag:$0x1], $0x8000, s13, s12, $0x38;
	[tilespmem:$0x18080] =	vst v63  }
.Ltmp52:
0x377: {  	_ = 	snop;
	(pc) =	sbr.rel @p0 .LBB2_1-.Ltmp52, $4  }
.Ltmp53:
0x378: {  	_ = 	snop;
	(pc) =	sbr.rel @!p0 .LBB2_82-.Ltmp53, $4  }
0x379: {  	_ =	swait.ge [sflag:s14], $0x8000  }
0x37a: {  	[sflag:s14] =	ssyncset.done $0x0  }
0x37b: {  	[sflag:s14] =	ssyncadd.s32 $0xFFFF8000  }
0x37c: {  	_ = 	snop  }
.LBB2_7:
.Ltmp54:
0x37d: {  	(pc) =	sbr.rel .LBB2_11-.Ltmp54, $2  }
0x37e: {  	_ =	sdelay $0x2  }
0x37f: {  	s21 =	smov.u32 s20  }
.LBB2_27:
.Ltmp55:
0x380: {  	(pc) =	sbr.rel .LBB2_31-.Ltmp55, $2  }
0x381: {  	_ =	sdelay $0x2  }
0x382: {  	s21 =	smov.u32 s20  }
.LBB2_47:
.Ltmp56:
0x383: {  	(pc) =	sbr.rel .LBB2_51-.Ltmp56, $2  }
0x384: {  	_ =	sdelay $0x2  }
0x385: {  	s21 =	smov.u32 s20  }
.LBB2_67:
.Ltmp57:
0x386: {  	(pc) =	sbr.rel .LBB2_71-.Ltmp57, $2  }
0x387: {  	_ =	sdelay $0x2  }
0x388: {  	s21 =	smov.u32 s20  }
.LBB2_9:
.Ltmp58:
0x389: {  	(pc) =	sbr.rel .LBB2_11-.Ltmp58, $2  }
0x38a: {  	_ =	sdelay $0x2  }
0x38b: {  	s21 =	smov.u32 s20  }
.LBB2_29:
.Ltmp59:
0x38c: {  	(pc) =	sbr.rel .LBB2_31-.Ltmp59, $2  }
0x38d: {  	_ =	sdelay $0x2  }
0x38e: {  	s21 =	smov.u32 s20  }
.LBB2_49:
.Ltmp60:
0x38f: {  	(pc) =	sbr.rel .LBB2_51-.Ltmp60, $2  }
0x390: {  	_ =	sdelay $0x2  }
0x391: {  	s21 =	smov.u32 s20  }
.LBB2_69:
.Ltmp61:
0x392: {  	(pc) =	sbr.rel .LBB2_71-.Ltmp61, $2  }
0x393: {  	_ =	sdelay $0x2  }
0x394: {  	s21 =	smov.u32 s20  }
.LBB2_82:
0x395: {  	_ =	sfence.sel $0x180000  }
0x396: {  	[bflag:$0x0] =	sbarrier.arrive $0xFFFF  }
0x397: {  	_ =	strace $0x90000047  }
0x398: {  	s0 =	stileid.u32;
	[bflag:$0x2] =	sbarrier.arrive $0xFFFF  }
0x399: {  	p0 =	sne.s32 s0, $0x0;
	s0 =	rddreg [dreg:$0x2]  }
0x39a: {  	s0 =	sadd.s32 @!p0 $0x100000, s0  }
0x39b: {  	[sflag:s0] =	ssyncadd.tile.s32 @!p0 $0x1;
	_ =	shalt  }
.Lfunc_end2:
_tile_overlayer_lowered:
.L_overlay_start_2:
0x39c: {  	(tag) =	ssettag $0x2  }
0x39d: {  	s0 =	rddreg [dreg:$0x0];
	s2 =	stileid.u32  }
0x39e: {  	s1 =	rddreg [dreg:$0x1];
	p0 =	sne.s32 s2, $0x0  }
0x39f: {  	s3 =	rddreg [dreg:$0x2];
	[bflag:$0x3] =	sbarrier.arrive $0xFFFF;
	s2 =	simm.s32 @!p0 $0x1C01  }
0x3a0: {  	[timem:s3], [sflag:s2] =	dma.local @!p0 [hbm:s0], s1  }
0x3a1: {  	s0 =	simm.s32 @!p0 $0x1  }
0x3a2: {  	_ =	swait.ge @!p0 [sflag:s0], s1  }
0x3a3: {  	s1 =	ssub.s32 @!p0 $0x0, s1;
	[sflag:s0] =	ssyncset.done @!p0 $0x0  }
0x3a4: {  	[sflag:s0] =	ssyncadd.s32 @!p0 s1  }
0x3a5: {  	[bflag:$0x3] =	sbarrier.arrive $0xFFFF  }
0x3a6: {  	_ =	shalt  }

</sc_bundles>
